<compile_context>
chip_gen: v7x
topology: tpu7x:2x2x1
jax: 0.10.2.dev20260603
libtpu: 0.0.44.dev20260713+nightly
codegen_flags: <defaults>
</compile_context>

<pallas_src>
import dataclasses
import functools

import jax
import jax.numpy as jnp
from jax import lax
from jax.experimental import pallas as pl
from jax.experimental.pallas import tpu as pltpu
from jax.experimental.pallas import tpu_sc as plsc

N = 10000
E = 320000
H = 128
ED = 16
PD = 3
L = 3

NC = 2
NS = 16
NW = NC * NS
EPW = E // NW
C = 80
NCH = EPW // C
NPAD = 10240
RPS = NPAD // NS

def _sc_mesh():
    return plsc.VectorSubcoreMesh(core_axis_name="c", subcore_axis_name="s",
                                  num_cores=NC, num_subcores=NS)


def _no_layout_params():
    cp = pltpu.CompilerParams()
    if "needs_layout_passes" in pltpu.CompilerParams.__dataclass_fields__:
        cp = dataclasses.replace(cp, needs_layout_passes=False)
    return cp


def _gather2(table_a, table_b, src3, dst3):

    @functools.partial(
        pl.kernel,
        out_type=(
            jax.ShapeDtypeStruct((E, H), jnp.float32),
            jax.ShapeDtypeStruct((E, H), jnp.float32),
        ),
        mesh=_sc_mesh(),
        scratch_types=[
            pltpu.VMEM((NCH, C), jnp.int32),
            pltpu.VMEM((NCH, C), jnp.int32),
            pltpu.VMEM((C, H), jnp.float32),
            pltpu.VMEM((C, H), jnp.float32),
            pltpu.SemaphoreType.DMA,
            pltpu.SemaphoreType.DMA,
        ],
    )
    def k(a_hbm, b_hbm, s_hbm, d_hbm, gs_hbm, gd_hbm, sidx, didx, bufa, bufb,
          sema, semb):
        wid = lax.axis_index("s") * NC + lax.axis_index("c")
        base = wid * EPW
        pltpu.sync_copy(s_hbm.at[wid], sidx)
        pltpu.sync_copy(d_hbm.at[wid], didx)

        @pl.loop(0, NCH)
        def _(j):
            ca = pltpu.async_copy(a_hbm.at[sidx.at[j]], bufa, sema)
            cb = pltpu.async_copy(b_hbm.at[didx.at[j]], bufb, semb)
            ca.wait()
            cb.wait()
            pltpu.sync_copy(bufa, gs_hbm.at[pl.ds(base + j * C, C)])
            pltpu.sync_copy(bufb, gd_hbm.at[pl.ds(base + j * C, C)])

    return k(table_a, table_b, src3, dst3)


def _pos_d2(posx, posy, posz, src3, dst3):

    @functools.partial(
        pl.kernel,
        out_type=jax.ShapeDtypeStruct((NW, NCH, C), jnp.float32),
        mesh=_sc_mesh(),
        scratch_types=[
            pltpu.VMEM((N,), jnp.float32),
            pltpu.VMEM((N,), jnp.float32),
            pltpu.VMEM((N,), jnp.float32),
            pltpu.VMEM((NCH, C), jnp.int32),
            pltpu.VMEM((NCH, C), jnp.int32),
            pltpu.VMEM((NCH, C), jnp.float32),
        ],
        compiler_params=_no_layout_params(),
    )
    def k(px_hbm, py_hbm, pz_hbm, s_hbm, d_hbm, d2_hbm, px, py, pz, sidx,
          didx, d2b):
        wid = lax.axis_index("s") * NC + lax.axis_index("c")
        pltpu.sync_copy(px_hbm, px)
        pltpu.sync_copy(py_hbm, py)
        pltpu.sync_copy(pz_hbm, pz)
        pltpu.sync_copy(s_hbm.at[wid], sidx)
        pltpu.sync_copy(d_hbm.at[wid], didx)

        @pl.loop(0, NCH)
        def _(j):
            @pl.loop(0, C, step=16)
            def _(i):
                si = sidx[j, pl.ds(i, 16)]
                di = didx[j, pl.ds(i, 16)]
                dx = plsc.load_gather(px, [si]) - plsc.load_gather(px, [di])
                dy = plsc.load_gather(py, [si]) - plsc.load_gather(py, [di])
                dz = plsc.load_gather(pz, [si]) - plsc.load_gather(pz, [di])
                d2b[j, pl.ds(i, 16)] = dx * dx + dy * dy + dz * dz

        pltpu.sync_copy(d2b, d2_hbm.at[wid])

    return k(posx, posy, posz, src3, dst3)


def _segment_sum(m, dst3, zeros):

    @functools.partial(
        pl.kernel,
        out_type=jax.ShapeDtypeStruct((NC, NPAD, H), jnp.float32),
        mesh=_sc_mesh(),
        scratch_types=[
            pltpu.VMEM((NCH, C), jnp.int32),
            pltpu.VMEM((C, H), jnp.float32),
            pltpu.VMEM_SHARED((NPAD, H), jnp.float32),
            pltpu.SemaphoreType.DMA,
        ],
    )
    def k(m_hbm, d_hbm, z_hbm, out_hbm, didx, buf, acc, sem):
        cid = lax.axis_index("c")
        sid = lax.axis_index("s")
        wid = sid * NC + cid
        base = wid * EPW
        pltpu.sync_copy(z_hbm.at[pl.ds(sid * RPS, RPS)],
                        acc.at[pl.ds(sid * RPS, RPS)])
        pltpu.sync_copy(d_hbm.at[wid], didx)
        plsc.subcore_barrier()

        @pl.loop(0, NCH)
        def _(j):
            pltpu.async_copy(m_hbm.at[pl.ds(base + j * C, C)], buf, sem).wait()
            pltpu.sync_copy(buf, acc.at[didx.at[j]], add=True)

        plsc.subcore_barrier()
        pltpu.sync_copy(acc.at[pl.ds(sid * RPS, RPS)],
                        out_hbm.at[cid, pl.ds(sid * RPS, RPS)])

    return k(m, dst3, zeros)


def _silu(x):
    return x * jax.nn.sigmoid(x)


def _dot(a, b):
    return jnp.dot(a, b, preferred_element_type=jnp.float32,
                   precision=jax.lax.Precision.HIGHEST)


EBLK = 1000
NBLK = 2000


EF = 32


def _edge_mlp(gs, gd, f, wf, be1, we2, be2):

    def body(gs_r, gd_r, f_r, wf_r, be1_r, we2_r, be2_r, o_r):
        pre = gs_r[...] + gd_r[...] + _dot(f_r[...], wf_r[...]) + be1_r[...]
        t = _silu(pre)
        o_r[...] = _silu(_dot(t, we2_r[...]) + be2_r[...])

    grid = (E // EBLK,)
    return pl.pallas_call(
        body,
        grid=grid,
        in_specs=[
            pl.BlockSpec((EBLK, H), lambda i: (i, 0)),
            pl.BlockSpec((EBLK, H), lambda i: (i, 0)),
            pl.BlockSpec((EBLK, EF), lambda i: (i, 0)),
            pl.BlockSpec((EF, H), lambda i: (0, 0)),
            pl.BlockSpec((1, H), lambda i: (0, 0)),
            pl.BlockSpec((H, H), lambda i: (0, 0)),
            pl.BlockSpec((1, H), lambda i: (0, 0)),
        ],
        out_specs=pl.BlockSpec((EBLK, H), lambda i: (i, 0)),
        out_shape=jax.ShapeDtypeStruct((E, H), jnp.float32),
    )(gs, gd, f, wf, be1, we2, be2)


def _node_mlp(h, parts, wn1a, wn1b, bn1, wn2, bn2, wa_next, wb_next):
    with_proj = wa_next is not None

    def body(*refs):
        if with_proj:
            (h_r, p_r, wn1a_r, wn1b_r, bn1_r, wn2_r, bn2_r, wa_r, wb_r,
             h_o, a_o, b_o) = refs
        else:
            h_r, p_r, wn1a_r, wn1b_r, bn1_r, wn2_r, bn2_r, h_o = refs
        agg = p_r[0] + p_r[1]
        u = _silu(_dot(h_r[...], wn1a_r[...]) + _dot(agg, wn1b_r[...])
                  + bn1_r[...])
        hn = _dot(u, wn2_r[...]) + bn2_r[...]
        h_o[...] = hn
        if with_proj:
            a_o[...] = _dot(hn, wa_r[...])
            b_o[...] = _dot(hn, wb_r[...])

    grid = (N // NBLK,)
    in_specs = [
        pl.BlockSpec((NBLK, H), lambda i: (i, 0)),
        pl.BlockSpec((NC, NBLK, H), lambda i: (0, i, 0)),
        pl.BlockSpec((H, H), lambda i: (0, 0)),
        pl.BlockSpec((H, H), lambda i: (0, 0)),
        pl.BlockSpec((1, H), lambda i: (0, 0)),
        pl.BlockSpec((H, H), lambda i: (0, 0)),
        pl.BlockSpec((1, H), lambda i: (0, 0)),
    ]
    args = [h, parts, wn1a, wn1b, bn1, wn2, bn2]
    sd = jax.ShapeDtypeStruct((N, H), jnp.float32)
    if with_proj:
        in_specs += [pl.BlockSpec((H, H), lambda i: (0, 0))] * 2
        args += [wa_next, wb_next]
        out_shape = (sd, sd, sd)
        out_specs = tuple(pl.BlockSpec((NBLK, H), lambda i: (i, 0))
                          for _ in range(3))
    else:
        out_shape = sd
        out_specs = pl.BlockSpec((NBLK, H), lambda i: (i, 0))
    return pl.pallas_call(
        body, grid=grid, in_specs=in_specs, out_specs=out_specs,
        out_shape=out_shape,
    )(*args)


def _proj0(x, wa, wb):
    def body(x_r, wa_r, wb_r, a_o, b_o):
        a_o[...] = _dot(x_r[...], wa_r[...])
        b_o[...] = _dot(x_r[...], wb_r[...])

    sd = jax.ShapeDtypeStruct((N, H), jnp.float32)
    return pl.pallas_call(
        body,
        grid=(N // NBLK,),
        in_specs=[
            pl.BlockSpec((NBLK, H), lambda i: (i, 0)),
            pl.BlockSpec((H, H), lambda i: (0, 0)),
            pl.BlockSpec((H, H), lambda i: (0, 0)),
        ],
        out_specs=(pl.BlockSpec((NBLK, H), lambda i: (i, 0)),
                   pl.BlockSpec((NBLK, H), lambda i: (i, 0))),
        out_shape=(sd, sd),
    )(x, wa, wb)


def kernel(x, pos, edge_index, edge_attr, We1, be1, We2, be2, Wn1, bn1, Wn2,
           bn2):
    Wa = We1[:, 0:H, :]
    Wb = We1[:, H:2 * H, :]
    wd = We1[:, 2 * H, :].reshape(L, 1, H)
    Wea = We1[:, 2 * H + 1:, :]
    Wn1a = Wn1[:, :H, :]
    Wn1b = Wn1[:, H:, :]
    be1r = be1.reshape(L, 1, H)
    be2r = be2.reshape(L, 1, H)
    bn1r = bn1.reshape(L, 1, H)
    bn2r = bn2.reshape(L, 1, H)

    src1 = edge_index[0]
    dst1 = edge_index[1]
    src3 = src1.reshape(NW, NCH, C)
    dst3 = dst1.reshape(NW, NCH, C)
    zeros = jnp.zeros((NPAD, H), jnp.float32)

    d2 = _pos_d2(pos[:, 0], pos[:, 1], pos[:, 2], src3, dst3).reshape(E)
    f = jnp.concatenate(
        [edge_attr, d2[:, None],
         jnp.zeros((E, EF - ED - 1), jnp.float32)], axis=1)
    wf = jnp.concatenate(
        [Wea, wd, jnp.zeros((L, EF - ED - 1, H), jnp.float32)], axis=1)

    h = x
    A, B = _proj0(x, Wa[0], Wb[0])
    for l in range(L):
        gs, gd = _gather2(A, B, src3, dst3)
        m = _edge_mlp(gs, gd, f, wf[l], be1r[l], We2[l], be2r[l])
        parts = _segment_sum(m, dst3, zeros)
        if l < L - 1:
            h, A, B = _node_mlp(h, parts, Wn1a[l], Wn1b[l], bn1r[l], Wn2[l],
                                bn2r[l], Wa[l + 1], Wb[l + 1])
        else:
            h = _node_mlp(h, parts, Wn1a[l], Wn1b[l], bn1r[l], Wn2[l],
                          bn2r[l], None, None)
    return (h, pos)

# --- scband reference (transcript-rebuilt; emitter-appended) ---
"""Pipeline reference for scband-encoder-9216999817313 (READ-ONLY COPY).

The authoritative reference and input builder live on the scoring server;
editing this copy changes nothing except your own understanding.
"""

import jax, jax.numpy as jnp
import numpy as np

N = 10000
E = 320000
IN = 128
H = 128
L = 3
ED = 16
PD = 3


def setup_inputs(seed: int = 0) -> dict:
    key = jax.random.key(seed)
    ks = jax.random.split(key, 10)
    x = jax.random.normal(ks[0], (N, IN), dtype=jnp.float32)
    pos = jax.random.normal(ks[1], (N, PD), dtype=jnp.float32)
    edge_index = jax.random.randint(ks[2], (2, E), 0, N, dtype=jnp.int32)
    edge_attr = jax.random.normal(ks[3], (E, ED), dtype=jnp.float32)
    # EGNN parameters per layer (in_channels == hidden_channels so shapes are uniform; stacked over L)
    e_in = 2 * H + 1 + ED  # [h_i, h_j, ||pos_i - pos_j||^2, edge_attr]
    We1 = jax.random.normal(ks[4], (L, e_in, H), dtype=jnp.float32) * (1.0 / np.sqrt(e_in))
    be1 = jnp.zeros((L, H), dtype=jnp.float32)
    We2 = jax.random.normal(ks[5], (L, H, H), dtype=jnp.float32) * (1.0 / np.sqrt(H))
    be2 = jnp.zeros((L, H), dtype=jnp.float32)
    Wn1 = jax.random.normal(ks[6], (L, 2 * H, H), dtype=jnp.float32) * (1.0 / np.sqrt(2 * H))
    bn1 = jnp.zeros((L, H), dtype=jnp.float32)
    Wn2 = jax.random.normal(ks[7], (L, H, H), dtype=jnp.float32) * (1.0 / np.sqrt(H))
    bn2 = jnp.zeros((L, H), dtype=jnp.float32)
    return {"x": x, "pos": pos, "edge_index": edge_index, "edge_attr": edge_attr,
            "We1": We1, "be1": be1, "We2": We2, "be2": be2,
            "Wn1": Wn1, "bn1": bn1, "Wn2": Wn2, "bn2": bn2}


def reference(x, pos, edge_index, edge_attr, We1, be1, We2, be2, Wn1, bn1, Wn2, bn2):
    # Encoder with skip_connection=False, update_pos=False: a stack of L EGNN layers.
    src = edge_index[0]
    dst = edge_index[1]
    h = x
    rel = pos[src] - pos[dst]
    d2 = jnp.sum(rel * rel, axis=-1, keepdims=True)
    for l in range(L):
        # edge model: phi_e(h_j, h_i, ||x_i - x_j||^2, edge_attr)
        edge_in = jnp.concatenate([h[src], h[dst], d2, edge_attr], axis=-1)
        m = jax.nn.silu(edge_in @ We1[l] + be1[l])
        m = jax.nn.silu(m @ We2[l] + be2[l])
        # aggregate messages at destination nodes (scatter-add)
        agg = jax.ops.segment_sum(m, dst, num_segments=N)
        # node model: phi_h(h_i, m_i)
        node_in = jnp.concatenate([h, agg], axis=-1)
        h = jax.nn.silu(node_in @ Wn1[l] + bn1[l]) @ Wn2[l] + bn2[l]
    return (h, pos)

if __name__ == "__main__":
    import jax
    _d = setup_inputs()
    print(jax.jit(kernel)(*tuple(_d.values())))

</pallas_src>

<mosaic_0001>
#map = affine_map<(d0, d1) -> (0, 0)>
#map1 = affine_map<(d0, d1) -> (0, 0, 0)>
module attributes {stable_mosaic.version = 14 : i64} {
  func.func @k(%arg0: i32, %arg1: i32, %arg2: memref<10000x128xf32, #tpu.memory_space<hbm>>, %arg3: memref<10000x128xf32, #tpu.memory_space<hbm>>, %arg4: memref<32x125x80xi32, #tpu.memory_space<hbm>>, %arg5: memref<32x125x80xi32, #tpu.memory_space<hbm>>, %arg6: memref<320000x128xf32, #tpu.memory_space<hbm>>, %arg7: memref<320000x128xf32, #tpu.memory_space<hbm>>, %arg8: memref<125x80xi32, #tpu.memory_space<vmem>>, %arg9: memref<125x80xi32, #tpu.memory_space<vmem>>, %arg10: memref<80x128xf32, #tpu.memory_space<vmem>>, %arg11: memref<80x128xf32, #tpu.memory_space<vmem>>, %arg12: memref<!tpu.dma_semaphore, #tpu.memory_space<semaphore_mem>>, %arg13: memref<!tpu.dma_semaphore, #tpu.memory_space<semaphore_mem>>) attributes {dimension_semantics = [#tpu.dimension_semantics<core_parallel>, #tpu.dimension_semantics<subcore_parallel>], iteration_bounds = array<i64: 2, 16>, scalar_prefetch = 0 : i64, scratch_operands = 6 : i64, tpu.core_type = #tpu.core_type<sc_vector_subcore>, window_params = [{transform_indices = #map}, {transform_indices = #map}, {transform_indices = #map1}, {transform_indices = #map1}, {transform_indices = #map}, {transform_indices = #map}]} {
    %mul3A = arith.constant 2 : i32
    %mul3A_0 = arith.muli %arg1, %mul3A : i32
    %add3A = arith.addi %mul3A_0, %arg0 : i32
    %mul3A_1 = arith.constant 10000 : i32
    %mul3A_2 = arith.muli %add3A, %mul3A_1 : i32
    "tpu.region"() ({
      %run_scoped3A = tpu.sem_alloc : memref<!tpu.dma_semaphore, #tpu.memory_space<semaphore_mem>>
      %dma_start3A = arith.constant 0 : i32
      %dma_start3A_7 = arith.constant 0 : i32
      %dma_start3A_8 = tpu.memref_slice %arg4[%add3A, %dma_start3A, %dma_start3A_7] : memref<32x125x80xi32, #tpu.memory_space<hbm>> -> memref<1x125x80xi32, #tpu.memory_space<hbm>>
      %dma_start3A_9 = tpu.memref_squeeze %dma_start3A_8 : memref<1x125x80xi32, #tpu.memory_space<hbm>> -> memref<125x80xi32, #tpu.memory_space<hbm>>
      %dma_start3A_10 = arith.constant 0 : i32
      %dma_start3A_11 = arith.constant 0 : i32
      %dma_start3A_12 = tpu.memref_slice %arg4[%add3A, %dma_start3A_10, %dma_start3A_11] : memref<32x125x80xi32, #tpu.memory_space<hbm>> -> memref<1x125x80xi32, #tpu.memory_space<hbm>>
      %dma_start3A_13 = tpu.memref_squeeze %dma_start3A_12 : memref<1x125x80xi32, #tpu.memory_space<hbm>> -> memref<125x80xi32, #tpu.memory_space<hbm>>
      tpu.enqueue_dma source(%dma_start3A_13 : memref<125x80xi32, #tpu.memory_space<hbm>>) target(%arg8 : memref<125x80xi32, #tpu.memory_space<vmem>>) target_semaphore(%run_scoped3A : memref<!tpu.dma_semaphore, #tpu.memory_space<semaphore_mem>>)
      %dma_wait3A = arith.constant 0 : i32
      %dma_wait3A_14 = arith.constant 0 : i32
      %dma_wait3A_15 = tpu.memref_slice %arg4[%add3A, %dma_wait3A, %dma_wait3A_14] : memref<32x125x80xi32, #tpu.memory_space<hbm>> -> memref<1x125x80xi32, #tpu.memory_space<hbm>>
      %dma_wait3A_16 = tpu.memref_squeeze %dma_wait3A_15 : memref<1x125x80xi32, #tpu.memory_space<hbm>> -> memref<125x80xi32, #tpu.memory_space<hbm>>
      %dma_wait3A_17 = arith.constant 0 : i32
      %dma_wait3A_18 = arith.constant 0 : i32
      %dma_wait3A_19 = tpu.memref_slice %arg4[%add3A, %dma_wait3A_17, %dma_wait3A_18] : memref<32x125x80xi32, #tpu.memory_space<hbm>> -> memref<1x125x80xi32, #tpu.memory_space<hbm>>
      %dma_wait3A_20 = tpu.memref_squeeze %dma_wait3A_19 : memref<1x125x80xi32, #tpu.memory_space<hbm>> -> memref<125x80xi32, #tpu.memory_space<hbm>>
      tpu.wait_dma2 semaphore(%run_scoped3A : memref<!tpu.dma_semaphore, #tpu.memory_space<semaphore_mem>>) src(%dma_wait3A_20 : memref<125x80xi32, #tpu.memory_space<hbm>>) dst(%arg8 : memref<125x80xi32, #tpu.memory_space<vmem>>)
      tpu.yield
    }) : () -> ()
    "tpu.region"() ({
      %run_scoped3A = tpu.sem_alloc : memref<!tpu.dma_semaphore, #tpu.memory_space<semaphore_mem>>
      %dma_start3A = arith.constant 0 : i32
      %dma_start3A_7 = arith.constant 0 : i32
      %dma_start3A_8 = tpu.memref_slice %arg5[%add3A, %dma_start3A, %dma_start3A_7] : memref<32x125x80xi32, #tpu.memory_space<hbm>> -> memref<1x125x80xi32, #tpu.memory_space<hbm>>
      %dma_start3A_9 = tpu.memref_squeeze %dma_start3A_8 : memref<1x125x80xi32, #tpu.memory_space<hbm>> -> memref<125x80xi32, #tpu.memory_space<hbm>>
      %dma_start3A_10 = arith.constant 0 : i32
      %dma_start3A_11 = arith.constant 0 : i32
      %dma_start3A_12 = tpu.memref_slice %arg5[%add3A, %dma_start3A_10, %dma_start3A_11] : memref<32x125x80xi32, #tpu.memory_space<hbm>> -> memref<1x125x80xi32, #tpu.memory_space<hbm>>
      %dma_start3A_13 = tpu.memref_squeeze %dma_start3A_12 : memref<1x125x80xi32, #tpu.memory_space<hbm>> -> memref<125x80xi32, #tpu.memory_space<hbm>>
      tpu.enqueue_dma source(%dma_start3A_13 : memref<125x80xi32, #tpu.memory_space<hbm>>) target(%arg9 : memref<125x80xi32, #tpu.memory_space<vmem>>) target_semaphore(%run_scoped3A : memref<!tpu.dma_semaphore, #tpu.memory_space<semaphore_mem>>)
      %dma_wait3A = arith.constant 0 : i32
      %dma_wait3A_14 = arith.constant 0 : i32
      %dma_wait3A_15 = tpu.memref_slice %arg5[%add3A, %dma_wait3A, %dma_wait3A_14] : memref<32x125x80xi32, #tpu.memory_space<hbm>> -> memref<1x125x80xi32, #tpu.memory_space<hbm>>
      %dma_wait3A_16 = tpu.memref_squeeze %dma_wait3A_15 : memref<1x125x80xi32, #tpu.memory_space<hbm>> -> memref<125x80xi32, #tpu.memory_space<hbm>>
      %dma_wait3A_17 = arith.constant 0 : i32
      %dma_wait3A_18 = arith.constant 0 : i32
      %dma_wait3A_19 = tpu.memref_slice %arg5[%add3A, %dma_wait3A_17, %dma_wait3A_18] : memref<32x125x80xi32, #tpu.memory_space<hbm>> -> memref<1x125x80xi32, #tpu.memory_space<hbm>>
      %dma_wait3A_20 = tpu.memref_squeeze %dma_wait3A_19 : memref<1x125x80xi32, #tpu.memory_space<hbm>> -> memref<125x80xi32, #tpu.memory_space<hbm>>
      tpu.wait_dma2 semaphore(%run_scoped3A : memref<!tpu.dma_semaphore, #tpu.memory_space<semaphore_mem>>) src(%dma_wait3A_20 : memref<125x80xi32, #tpu.memory_space<hbm>>) dst(%arg9 : memref<125x80xi32, #tpu.memory_space<vmem>>)
      tpu.yield
    }) : () -> ()
    %scan3A = arith.constant 0 : i32
    %scan3A_3 = arith.constant 125 : i32
    %scan3A_4 = arith.addi %scan3A, %scan3A_3 : i32
    %scan3A_5 = arith.constant 1 : i32
    scf.for %scan3A_7 = %scan3A to %scan3A_4 step %scan3A_5  : i32 {
      %mul3A_8 = arith.constant 1 : i32
      %mul3A_9 = arith.muli %scan3A_7, %mul3A_8 : i32
      %add3A_10 = arith.constant 0 : i32
      %add3A_11 = arith.addi %add3A_10, %mul3A_9 : i32
      %dma_start3A = arith.constant 0 : i32
      %dma_start3A_12 = tpu.memref_slice %arg8[%add3A_11, %dma_start3A] : memref<125x80xi32, #tpu.memory_space<vmem>> -> memref<1x80xi32, #tpu.memory_space<vmem>>
      %dma_start3A_13 = tpu.memref_squeeze %dma_start3A_12 : memref<1x80xi32, #tpu.memory_space<vmem>> -> memref<80xi32, #tpu.memory_space<vmem>>
      %dma_start3A_14 = arith.constant 0 : i32
      %dma_start3A_15 = arith.constant 0 : i32
      %dma_start3A_16 = tpu.memref_slice %arg2[%dma_start3A_14, %dma_start3A_15] : memref<10000x128xf32, #tpu.memory_space<hbm>> -> memref<10000x128xf32, #tpu.memory_space<hbm>>
      tpu.enqueue_indirect_dma source(%dma_start3A_16 : memref<10000x128xf32, #tpu.memory_space<hbm>>) target(%arg10 : memref<80x128xf32, #tpu.memory_space<vmem>>) offsets(%dma_start3A_13 : memref<80xi32, #tpu.memory_space<vmem>>) semaphore(%arg12 : memref<!tpu.dma_semaphore, #tpu.memory_space<semaphore_mem>>)
      %dma_start3A_17 = arith.constant 0 : i32
      %dma_start3A_18 = tpu.memref_slice %arg9[%add3A_11, %dma_start3A_17] : memref<125x80xi32, #tpu.memory_space<vmem>> -> memref<1x80xi32, #tpu.memory_space<vmem>>
      %dma_start3A_19 = tpu.memref_squeeze %dma_start3A_18 : memref<1x80xi32, #tpu.memory_space<vmem>> -> memref<80xi32, #tpu.memory_space<vmem>>
      %dma_start3A_20 = arith.constant 0 : i32
      %dma_start3A_21 = arith.constant 0 : i32
      %dma_start3A_22 = tpu.memref_slice %arg3[%dma_start3A_20, %dma_start3A_21] : memref<10000x128xf32, #tpu.memory_space<hbm>> -> memref<10000x128xf32, #tpu.memory_space<hbm>>
      tpu.enqueue_indirect_dma source(%dma_start3A_22 : memref<10000x128xf32, #tpu.memory_space<hbm>>) target(%arg11 : memref<80x128xf32, #tpu.memory_space<vmem>>) offsets(%dma_start3A_19 : memref<80xi32, #tpu.memory_space<vmem>>) semaphore(%arg13 : memref<!tpu.dma_semaphore, #tpu.memory_space<semaphore_mem>>)
      %dma_wait3A = arith.constant 0 : i32
      %dma_wait3A_23 = tpu.memref_slice %arg8[%add3A_11, %dma_wait3A] : memref<125x80xi32, #tpu.memory_space<vmem>> -> memref<1x80xi32, #tpu.memory_space<vmem>>
      %dma_wait3A_24 = tpu.memref_squeeze %dma_wait3A_23 : memref<1x80xi32, #tpu.memory_space<vmem>> -> memref<80xi32, #tpu.memory_space<vmem>>
      %dma_wait3A_25 = arith.constant 0 : i32
      %dma_wait3A_26 = arith.constant 0 : i32
      %dma_wait3A_27 = tpu.memref_slice %arg2[%dma_wait3A_25, %dma_wait3A_26] : memref<10000x128xf32, #tpu.memory_space<hbm>> -> memref<10000x128xf32, #tpu.memory_space<hbm>>
      tpu.wait_indirect_dma semaphore(%arg12 : memref<!tpu.dma_semaphore, #tpu.memory_space<semaphore_mem>>) src(%dma_wait3A_27 : memref<10000x128xf32, #tpu.memory_space<hbm>>) dst(%arg10 : memref<80x128xf32, #tpu.memory_space<vmem>>)
      %dma_wait3A_28 = arith.constant 0 : i32
      %dma_wait3A_29 = tpu.memref_slice %arg9[%add3A_11, %dma_wait3A_28] : memref<125x80xi32, #tpu.memory_space<vmem>> -> memref<1x80xi32, #tpu.memory_space<vmem>>
      %dma_wait3A_30 = tpu.memref_squeeze %dma_wait3A_29 : memref<1x80xi32, #tpu.memory_space<vmem>> -> memref<80xi32, #tpu.memory_space<vmem>>
      %dma_wait3A_31 = arith.constant 0 : i32
      %dma_wait3A_32 = arith.constant 0 : i32
      %dma_wait3A_33 = tpu.memref_slice %arg3[%dma_wait3A_31, %dma_wait3A_32] : memref<10000x128xf32, #tpu.memory_space<hbm>> -> memref<10000x128xf32, #tpu.memory_space<hbm>>
      tpu.wait_indirect_dma semaphore(%arg13 : memref<!tpu.dma_semaphore, #tpu.memory_space<semaphore_mem>>) src(%dma_wait3A_33 : memref<10000x128xf32, #tpu.memory_space<hbm>>) dst(%arg11 : memref<80x128xf32, #tpu.memory_space<vmem>>)
      %mul3A_34 = arith.constant 80 : i32
      %mul3A_35 = arith.muli %add3A_11, %mul3A_34 : i32
      %add3A_36 = arith.addi %mul3A_2, %mul3A_35 : i32
      "tpu.region"() ({
        %run_scoped3A = tpu.sem_alloc : memref<!tpu.dma_semaphore, #tpu.memory_space<semaphore_mem>>
        %dma_start3A_40 = arith.constant 0 : i32
        %dma_start3A_41 = tpu.memref_slice %arg6[%add3A_36, %dma_start3A_40] : memref<320000x128xf32, #tpu.memory_space<hbm>> -> memref<80x128xf32, #tpu.memory_space<hbm>>
        %dma_start3A_42 = arith.constant 0 : i32
        %dma_start3A_43 = tpu.memref_slice %arg6[%add3A_36, %dma_start3A_42] : memref<320000x128xf32, #tpu.memory_space<hbm>> -> memref<80x128xf32, #tpu.memory_space<hbm>>
        tpu.enqueue_dma source(%arg10 : memref<80x128xf32, #tpu.memory_space<vmem>>) target(%dma_start3A_43 : memref<80x128xf32, #tpu.memory_space<hbm>>) target_semaphore(%run_scoped3A : memref<!tpu.dma_semaphore, #tpu.memory_space<semaphore_mem>>)
        %dma_wait3A_44 = arith.constant 0 : i32
        %dma_wait3A_45 = tpu.memref_slice %arg6[%add3A_36, %dma_wait3A_44] : memref<320000x128xf32, #tpu.memory_space<hbm>> -> memref<80x128xf32, #tpu.memory_space<hbm>>
        %dma_wait3A_46 = arith.constant 0 : i32
        %dma_wait3A_47 = tpu.memref_slice %arg6[%add3A_36, %dma_wait3A_46] : memref<320000x128xf32, #tpu.memory_space<hbm>> -> memref<80x128xf32, #tpu.memory_space<hbm>>
        tpu.wait_dma2 semaphore(%run_scoped3A : memref<!tpu.dma_semaphore, #tpu.memory_space<semaphore_mem>>) src(%arg10 : memref<80x128xf32, #tpu.memory_space<vmem>>) dst(%dma_wait3A_47 : memref<80x128xf32, #tpu.memory_space<hbm>>)
        tpu.yield
      }) : () -> ()
      %mul3A_37 = arith.constant 80 : i32
      %mul3A_38 = arith.muli %add3A_11, %mul3A_37 : i32
      %add3A_39 = arith.addi %mul3A_2, %mul3A_38 : i32
      "tpu.region"() ({
        %run_scoped3A = tpu.sem_alloc : memref<!tpu.dma_semaphore, #tpu.memory_space<semaphore_mem>>
        %dma_start3A_40 = arith.constant 0 : i32
        %dma_start3A_41 = tpu.memref_slice %arg7[%add3A_39, %dma_start3A_40] : memref<320000x128xf32, #tpu.memory_space<hbm>> -> memref<80x128xf32, #tpu.memory_space<hbm>>
        %dma_start3A_42 = arith.constant 0 : i32
        %dma_start3A_43 = tpu.memref_slice %arg7[%add3A_39, %dma_start3A_42] : memref<320000x128xf32, #tpu.memory_space<hbm>> -> memref<80x128xf32, #tpu.memory_space<hbm>>
        tpu.enqueue_dma source(%arg11 : memref<80x128xf32, #tpu.memory_space<vmem>>) target(%dma_start3A_43 : memref<80x128xf32, #tpu.memory_space<hbm>>) target_semaphore(%run_scoped3A : memref<!tpu.dma_semaphore, #tpu.memory_space<semaphore_mem>>)
        %dma_wait3A_44 = arith.constant 0 : i32
        %dma_wait3A_45 = tpu.memref_slice %arg7[%add3A_39, %dma_wait3A_44] : memref<320000x128xf32, #tpu.memory_space<hbm>> -> memref<80x128xf32, #tpu.memory_space<hbm>>
        %dma_wait3A_46 = arith.constant 0 : i32
        %dma_wait3A_47 = tpu.memref_slice %arg7[%add3A_39, %dma_wait3A_46] : memref<320000x128xf32, #tpu.memory_space<hbm>> -> memref<80x128xf32, #tpu.memory_space<hbm>>
        tpu.wait_dma2 semaphore(%run_scoped3A : memref<!tpu.dma_semaphore, #tpu.memory_space<semaphore_mem>>) src(%arg11 : memref<80x128xf32, #tpu.memory_space<vmem>>) dst(%dma_wait3A_47 : memref<80x128xf32, #tpu.memory_space<hbm>>)
        tpu.yield
      }) : () -> ()
    }
    %scan3A_6 = arith.constant 125 : i32
    return
  }
}

#map = affine_map<(d0, d1) -> (0, 0)>
#map1 = affine_map<(d0, d1) -> (0, 0, 0)>
module attributes {stable_mosaic.version = 14 : i64} {
  func.func @k(%arg0: i32, %arg1: i32, %arg2: memref<320000x128xf32, #tpu.memory_space<hbm>>, %arg3: memref<32x125x80xi32, #tpu.memory_space<hbm>>, %arg4: memref<10240x128xf32, #tpu.memory_space<hbm>>, %arg5: memref<2x10240x128xf32, #tpu.memory_space<hbm>>, %arg6: memref<125x80xi32, #tpu.memory_space<vmem>>, %arg7: memref<80x128xf32, #tpu.memory_space<vmem>>, %arg8: memref<10240x128xf32, #tpu.memory_space<vmem_shared>>, %arg9: memref<!tpu.dma_semaphore, #tpu.memory_space<semaphore_mem>>) attributes {dimension_semantics = [#tpu.dimension_semantics<core_parallel>, #tpu.dimension_semantics<subcore_parallel>], iteration_bounds = array<i64: 2, 16>, scalar_prefetch = 0 : i64, scratch_operands = 4 : i64, tpu.core_type = #tpu.core_type<sc_vector_subcore>, window_params = [{transform_indices = #map}, {transform_indices = #map1}, {transform_indices = #map}, {transform_indices = #map1}]} {
    %mul3A = arith.constant 2 : i32
    %mul3A_0 = arith.muli %arg1, %mul3A : i32
    %add3A = arith.addi %mul3A_0, %arg0 : i32
    %mul3A_1 = arith.constant 10000 : i32
    %mul3A_2 = arith.muli %add3A, %mul3A_1 : i32
    %mul3A_3 = arith.constant 640 : i32
    %mul3A_4 = arith.muli %arg1, %mul3A_3 : i32
    %mul3A_5 = arith.constant 640 : i32
    %mul3A_6 = arith.muli %arg1, %mul3A_5 : i32
    "tpu.region"() ({
      %run_scoped3A = tpu.sem_alloc : memref<!tpu.dma_semaphore, #tpu.memory_space<semaphore_mem>>
      %dma_start3A = arith.constant 0 : i32
      %dma_start3A_16 = tpu.memref_slice %arg8[%mul3A_6, %dma_start3A] : memref<10240x128xf32, #tpu.memory_space<vmem_shared>> -> memref<640x128xf32, #tpu.memory_space<vmem_shared>>
      %dma_start3A_17 = arith.constant 0 : i32
      %dma_start3A_18 = tpu.memref_slice %arg4[%mul3A_4, %dma_start3A_17] : memref<10240x128xf32, #tpu.memory_space<hbm>> -> memref<640x128xf32, #tpu.memory_space<hbm>>
      tpu.enqueue_dma source(%dma_start3A_18 : memref<640x128xf32, #tpu.memory_space<hbm>>) target(%dma_start3A_16 : memref<640x128xf32, #tpu.memory_space<vmem_shared>>) target_semaphore(%run_scoped3A : memref<!tpu.dma_semaphore, #tpu.memory_space<semaphore_mem>>)
      %dma_wait3A = arith.constant 0 : i32
      %dma_wait3A_19 = tpu.memref_slice %arg8[%mul3A_6, %dma_wait3A] : memref<10240x128xf32, #tpu.memory_space<vmem_shared>> -> memref<640x128xf32, #tpu.memory_space<vmem_shared>>
      %dma_wait3A_20 = arith.constant 0 : i32
      %dma_wait3A_21 = tpu.memref_slice %arg4[%mul3A_4, %dma_wait3A_20] : memref<10240x128xf32, #tpu.memory_space<hbm>> -> memref<640x128xf32, #tpu.memory_space<hbm>>
      tpu.wait_dma2 semaphore(%run_scoped3A : memref<!tpu.dma_semaphore, #tpu.memory_space<semaphore_mem>>) src(%dma_wait3A_21 : memref<640x128xf32, #tpu.memory_space<hbm>>) dst(%dma_wait3A_19 : memref<640x128xf32, #tpu.memory_space<vmem_shared>>)
      tpu.yield
    }) : () -> ()
    "tpu.region"() ({
      %run_scoped3A = tpu.sem_alloc : memref<!tpu.dma_semaphore, #tpu.memory_space<semaphore_mem>>
      %dma_start3A = arith.constant 0 : i32
      %dma_start3A_16 = arith.constant 0 : i32
      %dma_start3A_17 = tpu.memref_slice %arg3[%add3A, %dma_start3A, %dma_start3A_16] : memref<32x125x80xi32, #tpu.memory_space<hbm>> -> memref<1x125x80xi32, #tpu.memory_space<hbm>>
      %dma_start3A_18 = tpu.memref_squeeze %dma_start3A_17 : memref<1x125x80xi32, #tpu.memory_space<hbm>> -> memref<125x80xi32, #tpu.memory_space<hbm>>
      %dma_start3A_19 = arith.constant 0 : i32
      %dma_start3A_20 = arith.constant 0 : i32
      %dma_start3A_21 = tpu.memref_slice %arg3[%add3A, %dma_start3A_19, %dma_start3A_20] : memref<32x125x80xi32, #tpu.memory_space<hbm>> -> memref<1x125x80xi32, #tpu.memory_space<hbm>>
      %dma_start3A_22 = tpu.memref_squeeze %dma_start3A_21 : memref<1x125x80xi32, #tpu.memory_space<hbm>> -> memref<125x80xi32, #tpu.memory_space<hbm>>
      tpu.enqueue_dma source(%dma_start3A_22 : memref<125x80xi32, #tpu.memory_space<hbm>>) target(%arg6 : memref<125x80xi32, #tpu.memory_space<vmem>>) target_semaphore(%run_scoped3A : memref<!tpu.dma_semaphore, #tpu.memory_space<semaphore_mem>>)
      %dma_wait3A = arith.constant 0 : i32
      %dma_wait3A_23 = arith.constant 0 : i32
      %dma_wait3A_24 = tpu.memref_slice %arg3[%add3A, %dma_wait3A, %dma_wait3A_23] : memref<32x125x80xi32, #tpu.memory_space<hbm>> -> memref<1x125x80xi32, #tpu.memory_space<hbm>>
      %dma_wait3A_25 = tpu.memref_squeeze %dma_wait3A_24 : memref<1x125x80xi32, #tpu.memory_space<hbm>> -> memref<125x80xi32, #tpu.memory_space<hbm>>
      %dma_wait3A_26 = arith.constant 0 : i32
      %dma_wait3A_27 = arith.constant 0 : i32
      %dma_wait3A_28 = tpu.memref_slice %arg3[%add3A, %dma_wait3A_26, %dma_wait3A_27] : memref<32x125x80xi32, #tpu.memory_space<hbm>> -> memref<1x125x80xi32, #tpu.memory_space<hbm>>
      %dma_wait3A_29 = tpu.memref_squeeze %dma_wait3A_28 : memref<1x125x80xi32, #tpu.memory_space<hbm>> -> memref<125x80xi32, #tpu.memory_space<hbm>>
      tpu.wait_dma2 semaphore(%run_scoped3A : memref<!tpu.dma_semaphore, #tpu.memory_space<semaphore_mem>>) src(%dma_wait3A_29 : memref<125x80xi32, #tpu.memory_space<hbm>>) dst(%arg6 : memref<125x80xi32, #tpu.memory_space<vmem>>)
      tpu.yield
    }) : () -> ()
    %barrier3A = arith.constant 0 : index
    tpu.barrier barrier_id(%barrier3A)
    %scan3A = arith.constant 0 : i32
    %scan3A_7 = arith.constant 125 : i32
    %scan3A_8 = arith.addi %scan3A, %scan3A_7 : i32
    %scan3A_9 = arith.constant 1 : i32
    scf.for %scan3A_16 = %scan3A to %scan3A_8 step %scan3A_9  : i32 {
      %mul3A_17 = arith.constant 1 : i32
      %mul3A_18 = arith.muli %scan3A_16, %mul3A_17 : i32
      %add3A_19 = arith.constant 0 : i32
      %add3A_20 = arith.addi %add3A_19, %mul3A_18 : i32
      %mul3A_21 = arith.constant 80 : i32
      %mul3A_22 = arith.muli %add3A_20, %mul3A_21 : i32
      %add3A_23 = arith.addi %mul3A_2, %mul3A_22 : i32
      %dma_start3A = arith.constant 0 : i32
      %dma_start3A_24 = tpu.memref_slice %arg2[%add3A_23, %dma_start3A] : memref<320000x128xf32, #tpu.memory_space<hbm>> -> memref<80x128xf32, #tpu.memory_space<hbm>>
      %dma_start3A_25 = arith.constant 0 : i32
      %dma_start3A_26 = tpu.memref_slice %arg2[%add3A_23, %dma_start3A_25] : memref<320000x128xf32, #tpu.memory_space<hbm>> -> memref<80x128xf32, #tpu.memory_space<hbm>>
      tpu.enqueue_dma source(%dma_start3A_26 : memref<80x128xf32, #tpu.memory_space<hbm>>) target(%arg7 : memref<80x128xf32, #tpu.memory_space<vmem>>) target_semaphore(%arg9 : memref<!tpu.dma_semaphore, #tpu.memory_space<semaphore_mem>>)
      %dma_wait3A = arith.constant 0 : i32
      %dma_wait3A_27 = tpu.memref_slice %arg2[%add3A_23, %dma_wait3A] : memref<320000x128xf32, #tpu.memory_space<hbm>> -> memref<80x128xf32, #tpu.memory_space<hbm>>
      %dma_wait3A_28 = arith.constant 0 : i32
      %dma_wait3A_29 = tpu.memref_slice %arg2[%add3A_23, %dma_wait3A_28] : memref<320000x128xf32, #tpu.memory_space<hbm>> -> memref<80x128xf32, #tpu.memory_space<hbm>>
      tpu.wait_dma2 semaphore(%arg9 : memref<!tpu.dma_semaphore, #tpu.memory_space<semaphore_mem>>) src(%dma_wait3A_29 : memref<80x128xf32, #tpu.memory_space<hbm>>) dst(%arg7 : memref<80x128xf32, #tpu.memory_space<vmem>>)
      "tpu.region"() ({
        %run_scoped3A = tpu.sem_alloc : memref<!tpu.dma_semaphore, #tpu.memory_space<semaphore_mem>>
        %dma_start3A_30 = arith.constant 0 : i32
        %dma_start3A_31 = tpu.memref_slice %arg6[%add3A_20, %dma_start3A_30] : memref<125x80xi32, #tpu.memory_space<vmem>> -> memref<1x80xi32, #tpu.memory_space<vmem>>
        %dma_start3A_32 = tpu.memref_squeeze %dma_start3A_31 : memref<1x80xi32, #tpu.memory_space<vmem>> -> memref<80xi32, #tpu.memory_space<vmem>>
        %dma_start3A_33 = arith.constant 0 : i32
        %dma_start3A_34 = arith.constant 0 : i32
        %dma_start3A_35 = tpu.memref_slice %arg8[%dma_start3A_33, %dma_start3A_34] : memref<10240x128xf32, #tpu.memory_space<vmem_shared>> -> memref<10240x128xf32, #tpu.memory_space<vmem_shared>>
        tpu.enqueue_indirect_dma source(%arg7 : memref<80x128xf32, #tpu.memory_space<vmem>>) target(%dma_start3A_35 : memref<10240x128xf32, #tpu.memory_space<vmem_shared>>) offsets(%dma_start3A_32 : memref<80xi32, #tpu.memory_space<vmem>>) semaphore(%run_scoped3A : memref<!tpu.dma_semaphore, #tpu.memory_space<semaphore_mem>>) {add = true}
        %dma_wait3A_36 = arith.constant 0 : i32
        %dma_wait3A_37 = tpu.memref_slice %arg6[%add3A_20, %dma_wait3A_36] : memref<125x80xi32, #tpu.memory_space<vmem>> -> memref<1x80xi32, #tpu.memory_space<vmem>>
        %dma_wait3A_38 = tpu.memref_squeeze %dma_wait3A_37 : memref<1x80xi32, #tpu.memory_space<vmem>> -> memref<80xi32, #tpu.memory_space<vmem>>
        %dma_wait3A_39 = arith.constant 0 : i32
        %dma_wait3A_40 = arith.constant 0 : i32
        %dma_wait3A_41 = tpu.memref_slice %arg8[%dma_wait3A_39, %dma_wait3A_40] : memref<10240x128xf32, #tpu.memory_space<vmem_shared>> -> memref<10240x128xf32, #tpu.memory_space<vmem_shared>>
        tpu.wait_indirect_dma semaphore(%run_scoped3A : memref<!tpu.dma_semaphore, #tpu.memory_space<semaphore_mem>>) src(%arg7 : memref<80x128xf32, #tpu.memory_space<vmem>>) dst(%dma_wait3A_41 : memref<10240x128xf32, #tpu.memory_space<vmem_shared>>)
        tpu.yield
      }) : () -> ()
    }
    %scan3A_10 = arith.constant 125 : i32
    %barrier3A_11 = arith.constant 0 : index
    tpu.barrier barrier_id(%barrier3A_11)
    %mul3A_12 = arith.constant 640 : i32
    %mul3A_13 = arith.muli %arg1, %mul3A_12 : i32
    %mul3A_14 = arith.constant 640 : i32
    %mul3A_15 = arith.muli %arg1, %mul3A_14 : i32
    "tpu.region"() ({
      %run_scoped3A = tpu.sem_alloc : memref<!tpu.dma_semaphore, #tpu.memory_space<semaphore_mem>>
      %dma_start3A = arith.constant 0 : i32
      %dma_start3A_16 = tpu.memref_slice %arg5[%arg0, %mul3A_15, %dma_start3A] : memref<2x10240x128xf32, #tpu.memory_space<hbm>> -> memref<1x640x128xf32, #tpu.memory_space<hbm>>
      %dma_start3A_17 = tpu.memref_squeeze %dma_start3A_16 : memref<1x640x128xf32, #tpu.memory_space<hbm>> -> memref<640x128xf32, #tpu.memory_space<hbm>>
      %dma_start3A_18 = arith.constant 0 : i32
      %dma_start3A_19 = tpu.memref_slice %arg8[%mul3A_13, %dma_start3A_18] : memref<10240x128xf32, #tpu.memory_space<vmem_shared>> -> memref<640x128xf32, #tpu.memory_space<vmem_shared>>
      tpu.enqueue_dma source(%dma_start3A_19 : memref<640x128xf32, #tpu.memory_space<vmem_shared>>) target(%dma_start3A_17 : memref<640x128xf32, #tpu.memory_space<hbm>>) target_semaphore(%run_scoped3A : memref<!tpu.dma_semaphore, #tpu.memory_space<semaphore_mem>>)
      %dma_wait3A = arith.constant 0 : i32
      %dma_wait3A_20 = tpu.memref_slice %arg5[%arg0, %mul3A_15, %dma_wait3A] : memref<2x10240x128xf32, #tpu.memory_space<hbm>> -> memref<1x640x128xf32, #tpu.memory_space<hbm>>
      %dma_wait3A_21 = tpu.memref_squeeze %dma_wait3A_20 : memref<1x640x128xf32, #tpu.memory_space<hbm>> -> memref<640x128xf32, #tpu.memory_space<hbm>>
      %dma_wait3A_22 = arith.constant 0 : i32
      %dma_wait3A_23 = tpu.memref_slice %arg8[%mul3A_13, %dma_wait3A_22] : memref<10240x128xf32, #tpu.memory_space<vmem_shared>> -> memref<640x128xf32, #tpu.memory_space<vmem_shared>>
      tpu.wait_dma2 semaphore(%run_scoped3A : memref<!tpu.dma_semaphore, #tpu.memory_space<semaphore_mem>>) src(%dma_wait3A_23 : memref<640x128xf32, #tpu.memory_space<vmem_shared>>) dst(%dma_wait3A_21 : memref<640x128xf32, #tpu.memory_space<hbm>>)
      tpu.yield
    }) : () -> ()
    return
  }
}

#map = affine_map<(d0, d1) -> (0)>
#map1 = affine_map<(d0, d1) -> (0, 0, 0)>
module attributes {stable_mosaic.version = 14 : i64} {
  func.func @k(%arg0: i32, %arg1: i32, %arg2: memref<10000xf32, #tpu.memory_space<hbm>>, %arg3: memref<10000xf32, #tpu.memory_space<hbm>>, %arg4: memref<10000xf32, #tpu.memory_space<hbm>>, %arg5: memref<32x125x80xi32, #tpu.memory_space<hbm>>, %arg6: memref<32x125x80xi32, #tpu.memory_space<hbm>>, %arg7: memref<32x125x80xf32, #tpu.memory_space<hbm>>, %arg8: memref<10000xf32, #tpu.memory_space<vmem>>, %arg9: memref<10000xf32, #tpu.memory_space<vmem>>, %arg10: memref<10000xf32, #tpu.memory_space<vmem>>, %arg11: memref<125x80xi32, #tpu.memory_space<vmem>>, %arg12: memref<125x80xi32, #tpu.memory_space<vmem>>, %arg13: memref<125x80xf32, #tpu.memory_space<vmem>>) attributes {dimension_semantics = [#tpu.dimension_semantics<core_parallel>, #tpu.dimension_semantics<subcore_parallel>], iteration_bounds = array<i64: 2, 16>, scalar_prefetch = 0 : i64, scratch_operands = 6 : i64, tpu.core_type = #tpu.core_type<sc_vector_subcore>, window_params = [{transform_indices = #map}, {transform_indices = #map}, {transform_indices = #map}, {transform_indices = #map1}, {transform_indices = #map1}, {transform_indices = #map1}]} {
    %mul3A = arith.constant 2 : i32
    %mul3A_0 = arith.muli %arg1, %mul3A : i32
    %add3A = arith.addi %mul3A_0, %arg0 : i32
    "tpu.region"() ({
      %run_scoped3A = tpu.sem_alloc : memref<!tpu.dma_semaphore, #tpu.memory_space<semaphore_mem>>
      tpu.enqueue_dma source(%arg2 : memref<10000xf32, #tpu.memory_space<hbm>>) target(%arg8 : memref<10000xf32, #tpu.memory_space<vmem>>) target_semaphore(%run_scoped3A : memref<!tpu.dma_semaphore, #tpu.memory_space<semaphore_mem>>)
      tpu.wait_dma2 semaphore(%run_scoped3A : memref<!tpu.dma_semaphore, #tpu.memory_space<semaphore_mem>>) src(%arg2 : memref<10000xf32, #tpu.memory_space<hbm>>) dst(%arg8 : memref<10000xf32, #tpu.memory_space<vmem>>)
      tpu.yield
    }) : () -> ()
    "tpu.region"() ({
      %run_scoped3A = tpu.sem_alloc : memref<!tpu.dma_semaphore, #tpu.memory_space<semaphore_mem>>
      tpu.enqueue_dma source(%arg3 : memref<10000xf32, #tpu.memory_space<hbm>>) target(%arg9 : memref<10000xf32, #tpu.memory_space<vmem>>) target_semaphore(%run_scoped3A : memref<!tpu.dma_semaphore, #tpu.memory_space<semaphore_mem>>)
      tpu.wait_dma2 semaphore(%run_scoped3A : memref<!tpu.dma_semaphore, #tpu.memory_space<semaphore_mem>>) src(%arg3 : memref<10000xf32, #tpu.memory_space<hbm>>) dst(%arg9 : memref<10000xf32, #tpu.memory_space<vmem>>)
      tpu.yield
    }) : () -> ()
    "tpu.region"() ({
      %run_scoped3A = tpu.sem_alloc : memref<!tpu.dma_semaphore, #tpu.memory_space<semaphore_mem>>
      tpu.enqueue_dma source(%arg4 : memref<10000xf32, #tpu.memory_space<hbm>>) target(%arg10 : memref<10000xf32, #tpu.memory_space<vmem>>) target_semaphore(%run_scoped3A : memref<!tpu.dma_semaphore, #tpu.memory_space<semaphore_mem>>)
      tpu.wait_dma2 semaphore(%run_scoped3A : memref<!tpu.dma_semaphore, #tpu.memory_space<semaphore_mem>>) src(%arg4 : memref<10000xf32, #tpu.memory_space<hbm>>) dst(%arg10 : memref<10000xf32, #tpu.memory_space<vmem>>)
      tpu.yield
    }) : () -> ()
    "tpu.region"() ({
      %run_scoped3A = tpu.sem_alloc : memref<!tpu.dma_semaphore, #tpu.memory_space<semaphore_mem>>
      %dma_start3A = arith.constant 0 : i32
      %dma_start3A_5 = arith.constant 0 : i32
      %dma_start3A_6 = tpu.memref_slice %arg5[%add3A, %dma_start3A, %dma_start3A_5] : memref<32x125x80xi32, #tpu.memory_space<hbm>> -> memref<1x125x80xi32, #tpu.memory_space<hbm>>
      %dma_start3A_7 = tpu.memref_squeeze %dma_start3A_6 : memref<1x125x80xi32, #tpu.memory_space<hbm>> -> memref<125x80xi32, #tpu.memory_space<hbm>>
      %dma_start3A_8 = arith.constant 0 : i32
      %dma_start3A_9 = arith.constant 0 : i32
      %dma_start3A_10 = tpu.memref_slice %arg5[%add3A, %dma_start3A_8, %dma_start3A_9] : memref<32x125x80xi32, #tpu.memory_space<hbm>> -> memref<1x125x80xi32, #tpu.memory_space<hbm>>
      %dma_start3A_11 = tpu.memref_squeeze %dma_start3A_10 : memref<1x125x80xi32, #tpu.memory_space<hbm>> -> memref<125x80xi32, #tpu.memory_space<hbm>>
      tpu.enqueue_dma source(%dma_start3A_11 : memref<125x80xi32, #tpu.memory_space<hbm>>) target(%arg11 : memref<125x80xi32, #tpu.memory_space<vmem>>) target_semaphore(%run_scoped3A : memref<!tpu.dma_semaphore, #tpu.memory_space<semaphore_mem>>)
      %dma_wait3A = arith.constant 0 : i32
      %dma_wait3A_12 = arith.constant 0 : i32
      %dma_wait3A_13 = tpu.memref_slice %arg5[%add3A, %dma_wait3A, %dma_wait3A_12] : memref<32x125x80xi32, #tpu.memory_space<hbm>> -> memref<1x125x80xi32, #tpu.memory_space<hbm>>
      %dma_wait3A_14 = tpu.memref_squeeze %dma_wait3A_13 : memref<1x125x80xi32, #tpu.memory_space<hbm>> -> memref<125x80xi32, #tpu.memory_space<hbm>>
      %dma_wait3A_15 = arith.constant 0 : i32
      %dma_wait3A_16 = arith.constant 0 : i32
      %dma_wait3A_17 = tpu.memref_slice %arg5[%add3A, %dma_wait3A_15, %dma_wait3A_16] : memref<32x125x80xi32, #tpu.memory_space<hbm>> -> memref<1x125x80xi32, #tpu.memory_space<hbm>>
      %dma_wait3A_18 = tpu.memref_squeeze %dma_wait3A_17 : memref<1x125x80xi32, #tpu.memory_space<hbm>> -> memref<125x80xi32, #tpu.memory_space<hbm>>
      tpu.wait_dma2 semaphore(%run_scoped3A : memref<!tpu.dma_semaphore, #tpu.memory_space<semaphore_mem>>) src(%dma_wait3A_18 : memref<125x80xi32, #tpu.memory_space<hbm>>) dst(%arg11 : memref<125x80xi32, #tpu.memory_space<vmem>>)
      tpu.yield
    }) : () -> ()
    "tpu.region"() ({
      %run_scoped3A = tpu.sem_alloc : memref<!tpu.dma_semaphore, #tpu.memory_space<semaphore_mem>>
      %dma_start3A = arith.constant 0 : i32
      %dma_start3A_5 = arith.constant 0 : i32
      %dma_start3A_6 = tpu.memref_slice %arg6[%add3A, %dma_start3A, %dma_start3A_5] : memref<32x125x80xi32, #tpu.memory_space<hbm>> -> memref<1x125x80xi32, #tpu.memory_space<hbm>>
      %dma_start3A_7 = tpu.memref_squeeze %dma_start3A_6 : memref<1x125x80xi32, #tpu.memory_space<hbm>> -> memref<125x80xi32, #tpu.memory_space<hbm>>
      %dma_start3A_8 = arith.constant 0 : i32
      %dma_start3A_9 = arith.constant 0 : i32
      %dma_start3A_10 = tpu.memref_slice %arg6[%add3A, %dma_start3A_8, %dma_start3A_9] : memref<32x125x80xi32, #tpu.memory_space<hbm>> -> memref<1x125x80xi32, #tpu.memory_space<hbm>>
      %dma_start3A_11 = tpu.memref_squeeze %dma_start3A_10 : memref<1x125x80xi32, #tpu.memory_space<hbm>> -> memref<125x80xi32, #tpu.memory_space<hbm>>
      tpu.enqueue_dma source(%dma_start3A_11 : memref<125x80xi32, #tpu.memory_space<hbm>>) target(%arg12 : memref<125x80xi32, #tpu.memory_space<vmem>>) target_semaphore(%run_scoped3A : memref<!tpu.dma_semaphore, #tpu.memory_space<semaphore_mem>>)
      %dma_wait3A = arith.constant 0 : i32
      %dma_wait3A_12 = arith.constant 0 : i32
      %dma_wait3A_13 = tpu.memref_slice %arg6[%add3A, %dma_wait3A, %dma_wait3A_12] : memref<32x125x80xi32, #tpu.memory_space<hbm>> -> memref<1x125x80xi32, #tpu.memory_space<hbm>>
      %dma_wait3A_14 = tpu.memref_squeeze %dma_wait3A_13 : memref<1x125x80xi32, #tpu.memory_space<hbm>> -> memref<125x80xi32, #tpu.memory_space<hbm>>
      %dma_wait3A_15 = arith.constant 0 : i32
      %dma_wait3A_16 = arith.constant 0 : i32
      %dma_wait3A_17 = tpu.memref_slice %arg6[%add3A, %dma_wait3A_15, %dma_wait3A_16] : memref<32x125x80xi32, #tpu.memory_space<hbm>> -> memref<1x125x80xi32, #tpu.memory_space<hbm>>
      %dma_wait3A_18 = tpu.memref_squeeze %dma_wait3A_17 : memref<1x125x80xi32, #tpu.memory_space<hbm>> -> memref<125x80xi32, #tpu.memory_space<hbm>>
      tpu.wait_dma2 semaphore(%run_scoped3A : memref<!tpu.dma_semaphore, #tpu.memory_space<semaphore_mem>>) src(%dma_wait3A_18 : memref<125x80xi32, #tpu.memory_space<hbm>>) dst(%arg12 : memref<125x80xi32, #tpu.memory_space<vmem>>)
      tpu.yield
    }) : () -> ()
    %scan3A = arith.constant 0 : i32
    %scan3A_1 = arith.constant 125 : i32
    %scan3A_2 = arith.addi %scan3A, %scan3A_1 : i32
    %scan3A_3 = arith.constant 1 : i32
    scf.for %scan3A_5 = %scan3A to %scan3A_2 step %scan3A_3  : i32 {
      %mul3A_6 = arith.constant 1 : i32
      %mul3A_7 = arith.muli %scan3A_5, %mul3A_6 : i32
      %add3A_8 = arith.constant 0 : i32
      %add3A_9 = arith.addi %add3A_8, %mul3A_7 : i32
      %scan3A_10 = arith.constant 0 : i32
      %scan3A_11 = arith.constant 5 : i32
      %scan3A_12 = arith.addi %scan3A_10, %scan3A_11 : i32
      %scan3A_13 = arith.constant 1 : i32
      scf.for %scan3A_15 = %scan3A_10 to %scan3A_12 step %scan3A_13  : i32 {
        %mul3A_16 = arith.constant 16 : i32
        %mul3A_17 = arith.muli %scan3A_15, %mul3A_16 : i32
        %add3A_18 = arith.constant 0 : i32
        %add3A_19 = arith.addi %add3A_18, %mul3A_17 : i32
        %get3A = arith.index_cast %add3A_9 : i32 to index
        %get3A_20 = arith.index_cast %add3A_19 : i32 to index
        %get3A_21 = tpu.vector_load %arg11[%get3A, %get3A_20] {strides = array<i32>} : memref<125x80xi32, #tpu.memory_space<vmem>>, vector<16xi32>,
        %get3A_22 = arith.index_cast %add3A_9 : i32 to index
        %get3A_23 = arith.index_cast %add3A_19 : i32 to index
        %get3A_24 = tpu.vector_load %arg12[%get3A_22, %get3A_23] {strides = array<i32>} : memref<125x80xi32, #tpu.memory_space<vmem>>, vector<16xi32>,
        %gather3A = tpu.vector_load_idx %arg8[%get3A_21] : memref<10000xf32, #tpu.memory_space<vmem>>[vector<16xi32>], vector<16xf32>,
        %gather3A_25 = tpu.vector_load_idx %arg8[%get3A_24] : memref<10000xf32, #tpu.memory_space<vmem>>[vector<16xi32>], vector<16xf32>,
        %sub3A = arith.subf %gather3A, %gather3A_25 : vector<16xf32>
        %gather3A_26 = tpu.vector_load_idx %arg9[%get3A_21] : memref<10000xf32, #tpu.memory_space<vmem>>[vector<16xi32>], vector<16xf32>,
        %gather3A_27 = tpu.vector_load_idx %arg9[%get3A_24] : memref<10000xf32, #tpu.memory_space<vmem>>[vector<16xi32>], vector<16xf32>,
        %sub3A_28 = arith.subf %gather3A_26, %gather3A_27 : vector<16xf32>
        %gather3A_29 = tpu.vector_load_idx %arg10[%get3A_21] : memref<10000xf32, #tpu.memory_space<vmem>>[vector<16xi32>], vector<16xf32>,
        %gather3A_30 = tpu.vector_load_idx %arg10[%get3A_24] : memref<10000xf32, #tpu.memory_space<vmem>>[vector<16xi32>], vector<16xf32>,
        %sub3A_31 = arith.subf %gather3A_29, %gather3A_30 : vector<16xf32>
        %mul3A_32 = arith.mulf %sub3A, %sub3A : vector<16xf32>
        %mul3A_33 = arith.mulf %sub3A_28, %sub3A_28 : vector<16xf32>
        %add3A_34 = arith.addf %mul3A_32, %mul3A_33 : vector<16xf32>
        %mul3A_35 = arith.mulf %sub3A_31, %sub3A_31 : vector<16xf32>
        %add3A_36 = arith.addf %add3A_34, %mul3A_35 : vector<16xf32>
        %swap3A = arith.index_cast %add3A_9 : i32 to index
        %swap3A_37 = arith.index_cast %add3A_19 : i32 to index
        %swap3A_38 = tpu.vector_load %arg13[%swap3A, %swap3A_37] {strides = array<i32>} : memref<125x80xf32, #tpu.memory_space<vmem>>, vector<16xf32>,
        tpu.vector_store %arg13[%swap3A, %swap3A_37], %add3A_36 {strides = array<i32>} : memref<125x80xf32, #tpu.memory_space<vmem>>, vector<16xf32>,
      }
      %scan3A_14 = arith.constant 5 : i32
    }
    %scan3A_4 = arith.constant 125 : i32
    "tpu.region"() ({
      %run_scoped3A = tpu.sem_alloc : memref<!tpu.dma_semaphore, #tpu.memory_space<semaphore_mem>>
      %dma_start3A = arith.constant 0 : i32
      %dma_start3A_5 = arith.constant 0 : i32
      %dma_start3A_6 = tpu.memref_slice %arg7[%add3A, %dma_start3A, %dma_start3A_5] : memref<32x125x80xf32, #tpu.memory_space<hbm>> -> memref<1x125x80xf32, #tpu.memory_space<hbm>>
      %dma_start3A_7 = tpu.memref_squeeze %dma_start3A_6 : memref<1x125x80xf32, #tpu.memory_space<hbm>> -> memref<125x80xf32, #tpu.memory_space<hbm>>
      %dma_start3A_8 = arith.constant 0 : i32
      %dma_start3A_9 = arith.constant 0 : i32
      %dma_start3A_10 = tpu.memref_slice %arg7[%add3A, %dma_start3A_8, %dma_start3A_9] : memref<32x125x80xf32, #tpu.memory_space<hbm>> -> memref<1x125x80xf32, #tpu.memory_space<hbm>>
      %dma_start3A_11 = tpu.memref_squeeze %dma_start3A_10 : memref<1x125x80xf32, #tpu.memory_space<hbm>> -> memref<125x80xf32, #tpu.memory_space<hbm>>
      tpu.enqueue_dma source(%arg13 : memref<125x80xf32, #tpu.memory_space<vmem>>) target(%dma_start3A_11 : memref<125x80xf32, #tpu.memory_space<hbm>>) target_semaphore(%run_scoped3A : memref<!tpu.dma_semaphore, #tpu.memory_space<semaphore_mem>>)
      %dma_wait3A = arith.constant 0 : i32
      %dma_wait3A_12 = arith.constant 0 : i32
      %dma_wait3A_13 = tpu.memref_slice %arg7[%add3A, %dma_wait3A, %dma_wait3A_12] : memref<32x125x80xf32, #tpu.memory_space<hbm>> -> memref<1x125x80xf32, #tpu.memory_space<hbm>>
      %dma_wait3A_14 = tpu.memref_squeeze %dma_wait3A_13 : memref<1x125x80xf32, #tpu.memory_space<hbm>> -> memref<125x80xf32, #tpu.memory_space<hbm>>
      %dma_wait3A_15 = arith.constant 0 : i32
      %dma_wait3A_16 = arith.constant 0 : i32
      %dma_wait3A_17 = tpu.memref_slice %arg7[%add3A, %dma_wait3A_15, %dma_wait3A_16] : memref<32x125x80xf32, #tpu.memory_space<hbm>> -> memref<1x125x80xf32, #tpu.memory_space<hbm>>
      %dma_wait3A_18 = tpu.memref_squeeze %dma_wait3A_17 : memref<1x125x80xf32, #tpu.memory_space<hbm>> -> memref<125x80xf32, #tpu.memory_space<hbm>>
      tpu.wait_dma2 semaphore(%run_scoped3A : memref<!tpu.dma_semaphore, #tpu.memory_space<semaphore_mem>>) src(%arg13 : memref<125x80xf32, #tpu.memory_space<vmem>>) dst(%dma_wait3A_18 : memref<125x80xf32, #tpu.memory_space<hbm>>)
      tpu.yield
    }) : () -> ()
    return
  }
}

#map = affine_map<(d0, d1) -> (0, 0)>
#map1 = affine_map<(d0, d1) -> (0, 0, 0)>
module attributes {stable_mosaic.version = 14 : i64} {
  func.func @k(%arg0: i32, %arg1: i32, %arg2: memref<10000x128xf32, #tpu.memory_space<hbm>>, %arg3: memref<10000x128xf32, #tpu.memory_space<hbm>>, %arg4: memref<32x125x80xi32, #tpu.memory_space<hbm>>, %arg5: memref<32x125x80xi32, #tpu.memory_space<hbm>>, %arg6: memref<320000x128xf32, #tpu.memory_space<hbm>>, %arg7: memref<320000x128xf32, #tpu.memory_space<hbm>>, %arg8: memref<125x80xi32, #tpu.memory_space<vmem>>, %arg9: memref<125x80xi32, #tpu.memory_space<vmem>>, %arg10: memref<80x128xf32, #tpu.memory_space<vmem>>, %arg11: memref<80x128xf32, #tpu.memory_space<vmem>>, %arg12: memref<!tpu.dma_semaphore, #tpu.memory_space<semaphore_mem>>, %arg13: memref<!tpu.dma_semaphore, #tpu.memory_space<semaphore_mem>>) attributes {dimension_semantics = [#tpu.dimension_semantics<core_parallel>, #tpu.dimension_semantics<subcore_parallel>], iteration_bounds = array<i64: 2, 16>, scalar_prefetch = 0 : i64, scratch_operands = 6 : i64, tpu.core_type = #tpu.core_type<sc_vector_subcore>, window_params = [{transform_indices = #map}, {transform_indices = #map}, {transform_indices = #map1}, {transform_indices = #map1}, {transform_indices = #map}, {transform_indices = #map}]} {
    %mul3A = arith.constant 2 : i32
    %mul3A_0 = arith.muli %arg1, %mul3A : i32
    %add3A = arith.addi %mul3A_0, %arg0 : i32
    %mul3A_1 = arith.constant 10000 : i32
    %mul3A_2 = arith.muli %add3A, %mul3A_1 : i32
    "tpu.region"() ({
      %run_scoped3A = tpu.sem_alloc : memref<!tpu.dma_semaphore, #tpu.memory_space<semaphore_mem>>
      %dma_start3A = arith.constant 0 : i32
      %dma_start3A_7 = arith.constant 0 : i32
      %dma_start3A_8 = tpu.memref_slice %arg4[%add3A, %dma_start3A, %dma_start3A_7] : memref<32x125x80xi32, #tpu.memory_space<hbm>> -> memref<1x125x80xi32, #tpu.memory_space<hbm>>
      %dma_start3A_9 = tpu.memref_squeeze %dma_start3A_8 : memref<1x125x80xi32, #tpu.memory_space<hbm>> -> memref<125x80xi32, #tpu.memory_space<hbm>>
      %dma_start3A_10 = arith.constant 0 : i32
      %dma_start3A_11 = arith.constant 0 : i32
      %dma_start3A_12 = tpu.memref_slice %arg4[%add3A, %dma_start3A_10, %dma_start3A_11] : memref<32x125x80xi32, #tpu.memory_space<hbm>> -> memref<1x125x80xi32, #tpu.memory_space<hbm>>
      %dma_start3A_13 = tpu.memref_squeeze %dma_start3A_12 : memref<1x125x80xi32, #tpu.memory_space<hbm>> -> memref<125x80xi32, #tpu.memory_space<hbm>>
      tpu.enqueue_dma source(%dma_start3A_13 : memref<125x80xi32, #tpu.memory_space<hbm>>) target(%arg8 : memref<125x80xi32, #tpu.memory_space<vmem>>) target_semaphore(%run_scoped3A : memref<!tpu.dma_semaphore, #tpu.memory_space<semaphore_mem>>)
      %dma_wait3A = arith.constant 0 : i32
      %dma_wait3A_14 = arith.constant 0 : i32
      %dma_wait3A_15 = tpu.memref_slice %arg4[%add3A, %dma_wait3A, %dma_wait3A_14] : memref<32x125x80xi32, #tpu.memory_space<hbm>> -> memref<1x125x80xi32, #tpu.memory_space<hbm>>
      %dma_wait3A_16 = tpu.memref_squeeze %dma_wait3A_15 : memref<1x125x80xi32, #tpu.memory_space<hbm>> -> memref<125x80xi32, #tpu.memory_space<hbm>>
      %dma_wait3A_17 = arith.constant 0 : i32
      %dma_wait3A_18 = arith.constant 0 : i32
      %dma_wait3A_19 = tpu.memref_slice %arg4[%add3A, %dma_wait3A_17, %dma_wait3A_18] : memref<32x125x80xi32, #tpu.memory_space<hbm>> -> memref<1x125x80xi32, #tpu.memory_space<hbm>>
      %dma_wait3A_20 = tpu.memref_squeeze %dma_wait3A_19 : memref<1x125x80xi32, #tpu.memory_space<hbm>> -> memref<125x80xi32, #tpu.memory_space<hbm>>
      tpu.wait_dma2 semaphore(%run_scoped3A : memref<!tpu.dma_semaphore, #tpu.memory_space<semaphore_mem>>) src(%dma_wait3A_20 : memref<125x80xi32, #tpu.memory_space<hbm>>) dst(%arg8 : memref<125x80xi32, #tpu.memory_space<vmem>>)
      tpu.yield
    }) : () -> ()
    "tpu.region"() ({
      %run_scoped3A = tpu.sem_alloc : memref<!tpu.dma_semaphore, #tpu.memory_space<semaphore_mem>>
      %dma_start3A = arith.constant 0 : i32
      %dma_start3A_7 = arith.constant 0 : i32
      %dma_start3A_8 = tpu.memref_slice %arg5[%add3A, %dma_start3A, %dma_start3A_7] : memref<32x125x80xi32, #tpu.memory_space<hbm>> -> memref<1x125x80xi32, #tpu.memory_space<hbm>>
      %dma_start3A_9 = tpu.memref_squeeze %dma_start3A_8 : memref<1x125x80xi32, #tpu.memory_space<hbm>> -> memref<125x80xi32, #tpu.memory_space<hbm>>
      %dma_start3A_10 = arith.constant 0 : i32
      %dma_start3A_11 = arith.constant 0 : i32
      %dma_start3A_12 = tpu.memref_slice %arg5[%add3A, %dma_start3A_10, %dma_start3A_11] : memref<32x125x80xi32, #tpu.memory_space<hbm>> -> memref<1x125x80xi32, #tpu.memory_space<hbm>>
      %dma_start3A_13 = tpu.memref_squeeze %dma_start3A_12 : memref<1x125x80xi32, #tpu.memory_space<hbm>> -> memref<125x80xi32, #tpu.memory_space<hbm>>
      tpu.enqueue_dma source(%dma_start3A_13 : memref<125x80xi32, #tpu.memory_space<hbm>>) target(%arg9 : memref<125x80xi32, #tpu.memory_space<vmem>>) target_semaphore(%run_scoped3A : memref<!tpu.dma_semaphore, #tpu.memory_space<semaphore_mem>>)
      %dma_wait3A = arith.constant 0 : i32
      %dma_wait3A_14 = arith.constant 0 : i32
      %dma_wait3A_15 = tpu.memref_slice %arg5[%add3A, %dma_wait3A, %dma_wait3A_14] : memref<32x125x80xi32, #tpu.memory_space<hbm>> -> memref<1x125x80xi32, #tpu.memory_space<hbm>>
      %dma_wait3A_16 = tpu.memref_squeeze %dma_wait3A_15 : memref<1x125x80xi32, #tpu.memory_space<hbm>> -> memref<125x80xi32, #tpu.memory_space<hbm>>
      %dma_wait3A_17 = arith.constant 0 : i32
      %dma_wait3A_18 = arith.constant 0 : i32
      %dma_wait3A_19 = tpu.memref_slice %arg5[%add3A, %dma_wait3A_17, %dma_wait3A_18] : memref<32x125x80xi32, #tpu.memory_space<hbm>> -> memref<1x125x80xi32, #tpu.memory_space<hbm>>
      %dma_wait3A_20 = tpu.memref_squeeze %dma_wait3A_19 : memref<1x125x80xi32, #tpu.memory_space<hbm>> -> memref<125x80xi32, #tpu.memory_space<hbm>>
      tpu.wait_dma2 semaphore(%run_scoped3A : memref<!tpu.dma_semaphore, #tpu.memory_space<semaphore_mem>>) src(%dma_wait3A_20 : memref<125x80xi32, #tpu.memory_space<hbm>>) dst(%arg9 : memref<125x80xi32, #tpu.memory_space<vmem>>)
      tpu.yield
    }) : () -> ()
    %scan3A = arith.constant 0 : i32
    %scan3A_3 = arith.constant 125 : i32
    %scan3A_4 = arith.addi %scan3A, %scan3A_3 : i32
    %scan3A_5 = arith.constant 1 : i32
    scf.for %scan3A_7 = %scan3A to %scan3A_4 step %scan3A_5  : i32 {
      %mul3A_8 = arith.constant 1 : i32
      %mul3A_9 = arith.muli %scan3A_7, %mul3A_8 : i32
      %add3A_10 = arith.constant 0 : i32
      %add3A_11 = arith.addi %add3A_10, %mul3A_9 : i32
      %dma_start3A = arith.constant 0 : i32
      %dma_start3A_12 = tpu.memref_slice %arg8[%add3A_11, %dma_start3A] : memref<125x80xi32, #tpu.memory_space<vmem>> -> memref<1x80xi32, #tpu.memory_space<vmem>>
      %dma_start3A_13 = tpu.memref_squeeze %dma_start3A_12 : memref<1x80xi32, #tpu.memory_space<vmem>> -> memref<80xi32, #tpu.memory_space<vmem>>
      %dma_start3A_14 = arith.constant 0 : i32
      %dma_start3A_15 = arith.constant 0 : i32
      %dma_start3A_16 = tpu.memref_slice %arg2[%dma_start3A_14, %dma_start3A_15] : memref<10000x128xf32, #tpu.memory_space<hbm>> -> memref<10000x128xf32, #tpu.memory_space<hbm>>
      tpu.enqueue_indirect_dma source(%dma_start3A_16 : memref<10000x128xf32, #tpu.memory_space<hbm>>) target(%arg10 : memref<80x128xf32, #tpu.memory_space<vmem>>) offsets(%dma_start3A_13 : memref<80xi32, #tpu.memory_space<vmem>>) semaphore(%arg12 : memref<!tpu.dma_semaphore, #tpu.memory_space<semaphore_mem>>)
      %dma_start3A_17 = arith.constant 0 : i32
      %dma_start3A_18 = tpu.memref_slice %arg9[%add3A_11, %dma_start3A_17] : memref<125x80xi32, #tpu.memory_space<vmem>> -> memref<1x80xi32, #tpu.memory_space<vmem>>
      %dma_start3A_19 = tpu.memref_squeeze %dma_start3A_18 : memref<1x80xi32, #tpu.memory_space<vmem>> -> memref<80xi32, #tpu.memory_space<vmem>>
      %dma_start3A_20 = arith.constant 0 : i32
      %dma_start3A_21 = arith.constant 0 : i32
      %dma_start3A_22 = tpu.memref_slice %arg3[%dma_start3A_20, %dma_start3A_21] : memref<10000x128xf32, #tpu.memory_space<hbm>> -> memref<10000x128xf32, #tpu.memory_space<hbm>>
      tpu.enqueue_indirect_dma source(%dma_start3A_22 : memref<10000x128xf32, #tpu.memory_space<hbm>>) target(%arg11 : memref<80x128xf32, #tpu.memory_space<vmem>>) offsets(%dma_start3A_19 : memref<80xi32, #tpu.memory_space<vmem>>) semaphore(%arg13 : memref<!tpu.dma_semaphore, #tpu.memory_space<semaphore_mem>>)
      %dma_wait3A = arith.constant 0 : i32
      %dma_wait3A_23 = tpu.memref_slice %arg8[%add3A_11, %dma_wait3A] : memref<125x80xi32, #tpu.memory_space<vmem>> -> memref<1x80xi32, #tpu.memory_space<vmem>>
      %dma_wait3A_24 = tpu.memref_squeeze %dma_wait3A_23 : memref<1x80xi32, #tpu.memory_space<vmem>> -> memref<80xi32, #tpu.memory_space<vmem>>
      %dma_wait3A_25 = arith.constant 0 : i32
      %dma_wait3A_26 = arith.constant 0 : i32
      %dma_wait3A_27 = tpu.memref_slice %arg2[%dma_wait3A_25, %dma_wait3A_26] : memref<10000x128xf32, #tpu.memory_space<hbm>> -> memref<10000x128xf32, #tpu.memory_space<hbm>>
      tpu.wait_indirect_dma semaphore(%arg12 : memref<!tpu.dma_semaphore, #tpu.memory_space<semaphore_mem>>) src(%dma_wait3A_27 : memref<10000x128xf32, #tpu.memory_space<hbm>>) dst(%arg10 : memref<80x128xf32, #tpu.memory_space<vmem>>)
      %dma_wait3A_28 = arith.constant 0 : i32
      %dma_wait3A_29 = tpu.memref_slice %arg9[%add3A_11, %dma_wait3A_28] : memref<125x80xi32, #tpu.memory_space<vmem>> -> memref<1x80xi32, #tpu.memory_space<vmem>>
      %dma_wait3A_30 = tpu.memref_squeeze %dma_wait3A_29 : memref<1x80xi32, #tpu.memory_space<vmem>> -> memref<80xi32, #tpu.memory_space<vmem>>
      %dma_wait3A_31 = arith.constant 0 : i32
      %dma_wait3A_32 = arith.constant 0 : i32
      %dma_wait3A_33 = tpu.memref_slice %arg3[%dma_wait3A_31, %dma_wait3A_32] : memref<10000x128xf32, #tpu.memory_space<hbm>> -> memref<10000x128xf32, #tpu.memory_space<hbm>>
      tpu.wait_indirect_dma semaphore(%arg13 : memref<!tpu.dma_semaphore, #tpu.memory_space<semaphore_mem>>) src(%dma_wait3A_33 : memref<10000x128xf32, #tpu.memory_space<hbm>>) dst(%arg11 : memref<80x128xf32, #tpu.memory_space<vmem>>)
      %mul3A_34 = arith.constant 80 : i32
      %mul3A_35 = arith.muli %add3A_11, %mul3A_34 : i32
      %add3A_36 = arith.addi %mul3A_2, %mul3A_35 : i32
      "tpu.region"() ({
        %run_scoped3A = tpu.sem_alloc : memref<!tpu.dma_semaphore, #tpu.memory_space<semaphore_mem>>
        %dma_start3A_40 = arith.constant 0 : i32
        %dma_start3A_41 = tpu.memref_slice %arg6[%add3A_36, %dma_start3A_40] : memref<320000x128xf32, #tpu.memory_space<hbm>> -> memref<80x128xf32, #tpu.memory_space<hbm>>
        %dma_start3A_42 = arith.constant 0 : i32
        %dma_start3A_43 = tpu.memref_slice %arg6[%add3A_36, %dma_start3A_42] : memref<320000x128xf32, #tpu.memory_space<hbm>> -> memref<80x128xf32, #tpu.memory_space<hbm>>
        tpu.enqueue_dma source(%arg10 : memref<80x128xf32, #tpu.memory_space<vmem>>) target(%dma_start3A_43 : memref<80x128xf32, #tpu.memory_space<hbm>>) target_semaphore(%run_scoped3A : memref<!tpu.dma_semaphore, #tpu.memory_space<semaphore_mem>>)
        %dma_wait3A_44 = arith.constant 0 : i32
        %dma_wait3A_45 = tpu.memref_slice %arg6[%add3A_36, %dma_wait3A_44] : memref<320000x128xf32, #tpu.memory_space<hbm>> -> memref<80x128xf32, #tpu.memory_space<hbm>>
        %dma_wait3A_46 = arith.constant 0 : i32
        %dma_wait3A_47 = tpu.memref_slice %arg6[%add3A_36, %dma_wait3A_46] : memref<320000x128xf32, #tpu.memory_space<hbm>> -> memref<80x128xf32, #tpu.memory_space<hbm>>
        tpu.wait_dma2 semaphore(%run_scoped3A : memref<!tpu.dma_semaphore, #tpu.memory_space<semaphore_mem>>) src(%arg10 : memref<80x128xf32, #tpu.memory_space<vmem>>) dst(%dma_wait3A_47 : memref<80x128xf32, #tpu.memory_space<hbm>>)
        tpu.yield
      }) : () -> ()
      %mul3A_37 = arith.constant 80 : i32
      %mul3A_38 = arith.muli %add3A_11, %mul3A_37 : i32
      %add3A_39 = arith.addi %mul3A_2, %mul3A_38 : i32
      "tpu.region"() ({
        %run_scoped3A = tpu.sem_alloc : memref<!tpu.dma_semaphore, #tpu.memory_space<semaphore_mem>>
        %dma_start3A_40 = arith.constant 0 : i32
        %dma_start3A_41 = tpu.memref_slice %arg7[%add3A_39, %dma_start3A_40] : memref<320000x128xf32, #tpu.memory_space<hbm>> -> memref<80x128xf32, #tpu.memory_space<hbm>>
        %dma_start3A_42 = arith.constant 0 : i32
        %dma_start3A_43 = tpu.memref_slice %arg7[%add3A_39, %dma_start3A_42] : memref<320000x128xf32, #tpu.memory_space<hbm>> -> memref<80x128xf32, #tpu.memory_space<hbm>>
        tpu.enqueue_dma source(%arg11 : memref<80x128xf32, #tpu.memory_space<vmem>>) target(%dma_start3A_43 : memref<80x128xf32, #tpu.memory_space<hbm>>) target_semaphore(%run_scoped3A : memref<!tpu.dma_semaphore, #tpu.memory_space<semaphore_mem>>)
        %dma_wait3A_44 = arith.constant 0 : i32
        %dma_wait3A_45 = tpu.memref_slice %arg7[%add3A_39, %dma_wait3A_44] : memref<320000x128xf32, #tpu.memory_space<hbm>> -> memref<80x128xf32, #tpu.memory_space<hbm>>
        %dma_wait3A_46 = arith.constant 0 : i32
        %dma_wait3A_47 = tpu.memref_slice %arg7[%add3A_39, %dma_wait3A_46] : memref<320000x128xf32, #tpu.memory_space<hbm>> -> memref<80x128xf32, #tpu.memory_space<hbm>>
        tpu.wait_dma2 semaphore(%run_scoped3A : memref<!tpu.dma_semaphore, #tpu.memory_space<semaphore_mem>>) src(%arg11 : memref<80x128xf32, #tpu.memory_space<vmem>>) dst(%dma_wait3A_47 : memref<80x128xf32, #tpu.memory_space<hbm>>)
        tpu.yield
      }) : () -> ()
    }
    %scan3A_6 = arith.constant 125 : i32
    return
  }
}

#map = affine_map<(d0, d1) -> (0, 0)>
#map1 = affine_map<(d0, d1) -> (0, 0, 0)>
module attributes {stable_mosaic.version = 14 : i64} {
  func.func @k(%arg0: i32, %arg1: i32, %arg2: memref<320000x128xf32, #tpu.memory_space<hbm>>, %arg3: memref<32x125x80xi32, #tpu.memory_space<hbm>>, %arg4: memref<10240x128xf32, #tpu.memory_space<hbm>>, %arg5: memref<2x10240x128xf32, #tpu.memory_space<hbm>>, %arg6: memref<125x80xi32, #tpu.memory_space<vmem>>, %arg7: memref<80x128xf32, #tpu.memory_space<vmem>>, %arg8: memref<10240x128xf32, #tpu.memory_space<vmem_shared>>, %arg9: memref<!tpu.dma_semaphore, #tpu.memory_space<semaphore_mem>>) attributes {dimension_semantics = [#tpu.dimension_semantics<core_parallel>, #tpu.dimension_semantics<subcore_parallel>], iteration_bounds = array<i64: 2, 16>, scalar_prefetch = 0 : i64, scratch_operands = 4 : i64, tpu.core_type = #tpu.core_type<sc_vector_subcore>, window_params = [{transform_indices = #map}, {transform_indices = #map1}, {transform_indices = #map}, {transform_indices = #map1}]} {
    %mul3A = arith.constant 2 : i32
    %mul3A_0 = arith.muli %arg1, %mul3A : i32
    %add3A = arith.addi %mul3A_0, %arg0 : i32
    %mul3A_1 = arith.constant 10000 : i32
    %mul3A_2 = arith.muli %add3A, %mul3A_1 : i32
    %mul3A_3 = arith.constant 640 : i32
    %mul3A_4 = arith.muli %arg1, %mul3A_3 : i32
    %mul3A_5 = arith.constant 640 : i32
    %mul3A_6 = arith.muli %arg1, %mul3A_5 : i32
    "tpu.region"() ({
      %run_scoped3A = tpu.sem_alloc : memref<!tpu.dma_semaphore, #tpu.memory_space<semaphore_mem>>
      %dma_start3A = arith.constant 0 : i32
      %dma_start3A_16 = tpu.memref_slice %arg8[%mul3A_6, %dma_start3A] : memref<10240x128xf32, #tpu.memory_space<vmem_shared>> -> memref<640x128xf32, #tpu.memory_space<vmem_shared>>
      %dma_start3A_17 = arith.constant 0 : i32
      %dma_start3A_18 = tpu.memref_slice %arg4[%mul3A_4, %dma_start3A_17] : memref<10240x128xf32, #tpu.memory_space<hbm>> -> memref<640x128xf32, #tpu.memory_space<hbm>>
      tpu.enqueue_dma source(%dma_start3A_18 : memref<640x128xf32, #tpu.memory_space<hbm>>) target(%dma_start3A_16 : memref<640x128xf32, #tpu.memory_space<vmem_shared>>) target_semaphore(%run_scoped3A : memref<!tpu.dma_semaphore, #tpu.memory_space<semaphore_mem>>)
      %dma_wait3A = arith.constant 0 : i32
      %dma_wait3A_19 = tpu.memref_slice %arg8[%mul3A_6, %dma_wait3A] : memref<10240x128xf32, #tpu.memory_space<vmem_shared>> -> memref<640x128xf32, #tpu.memory_space<vmem_shared>>
      %dma_wait3A_20 = arith.constant 0 : i32
      %dma_wait3A_21 = tpu.memref_slice %arg4[%mul3A_4, %dma_wait3A_20] : memref<10240x128xf32, #tpu.memory_space<hbm>> -> memref<640x128xf32, #tpu.memory_space<hbm>>
      tpu.wait_dma2 semaphore(%run_scoped3A : memref<!tpu.dma_semaphore, #tpu.memory_space<semaphore_mem>>) src(%dma_wait3A_21 : memref<640x128xf32, #tpu.memory_space<hbm>>) dst(%dma_wait3A_19 : memref<640x128xf32, #tpu.memory_space<vmem_shared>>)
      tpu.yield
    }) : () -> ()
    "tpu.region"() ({
      %run_scoped3A = tpu.sem_alloc : memref<!tpu.dma_semaphore, #tpu.memory_space<semaphore_mem>>
      %dma_start3A = arith.constant 0 : i32
      %dma_start3A_16 = arith.constant 0 : i32
      %dma_start3A_17 = tpu.memref_slice %arg3[%add3A, %dma_start3A, %dma_start3A_16] : memref<32x125x80xi32, #tpu.memory_space<hbm>> -> memref<1x125x80xi32, #tpu.memory_space<hbm>>
      %dma_start3A_18 = tpu.memref_squeeze %dma_start3A_17 : memref<1x125x80xi32, #tpu.memory_space<hbm>> -> memref<125x80xi32, #tpu.memory_space<hbm>>
      %dma_start3A_19 = arith.constant 0 : i32
      %dma_start3A_20 = arith.constant 0 : i32
      %dma_start3A_21 = tpu.memref_slice %arg3[%add3A, %dma_start3A_19, %dma_start3A_20] : memref<32x125x80xi32, #tpu.memory_space<hbm>> -> memref<1x125x80xi32, #tpu.memory_space<hbm>>
      %dma_start3A_22 = tpu.memref_squeeze %dma_start3A_21 : memref<1x125x80xi32, #tpu.memory_space<hbm>> -> memref<125x80xi32, #tpu.memory_space<hbm>>
      tpu.enqueue_dma source(%dma_start3A_22 : memref<125x80xi32, #tpu.memory_space<hbm>>) target(%arg6 : memref<125x80xi32, #tpu.memory_space<vmem>>) target_semaphore(%run_scoped3A : memref<!tpu.dma_semaphore, #tpu.memory_space<semaphore_mem>>)
      %dma_wait3A = arith.constant 0 : i32
      %dma_wait3A_23 = arith.constant 0 : i32
      %dma_wait3A_24 = tpu.memref_slice %arg3[%add3A, %dma_wait3A, %dma_wait3A_23] : memref<32x125x80xi32, #tpu.memory_space<hbm>> -> memref<1x125x80xi32, #tpu.memory_space<hbm>>
      %dma_wait3A_25 = tpu.memref_squeeze %dma_wait3A_24 : memref<1x125x80xi32, #tpu.memory_space<hbm>> -> memref<125x80xi32, #tpu.memory_space<hbm>>
      %dma_wait3A_26 = arith.constant 0 : i32
      %dma_wait3A_27 = arith.constant 0 : i32
      %dma_wait3A_28 = tpu.memref_slice %arg3[%add3A, %dma_wait3A_26, %dma_wait3A_27] : memref<32x125x80xi32, #tpu.memory_space<hbm>> -> memref<1x125x80xi32, #tpu.memory_space<hbm>>
      %dma_wait3A_29 = tpu.memref_squeeze %dma_wait3A_28 : memref<1x125x80xi32, #tpu.memory_space<hbm>> -> memref<125x80xi32, #tpu.memory_space<hbm>>
      tpu.wait_dma2 semaphore(%run_scoped3A : memref<!tpu.dma_semaphore, #tpu.memory_space<semaphore_mem>>) src(%dma_wait3A_29 : memref<125x80xi32, #tpu.memory_space<hbm>>) dst(%arg6 : memref<125x80xi32, #tpu.memory_space<vmem>>)
      tpu.yield
    }) : () -> ()
    %barrier3A = arith.constant 0 : index
    tpu.barrier barrier_id(%barrier3A)
    %scan3A = arith.constant 0 : i32
    %scan3A_7 = arith.constant 125 : i32
    %scan3A_8 = arith.addi %scan3A, %scan3A_7 : i32
    %scan3A_9 = arith.constant 1 : i32
    scf.for %scan3A_16 = %scan3A to %scan3A_8 step %scan3A_9  : i32 {
      %mul3A_17 = arith.constant 1 : i32
      %mul3A_18 = arith.muli %scan3A_16, %mul3A_17 : i32
      %add3A_19 = arith.constant 0 : i32
      %add3A_20 = arith.addi %add3A_19, %mul3A_18 : i32
      %mul3A_21 = arith.constant 80 : i32
      %mul3A_22 = arith.muli %add3A_20, %mul3A_21 : i32
      %add3A_23 = arith.addi %mul3A_2, %mul3A_22 : i32
      %dma_start3A = arith.constant 0 : i32
      %dma_start3A_24 = tpu.memref_slice %arg2[%add3A_23, %dma_start3A] : memref<320000x128xf32, #tpu.memory_space<hbm>> -> memref<80x128xf32, #tpu.memory_space<hbm>>
      %dma_start3A_25 = arith.constant 0 : i32
      %dma_start3A_26 = tpu.memref_slice %arg2[%add3A_23, %dma_start3A_25] : memref<320000x128xf32, #tpu.memory_space<hbm>> -> memref<80x128xf32, #tpu.memory_space<hbm>>
      tpu.enqueue_dma source(%dma_start3A_26 : memref<80x128xf32, #tpu.memory_space<hbm>>) target(%arg7 : memref<80x128xf32, #tpu.memory_space<vmem>>) target_semaphore(%arg9 : memref<!tpu.dma_semaphore, #tpu.memory_space<semaphore_mem>>)
      %dma_wait3A = arith.constant 0 : i32
      %dma_wait3A_27 = tpu.memref_slice %arg2[%add3A_23, %dma_wait3A] : memref<320000x128xf32, #tpu.memory_space<hbm>> -> memref<80x128xf32, #tpu.memory_space<hbm>>
      %dma_wait3A_28 = arith.constant 0 : i32
      %dma_wait3A_29 = tpu.memref_slice %arg2[%add3A_23, %dma_wait3A_28] : memref<320000x128xf32, #tpu.memory_space<hbm>> -> memref<80x128xf32, #tpu.memory_space<hbm>>
      tpu.wait_dma2 semaphore(%arg9 : memref<!tpu.dma_semaphore, #tpu.memory_space<semaphore_mem>>) src(%dma_wait3A_29 : memref<80x128xf32, #tpu.memory_space<hbm>>) dst(%arg7 : memref<80x128xf32, #tpu.memory_space<vmem>>)
      "tpu.region"() ({
        %run_scoped3A = tpu.sem_alloc : memref<!tpu.dma_semaphore, #tpu.memory_space<semaphore_mem>>
        %dma_start3A_30 = arith.constant 0 : i32
        %dma_start3A_31 = tpu.memref_slice %arg6[%add3A_20, %dma_start3A_30] : memref<125x80xi32, #tpu.memory_space<vmem>> -> memref<1x80xi32, #tpu.memory_space<vmem>>
        %dma_start3A_32 = tpu.memref_squeeze %dma_start3A_31 : memref<1x80xi32, #tpu.memory_space<vmem>> -> memref<80xi32, #tpu.memory_space<vmem>>
        %dma_start3A_33 = arith.constant 0 : i32
        %dma_start3A_34 = arith.constant 0 : i32
        %dma_start3A_35 = tpu.memref_slice %arg8[%dma_start3A_33, %dma_start3A_34] : memref<10240x128xf32, #tpu.memory_space<vmem_shared>> -> memref<10240x128xf32, #tpu.memory_space<vmem_shared>>
        tpu.enqueue_indirect_dma source(%arg7 : memref<80x128xf32, #tpu.memory_space<vmem>>) target(%dma_start3A_35 : memref<10240x128xf32, #tpu.memory_space<vmem_shared>>) offsets(%dma_start3A_32 : memref<80xi32, #tpu.memory_space<vmem>>) semaphore(%run_scoped3A : memref<!tpu.dma_semaphore, #tpu.memory_space<semaphore_mem>>) {add = true}
        %dma_wait3A_36 = arith.constant 0 : i32
        %dma_wait3A_37 = tpu.memref_slice %arg6[%add3A_20, %dma_wait3A_36] : memref<125x80xi32, #tpu.memory_space<vmem>> -> memref<1x80xi32, #tpu.memory_space<vmem>>
        %dma_wait3A_38 = tpu.memref_squeeze %dma_wait3A_37 : memref<1x80xi32, #tpu.memory_space<vmem>> -> memref<80xi32, #tpu.memory_space<vmem>>
        %dma_wait3A_39 = arith.constant 0 : i32
        %dma_wait3A_40 = arith.constant 0 : i32
        %dma_wait3A_41 = tpu.memref_slice %arg8[%dma_wait3A_39, %dma_wait3A_40] : memref<10240x128xf32, #tpu.memory_space<vmem_shared>> -> memref<10240x128xf32, #tpu.memory_space<vmem_shared>>
        tpu.wait_indirect_dma semaphore(%run_scoped3A : memref<!tpu.dma_semaphore, #tpu.memory_space<semaphore_mem>>) src(%arg7 : memref<80x128xf32, #tpu.memory_space<vmem>>) dst(%dma_wait3A_41 : memref<10240x128xf32, #tpu.memory_space<vmem_shared>>)
        tpu.yield
      }) : () -> ()
    }
    %scan3A_10 = arith.constant 125 : i32
    %barrier3A_11 = arith.constant 0 : index
    tpu.barrier barrier_id(%barrier3A_11)
    %mul3A_12 = arith.constant 640 : i32
    %mul3A_13 = arith.muli %arg1, %mul3A_12 : i32
    %mul3A_14 = arith.constant 640 : i32
    %mul3A_15 = arith.muli %arg1, %mul3A_14 : i32
    "tpu.region"() ({
      %run_scoped3A = tpu.sem_alloc : memref<!tpu.dma_semaphore, #tpu.memory_space<semaphore_mem>>
      %dma_start3A = arith.constant 0 : i32
      %dma_start3A_16 = tpu.memref_slice %arg5[%arg0, %mul3A_15, %dma_start3A] : memref<2x10240x128xf32, #tpu.memory_space<hbm>> -> memref<1x640x128xf32, #tpu.memory_space<hbm>>
      %dma_start3A_17 = tpu.memref_squeeze %dma_start3A_16 : memref<1x640x128xf32, #tpu.memory_space<hbm>> -> memref<640x128xf32, #tpu.memory_space<hbm>>
      %dma_start3A_18 = arith.constant 0 : i32
      %dma_start3A_19 = tpu.memref_slice %arg8[%mul3A_13, %dma_start3A_18] : memref<10240x128xf32, #tpu.memory_space<vmem_shared>> -> memref<640x128xf32, #tpu.memory_space<vmem_shared>>
      tpu.enqueue_dma source(%dma_start3A_19 : memref<640x128xf32, #tpu.memory_space<vmem_shared>>) target(%dma_start3A_17 : memref<640x128xf32, #tpu.memory_space<hbm>>) target_semaphore(%run_scoped3A : memref<!tpu.dma_semaphore, #tpu.memory_space<semaphore_mem>>)
      %dma_wait3A = arith.constant 0 : i32
      %dma_wait3A_20 = tpu.memref_slice %arg5[%arg0, %mul3A_15, %dma_wait3A] : memref<2x10240x128xf32, #tpu.memory_space<hbm>> -> memref<1x640x128xf32, #tpu.memory_space<hbm>>
      %dma_wait3A_21 = tpu.memref_squeeze %dma_wait3A_20 : memref<1x640x128xf32, #tpu.memory_space<hbm>> -> memref<640x128xf32, #tpu.memory_space<hbm>>
      %dma_wait3A_22 = arith.constant 0 : i32
      %dma_wait3A_23 = tpu.memref_slice %arg8[%mul3A_13, %dma_wait3A_22] : memref<10240x128xf32, #tpu.memory_space<vmem_shared>> -> memref<640x128xf32, #tpu.memory_space<vmem_shared>>
      tpu.wait_dma2 semaphore(%run_scoped3A : memref<!tpu.dma_semaphore, #tpu.memory_space<semaphore_mem>>) src(%dma_wait3A_23 : memref<640x128xf32, #tpu.memory_space<vmem_shared>>) dst(%dma_wait3A_21 : memref<640x128xf32, #tpu.memory_space<hbm>>)
      tpu.yield
    }) : () -> ()
    return
  }
}

#map = affine_map<(d0, d1) -> (0, 0)>
#map1 = affine_map<(d0, d1) -> (0, 0, 0)>
module attributes {stable_mosaic.version = 14 : i64} {
  func.func @k(%arg0: i32, %arg1: i32, %arg2: memref<10000x128xf32, #tpu.memory_space<hbm>>, %arg3: memref<10000x128xf32, #tpu.memory_space<hbm>>, %arg4: memref<32x125x80xi32, #tpu.memory_space<hbm>>, %arg5: memref<32x125x80xi32, #tpu.memory_space<hbm>>, %arg6: memref<320000x128xf32, #tpu.memory_space<hbm>>, %arg7: memref<320000x128xf32, #tpu.memory_space<hbm>>, %arg8: memref<125x80xi32, #tpu.memory_space<vmem>>, %arg9: memref<125x80xi32, #tpu.memory_space<vmem>>, %arg10: memref<80x128xf32, #tpu.memory_space<vmem>>, %arg11: memref<80x128xf32, #tpu.memory_space<vmem>>, %arg12: memref<!tpu.dma_semaphore, #tpu.memory_space<semaphore_mem>>, %arg13: memref<!tpu.dma_semaphore, #tpu.memory_space<semaphore_mem>>) attributes {dimension_semantics = [#tpu.dimension_semantics<core_parallel>, #tpu.dimension_semantics<subcore_parallel>], iteration_bounds = array<i64: 2, 16>, scalar_prefetch = 0 : i64, scratch_operands = 6 : i64, tpu.core_type = #tpu.core_type<sc_vector_subcore>, window_params = [{transform_indices = #map}, {transform_indices = #map}, {transform_indices = #map1}, {transform_indices = #map1}, {transform_indices = #map}, {transform_indices = #map}]} {
    %mul3A = arith.constant 2 : i32
    %mul3A_0 = arith.muli %arg1, %mul3A : i32
    %add3A = arith.addi %mul3A_0, %arg0 : i32
    %mul3A_1 = arith.constant 10000 : i32
    %mul3A_2 = arith.muli %add3A, %mul3A_1 : i32
    "tpu.region"() ({
      %run_scoped3A = tpu.sem_alloc : memref<!tpu.dma_semaphore, #tpu.memory_space<semaphore_mem>>
      %dma_start3A = arith.constant 0 : i32
      %dma_start3A_7 = arith.constant 0 : i32
      %dma_start3A_8 = tpu.memref_slice %arg4[%add3A, %dma_start3A, %dma_start3A_7] : memref<32x125x80xi32, #tpu.memory_space<hbm>> -> memref<1x125x80xi32, #tpu.memory_space<hbm>>
      %dma_start3A_9 = tpu.memref_squeeze %dma_start3A_8 : memref<1x125x80xi32, #tpu.memory_space<hbm>> -> memref<125x80xi32, #tpu.memory_space<hbm>>
      %dma_start3A_10 = arith.constant 0 : i32
      %dma_start3A_11 = arith.constant 0 : i32
      %dma_start3A_12 = tpu.memref_slice %arg4[%add3A, %dma_start3A_10, %dma_start3A_11] : memref<32x125x80xi32, #tpu.memory_space<hbm>> -> memref<1x125x80xi32, #tpu.memory_space<hbm>>
      %dma_start3A_13 = tpu.memref_squeeze %dma_start3A_12 : memref<1x125x80xi32, #tpu.memory_space<hbm>> -> memref<125x80xi32, #tpu.memory_space<hbm>>
      tpu.enqueue_dma source(%dma_start3A_13 : memref<125x80xi32, #tpu.memory_space<hbm>>) target(%arg8 : memref<125x80xi32, #tpu.memory_space<vmem>>) target_semaphore(%run_scoped3A : memref<!tpu.dma_semaphore, #tpu.memory_space<semaphore_mem>>)
      %dma_wait3A = arith.constant 0 : i32
      %dma_wait3A_14 = arith.constant 0 : i32
      %dma_wait3A_15 = tpu.memref_slice %arg4[%add3A, %dma_wait3A, %dma_wait3A_14] : memref<32x125x80xi32, #tpu.memory_space<hbm>> -> memref<1x125x80xi32, #tpu.memory_space<hbm>>
      %dma_wait3A_16 = tpu.memref_squeeze %dma_wait3A_15 : memref<1x125x80xi32, #tpu.memory_space<hbm>> -> memref<125x80xi32, #tpu.memory_space<hbm>>
      %dma_wait3A_17 = arith.constant 0 : i32
      %dma_wait3A_18 = arith.constant 0 : i32
      %dma_wait3A_19 = tpu.memref_slice %arg4[%add3A, %dma_wait3A_17, %dma_wait3A_18] : memref<32x125x80xi32, #tpu.memory_space<hbm>> -> memref<1x125x80xi32, #tpu.memory_space<hbm>>
      %dma_wait3A_20 = tpu.memref_squeeze %dma_wait3A_19 : memref<1x125x80xi32, #tpu.memory_space<hbm>> -> memref<125x80xi32, #tpu.memory_space<hbm>>
      tpu.wait_dma2 semaphore(%run_scoped3A : memref<!tpu.dma_semaphore, #tpu.memory_space<semaphore_mem>>) src(%dma_wait3A_20 : memref<125x80xi32, #tpu.memory_space<hbm>>) dst(%arg8 : memref<125x80xi32, #tpu.memory_space<vmem>>)
      tpu.yield
    }) : () -> ()
    "tpu.region"() ({
      %run_scoped3A = tpu.sem_alloc : memref<!tpu.dma_semaphore, #tpu.memory_space<semaphore_mem>>
      %dma_start3A = arith.constant 0 : i32
      %dma_start3A_7 = arith.constant 0 : i32
      %dma_start3A_8 = tpu.memref_slice %arg5[%add3A, %dma_start3A, %dma_start3A_7] : memref<32x125x80xi32, #tpu.memory_space<hbm>> -> memref<1x125x80xi32, #tpu.memory_space<hbm>>
      %dma_start3A_9 = tpu.memref_squeeze %dma_start3A_8 : memref<1x125x80xi32, #tpu.memory_space<hbm>> -> memref<125x80xi32, #tpu.memory_space<hbm>>
      %dma_start3A_10 = arith.constant 0 : i32
      %dma_start3A_11 = arith.constant 0 : i32
      %dma_start3A_12 = tpu.memref_slice %arg5[%add3A, %dma_start3A_10, %dma_start3A_11] : memref<32x125x80xi32, #tpu.memory_space<hbm>> -> memref<1x125x80xi32, #tpu.memory_space<hbm>>
      %dma_start3A_13 = tpu.memref_squeeze %dma_start3A_12 : memref<1x125x80xi32, #tpu.memory_space<hbm>> -> memref<125x80xi32, #tpu.memory_space<hbm>>
      tpu.enqueue_dma source(%dma_start3A_13 : memref<125x80xi32, #tpu.memory_space<hbm>>) target(%arg9 : memref<125x80xi32, #tpu.memory_space<vmem>>) target_semaphore(%run_scoped3A : memref<!tpu.dma_semaphore, #tpu.memory_space<semaphore_mem>>)
      %dma_wait3A = arith.constant 0 : i32
      %dma_wait3A_14 = arith.constant 0 : i32
      %dma_wait3A_15 = tpu.memref_slice %arg5[%add3A, %dma_wait3A, %dma_wait3A_14] : memref<32x125x80xi32, #tpu.memory_space<hbm>> -> memref<1x125x80xi32, #tpu.memory_space<hbm>>
      %dma_wait3A_16 = tpu.memref_squeeze %dma_wait3A_15 : memref<1x125x80xi32, #tpu.memory_space<hbm>> -> memref<125x80xi32, #tpu.memory_space<hbm>>
      %dma_wait3A_17 = arith.constant 0 : i32
      %dma_wait3A_18 = arith.constant 0 : i32
      %dma_wait3A_19 = tpu.memref_slice %arg5[%add3A, %dma_wait3A_17, %dma_wait3A_18] : memref<32x125x80xi32, #tpu.memory_space<hbm>> -> memref<1x125x80xi32, #tpu.memory_space<hbm>>
      %dma_wait3A_20 = tpu.memref_squeeze %dma_wait3A_19 : memref<1x125x80xi32, #tpu.memory_space<hbm>> -> memref<125x80xi32, #tpu.memory_space<hbm>>
      tpu.wait_dma2 semaphore(%run_scoped3A : memref<!tpu.dma_semaphore, #tpu.memory_space<semaphore_mem>>) src(%dma_wait3A_20 : memref<125x80xi32, #tpu.memory_space<hbm>>) dst(%arg9 : memref<125x80xi32, #tpu.memory_space<vmem>>)
      tpu.yield
    }) : () -> ()
    %scan3A = arith.constant 0 : i32
    %scan3A_3 = arith.constant 125 : i32
    %scan3A_4 = arith.addi %scan3A, %scan3A_3 : i32
    %scan3A_5 = arith.constant 1 : i32
    scf.for %scan3A_7 = %scan3A to %scan3A_4 step %scan3A_5  : i32 {
      %mul3A_8 = arith.constant 1 : i32
      %mul3A_9 = arith.muli %scan3A_7, %mul3A_8 : i32
      %add3A_10 = arith.constant 0 : i32
      %add3A_11 = arith.addi %add3A_10, %mul3A_9 : i32
      %dma_start3A = arith.constant 0 : i32
      %dma_start3A_12 = tpu.memref_slice %arg8[%add3A_11, %dma_start3A] : memref<125x80xi32, #tpu.memory_space<vmem>> -> memref<1x80xi32, #tpu.memory_space<vmem>>
      %dma_start3A_13 = tpu.memref_squeeze %dma_start3A_12 : memref<1x80xi32, #tpu.memory_space<vmem>> -> memref<80xi32, #tpu.memory_space<vmem>>
      %dma_start3A_14 = arith.constant 0 : i32
      %dma_start3A_15 = arith.constant 0 : i32
      %dma_start3A_16 = tpu.memref_slice %arg2[%dma_start3A_14, %dma_start3A_15] : memref<10000x128xf32, #tpu.memory_space<hbm>> -> memref<10000x128xf32, #tpu.memory_space<hbm>>
      tpu.enqueue_indirect_dma source(%dma_start3A_16 : memref<10000x128xf32, #tpu.memory_space<hbm>>) target(%arg10 : memref<80x128xf32, #tpu.memory_space<vmem>>) offsets(%dma_start3A_13 : memref<80xi32, #tpu.memory_space<vmem>>) semaphore(%arg12 : memref<!tpu.dma_semaphore, #tpu.memory_space<semaphore_mem>>)
      %dma_start3A_17 = arith.constant 0 : i32
      %dma_start3A_18 = tpu.memref_slice %arg9[%add3A_11, %dma_start3A_17] : memref<125x80xi32, #tpu.memory_space<vmem>> -> memref<1x80xi32, #tpu.memory_space<vmem>>
      %dma_start3A_19 = tpu.memref_squeeze %dma_start3A_18 : memref<1x80xi32, #tpu.memory_space<vmem>> -> memref<80xi32, #tpu.memory_space<vmem>>
      %dma_start3A_20 = arith.constant 0 : i32
      %dma_start3A_21 = arith.constant 0 : i32
      %dma_start3A_22 = tpu.memref_slice %arg3[%dma_start3A_20, %dma_start3A_21] : memref<10000x128xf32, #tpu.memory_space<hbm>> -> memref<10000x128xf32, #tpu.memory_space<hbm>>
      tpu.enqueue_indirect_dma source(%dma_start3A_22 : memref<10000x128xf32, #tpu.memory_space<hbm>>) target(%arg11 : memref<80x128xf32, #tpu.memory_space<vmem>>) offsets(%dma_start3A_19 : memref<80xi32, #tpu.memory_space<vmem>>) semaphore(%arg13 : memref<!tpu.dma_semaphore, #tpu.memory_space<semaphore_mem>>)
      %dma_wait3A = arith.constant 0 : i32
      %dma_wait3A_23 = tpu.memref_slice %arg8[%add3A_11, %dma_wait3A] : memref<125x80xi32, #tpu.memory_space<vmem>> -> memref<1x80xi32, #tpu.memory_space<vmem>>
      %dma_wait3A_24 = tpu.memref_squeeze %dma_wait3A_23 : memref<1x80xi32, #tpu.memory_space<vmem>> -> memref<80xi32, #tpu.memory_space<vmem>>
      %dma_wait3A_25 = arith.constant 0 : i32
      %dma_wait3A_26 = arith.constant 0 : i32
      %dma_wait3A_27 = tpu.memref_slice %arg2[%dma_wait3A_25, %dma_wait3A_26] : memref<10000x128xf32, #tpu.memory_space<hbm>> -> memref<10000x128xf32, #tpu.memory_space<hbm>>
      tpu.wait_indirect_dma semaphore(%arg12 : memref<!tpu.dma_semaphore, #tpu.memory_space<semaphore_mem>>) src(%dma_wait3A_27 : memref<10000x128xf32, #tpu.memory_space<hbm>>) dst(%arg10 : memref<80x128xf32, #tpu.memory_space<vmem>>)
      %dma_wait3A_28 = arith.constant 0 : i32
      %dma_wait3A_29 = tpu.memref_slice %arg9[%add3A_11, %dma_wait3A_28] : memref<125x80xi32, #tpu.memory_space<vmem>> -> memref<1x80xi32, #tpu.memory_space<vmem>>
      %dma_wait3A_30 = tpu.memref_squeeze %dma_wait3A_29 : memref<1x80xi32, #tpu.memory_space<vmem>> -> memref<80xi32, #tpu.memory_space<vmem>>
      %dma_wait3A_31 = arith.constant 0 : i32
      %dma_wait3A_32 = arith.constant 0 : i32
      %dma_wait3A_33 = tpu.memref_slice %arg3[%dma_wait3A_31, %dma_wait3A_32] : memref<10000x128xf32, #tpu.memory_space<hbm>> -> memref<10000x128xf32, #tpu.memory_space<hbm>>
      tpu.wait_indirect_dma semaphore(%arg13 : memref<!tpu.dma_semaphore, #tpu.memory_space<semaphore_mem>>) src(%dma_wait3A_33 : memref<10000x128xf32, #tpu.memory_space<hbm>>) dst(%arg11 : memref<80x128xf32, #tpu.memory_space<vmem>>)
      %mul3A_34 = arith.constant 80 : i32
      %mul3A_35 = arith.muli %add3A_11, %mul3A_34 : i32
      %add3A_36 = arith.addi %mul3A_2, %mul3A_35 : i32
      "tpu.region"() ({
        %run_scoped3A = tpu.sem_alloc : memref<!tpu.dma_semaphore, #tpu.memory_space<semaphore_mem>>
        %dma_start3A_40 = arith.constant 0 : i32
        %dma_start3A_41 = tpu.memref_slice %arg6[%add3A_36, %dma_start3A_40] : memref<320000x128xf32, #tpu.memory_space<hbm>> -> memref<80x128xf32, #tpu.memory_space<hbm>>
        %dma_start3A_42 = arith.constant 0 : i32
        %dma_start3A_43 = tpu.memref_slice %arg6[%add3A_36, %dma_start3A_42] : memref<320000x128xf32, #tpu.memory_space<hbm>> -> memref<80x128xf32, #tpu.memory_space<hbm>>
        tpu.enqueue_dma source(%arg10 : memref<80x128xf32, #tpu.memory_space<vmem>>) target(%dma_start3A_43 : memref<80x128xf32, #tpu.memory_space<hbm>>) target_semaphore(%run_scoped3A : memref<!tpu.dma_semaphore, #tpu.memory_space<semaphore_mem>>)
        %dma_wait3A_44 = arith.constant 0 : i32
        %dma_wait3A_45 = tpu.memref_slice %arg6[%add3A_36, %dma_wait3A_44] : memref<320000x128xf32, #tpu.memory_space<hbm>> -> memref<80x128xf32, #tpu.memory_space<hbm>>
        %dma_wait3A_46 = arith.constant 0 : i32
        %dma_wait3A_47 = tpu.memref_slice %arg6[%add3A_36, %dma_wait3A_46] : memref<320000x128xf32, #tpu.memory_space<hbm>> -> memref<80x128xf32, #tpu.memory_space<hbm>>
        tpu.wait_dma2 semaphore(%run_scoped3A : memref<!tpu.dma_semaphore, #tpu.memory_space<semaphore_mem>>) src(%arg10 : memref<80x128xf32, #tpu.memory_space<vmem>>) dst(%dma_wait3A_47 : memref<80x128xf32, #tpu.memory_space<hbm>>)
        tpu.yield
      }) : () -> ()
      %mul3A_37 = arith.constant 80 : i32
      %mul3A_38 = arith.muli %add3A_11, %mul3A_37 : i32
      %add3A_39 = arith.addi %mul3A_2, %mul3A_38 : i32
      "tpu.region"() ({
        %run_scoped3A = tpu.sem_alloc : memref<!tpu.dma_semaphore, #tpu.memory_space<semaphore_mem>>
        %dma_start3A_40 = arith.constant 0 : i32
        %dma_start3A_41 = tpu.memref_slice %arg7[%add3A_39, %dma_start3A_40] : memref<320000x128xf32, #tpu.memory_space<hbm>> -> memref<80x128xf32, #tpu.memory_space<hbm>>
        %dma_start3A_42 = arith.constant 0 : i32
        %dma_start3A_43 = tpu.memref_slice %arg7[%add3A_39, %dma_start3A_42] : memref<320000x128xf32, #tpu.memory_space<hbm>> -> memref<80x128xf32, #tpu.memory_space<hbm>>
        tpu.enqueue_dma source(%arg11 : memref<80x128xf32, #tpu.memory_space<vmem>>) target(%dma_start3A_43 : memref<80x128xf32, #tpu.memory_space<hbm>>) target_semaphore(%run_scoped3A : memref<!tpu.dma_semaphore, #tpu.memory_space<semaphore_mem>>)
        %dma_wait3A_44 = arith.constant 0 : i32
        %dma_wait3A_45 = tpu.memref_slice %arg7[%add3A_39, %dma_wait3A_44] : memref<320000x128xf32, #tpu.memory_space<hbm>> -> memref<80x128xf32, #tpu.memory_space<hbm>>
        %dma_wait3A_46 = arith.constant 0 : i32
        %dma_wait3A_47 = tpu.memref_slice %arg7[%add3A_39, %dma_wait3A_46] : memref<320000x128xf32, #tpu.memory_space<hbm>> -> memref<80x128xf32, #tpu.memory_space<hbm>>
        tpu.wait_dma2 semaphore(%run_scoped3A : memref<!tpu.dma_semaphore, #tpu.memory_space<semaphore_mem>>) src(%arg11 : memref<80x128xf32, #tpu.memory_space<vmem>>) dst(%dma_wait3A_47 : memref<80x128xf32, #tpu.memory_space<hbm>>)
        tpu.yield
      }) : () -> ()
    }
    %scan3A_6 = arith.constant 125 : i32
    return
  }
}

#map = affine_map<(d0, d1) -> (0, 0)>
#map1 = affine_map<(d0, d1) -> (0, 0, 0)>
module attributes {stable_mosaic.version = 14 : i64} {
  func.func @k(%arg0: i32, %arg1: i32, %arg2: memref<320000x128xf32, #tpu.memory_space<hbm>>, %arg3: memref<32x125x80xi32, #tpu.memory_space<hbm>>, %arg4: memref<10240x128xf32, #tpu.memory_space<hbm>>, %arg5: memref<2x10240x128xf32, #tpu.memory_space<hbm>>, %arg6: memref<125x80xi32, #tpu.memory_space<vmem>>, %arg7: memref<80x128xf32, #tpu.memory_space<vmem>>, %arg8: memref<10240x128xf32, #tpu.memory_space<vmem_shared>>, %arg9: memref<!tpu.dma_semaphore, #tpu.memory_space<semaphore_mem>>) attributes {dimension_semantics = [#tpu.dimension_semantics<core_parallel>, #tpu.dimension_semantics<subcore_parallel>], iteration_bounds = array<i64: 2, 16>, scalar_prefetch = 0 : i64, scratch_operands = 4 : i64, tpu.core_type = #tpu.core_type<sc_vector_subcore>, window_params = [{transform_indices = #map}, {transform_indices = #map1}, {transform_indices = #map}, {transform_indices = #map1}]} {
    %mul3A = arith.constant 2 : i32
    %mul3A_0 = arith.muli %arg1, %mul3A : i32
    %add3A = arith.addi %mul3A_0, %arg0 : i32
    %mul3A_1 = arith.constant 10000 : i32
    %mul3A_2 = arith.muli %add3A, %mul3A_1 : i32
    %mul3A_3 = arith.constant 640 : i32
    %mul3A_4 = arith.muli %arg1, %mul3A_3 : i32
    %mul3A_5 = arith.constant 640 : i32
    %mul3A_6 = arith.muli %arg1, %mul3A_5 : i32
    "tpu.region"() ({
      %run_scoped3A = tpu.sem_alloc : memref<!tpu.dma_semaphore, #tpu.memory_space<semaphore_mem>>
      %dma_start3A = arith.constant 0 : i32
      %dma_start3A_16 = tpu.memref_slice %arg8[%mul3A_6, %dma_start3A] : memref<10240x128xf32, #tpu.memory_space<vmem_shared>> -> memref<640x128xf32, #tpu.memory_space<vmem_shared>>
      %dma_start3A_17 = arith.constant 0 : i32
      %dma_start3A_18 = tpu.memref_slice %arg4[%mul3A_4, %dma_start3A_17] : memref<10240x128xf32, #tpu.memory_space<hbm>> -> memref<640x128xf32, #tpu.memory_space<hbm>>
      tpu.enqueue_dma source(%dma_start3A_18 : memref<640x128xf32, #tpu.memory_space<hbm>>) target(%dma_start3A_16 : memref<640x128xf32, #tpu.memory_space<vmem_shared>>) target_semaphore(%run_scoped3A : memref<!tpu.dma_semaphore, #tpu.memory_space<semaphore_mem>>)
      %dma_wait3A = arith.constant 0 : i32
      %dma_wait3A_19 = tpu.memref_slice %arg8[%mul3A_6, %dma_wait3A] : memref<10240x128xf32, #tpu.memory_space<vmem_shared>> -> memref<640x128xf32, #tpu.memory_space<vmem_shared>>
      %dma_wait3A_20 = arith.constant 0 : i32
      %dma_wait3A_21 = tpu.memref_slice %arg4[%mul3A_4, %dma_wait3A_20] : memref<10240x128xf32, #tpu.memory_space<hbm>> -> memref<640x128xf32, #tpu.memory_space<hbm>>
      tpu.wait_dma2 semaphore(%run_scoped3A : memref<!tpu.dma_semaphore, #tpu.memory_space<semaphore_mem>>) src(%dma_wait3A_21 : memref<640x128xf32, #tpu.memory_space<hbm>>) dst(%dma_wait3A_19 : memref<640x128xf32, #tpu.memory_space<vmem_shared>>)
      tpu.yield
    }) : () -> ()
    "tpu.region"() ({
      %run_scoped3A = tpu.sem_alloc : memref<!tpu.dma_semaphore, #tpu.memory_space<semaphore_mem>>
      %dma_start3A = arith.constant 0 : i32
      %dma_start3A_16 = arith.constant 0 : i32
      %dma_start3A_17 = tpu.memref_slice %arg3[%add3A, %dma_start3A, %dma_start3A_16] : memref<32x125x80xi32, #tpu.memory_space<hbm>> -> memref<1x125x80xi32, #tpu.memory_space<hbm>>
      %dma_start3A_18 = tpu.memref_squeeze %dma_start3A_17 : memref<1x125x80xi32, #tpu.memory_space<hbm>> -> memref<125x80xi32, #tpu.memory_space<hbm>>
      %dma_start3A_19 = arith.constant 0 : i32
      %dma_start3A_20 = arith.constant 0 : i32
      %dma_start3A_21 = tpu.memref_slice %arg3[%add3A, %dma_start3A_19, %dma_start3A_20] : memref<32x125x80xi32, #tpu.memory_space<hbm>> -> memref<1x125x80xi32, #tpu.memory_space<hbm>>
      %dma_start3A_22 = tpu.memref_squeeze %dma_start3A_21 : memref<1x125x80xi32, #tpu.memory_space<hbm>> -> memref<125x80xi32, #tpu.memory_space<hbm>>
      tpu.enqueue_dma source(%dma_start3A_22 : memref<125x80xi32, #tpu.memory_space<hbm>>) target(%arg6 : memref<125x80xi32, #tpu.memory_space<vmem>>) target_semaphore(%run_scoped3A : memref<!tpu.dma_semaphore, #tpu.memory_space<semaphore_mem>>)
      %dma_wait3A = arith.constant 0 : i32
      %dma_wait3A_23 = arith.constant 0 : i32
      %dma_wait3A_24 = tpu.memref_slice %arg3[%add3A, %dma_wait3A, %dma_wait3A_23] : memref<32x125x80xi32, #tpu.memory_space<hbm>> -> memref<1x125x80xi32, #tpu.memory_space<hbm>>
      %dma_wait3A_25 = tpu.memref_squeeze %dma_wait3A_24 : memref<1x125x80xi32, #tpu.memory_space<hbm>> -> memref<125x80xi32, #tpu.memory_space<hbm>>
      %dma_wait3A_26 = arith.constant 0 : i32
      %dma_wait3A_27 = arith.constant 0 : i32
      %dma_wait3A_28 = tpu.memref_slice %arg3[%add3A, %dma_wait3A_26, %dma_wait3A_27] : memref<32x125x80xi32, #tpu.memory_space<hbm>> -> memref<1x125x80xi32, #tpu.memory_space<hbm>>
      %dma_wait3A_29 = tpu.memref_squeeze %dma_wait3A_28 : memref<1x125x80xi32, #tpu.memory_space<hbm>> -> memref<125x80xi32, #tpu.memory_space<hbm>>
      tpu.wait_dma2 semaphore(%run_scoped3A : memref<!tpu.dma_semaphore, #tpu.memory_space<semaphore_mem>>) src(%dma_wait3A_29 : memref<125x80xi32, #tpu.memory_space<hbm>>) dst(%arg6 : memref<125x80xi32, #tpu.memory_space<vmem>>)
      tpu.yield
    }) : () -> ()
    %barrier3A = arith.constant 0 : index
    tpu.barrier barrier_id(%barrier3A)
    %scan3A = arith.constant 0 : i32
    %scan3A_7 = arith.constant 125 : i32
    %scan3A_8 = arith.addi %scan3A, %scan3A_7 : i32
    %scan3A_9 = arith.constant 1 : i32
    scf.for %scan3A_16 = %scan3A to %scan3A_8 step %scan3A_9  : i32 {
      %mul3A_17 = arith.constant 1 : i32
      %mul3A_18 = arith.muli %scan3A_16, %mul3A_17 : i32
      %add3A_19 = arith.constant 0 : i32
      %add3A_20 = arith.addi %add3A_19, %mul3A_18 : i32
      %mul3A_21 = arith.constant 80 : i32
      %mul3A_22 = arith.muli %add3A_20, %mul3A_21 : i32
      %add3A_23 = arith.addi %mul3A_2, %mul3A_22 : i32
      %dma_start3A = arith.constant 0 : i32
      %dma_start3A_24 = tpu.memref_slice %arg2[%add3A_23, %dma_start3A] : memref<320000x128xf32, #tpu.memory_space<hbm>> -> memref<80x128xf32, #tpu.memory_space<hbm>>
      %dma_start3A_25 = arith.constant 0 : i32
      %dma_start3A_26 = tpu.memref_slice %arg2[%add3A_23, %dma_start3A_25] : memref<320000x128xf32, #tpu.memory_space<hbm>> -> memref<80x128xf32, #tpu.memory_space<hbm>>
      tpu.enqueue_dma source(%dma_start3A_26 : memref<80x128xf32, #tpu.memory_space<hbm>>) target(%arg7 : memref<80x128xf32, #tpu.memory_space<vmem>>) target_semaphore(%arg9 : memref<!tpu.dma_semaphore, #tpu.memory_space<semaphore_mem>>)
      %dma_wait3A = arith.constant 0 : i32
      %dma_wait3A_27 = tpu.memref_slice %arg2[%add3A_23, %dma_wait3A] : memref<320000x128xf32, #tpu.memory_space<hbm>> -> memref<80x128xf32, #tpu.memory_space<hbm>>
      %dma_wait3A_28 = arith.constant 0 : i32
      %dma_wait3A_29 = tpu.memref_slice %arg2[%add3A_23, %dma_wait3A_28] : memref<320000x128xf32, #tpu.memory_space<hbm>> -> memref<80x128xf32, #tpu.memory_space<hbm>>
      tpu.wait_dma2 semaphore(%arg9 : memref<!tpu.dma_semaphore, #tpu.memory_space<semaphore_mem>>) src(%dma_wait3A_29 : memref<80x128xf32, #tpu.memory_space<hbm>>) dst(%arg7 : memref<80x128xf32, #tpu.memory_space<vmem>>)
      "tpu.region"() ({
        %run_scoped3A = tpu.sem_alloc : memref<!tpu.dma_semaphore, #tpu.memory_space<semaphore_mem>>
        %dma_start3A_30 = arith.constant 0 : i32
        %dma_start3A_31 = tpu.memref_slice %arg6[%add3A_20, %dma_start3A_30] : memref<125x80xi32, #tpu.memory_space<vmem>> -> memref<1x80xi32, #tpu.memory_space<vmem>>
        %dma_start3A_32 = tpu.memref_squeeze %dma_start3A_31 : memref<1x80xi32, #tpu.memory_space<vmem>> -> memref<80xi32, #tpu.memory_space<vmem>>
        %dma_start3A_33 = arith.constant 0 : i32
        %dma_start3A_34 = arith.constant 0 : i32
        %dma_start3A_35 = tpu.memref_slice %arg8[%dma_start3A_33, %dma_start3A_34] : memref<10240x128xf32, #tpu.memory_space<vmem_shared>> -> memref<10240x128xf32, #tpu.memory_space<vmem_shared>>
        tpu.enqueue_indirect_dma source(%arg7 : memref<80x128xf32, #tpu.memory_space<vmem>>) target(%dma_start3A_35 : memref<10240x128xf32, #tpu.memory_space<vmem_shared>>) offsets(%dma_start3A_32 : memref<80xi32, #tpu.memory_space<vmem>>) semaphore(%run_scoped3A : memref<!tpu.dma_semaphore, #tpu.memory_space<semaphore_mem>>) {add = true}
        %dma_wait3A_36 = arith.constant 0 : i32
        %dma_wait3A_37 = tpu.memref_slice %arg6[%add3A_20, %dma_wait3A_36] : memref<125x80xi32, #tpu.memory_space<vmem>> -> memref<1x80xi32, #tpu.memory_space<vmem>>
        %dma_wait3A_38 = tpu.memref_squeeze %dma_wait3A_37 : memref<1x80xi32, #tpu.memory_space<vmem>> -> memref<80xi32, #tpu.memory_space<vmem>>
        %dma_wait3A_39 = arith.constant 0 : i32
        %dma_wait3A_40 = arith.constant 0 : i32
        %dma_wait3A_41 = tpu.memref_slice %arg8[%dma_wait3A_39, %dma_wait3A_40] : memref<10240x128xf32, #tpu.memory_space<vmem_shared>> -> memref<10240x128xf32, #tpu.memory_space<vmem_shared>>
        tpu.wait_indirect_dma semaphore(%run_scoped3A : memref<!tpu.dma_semaphore, #tpu.memory_space<semaphore_mem>>) src(%arg7 : memref<80x128xf32, #tpu.memory_space<vmem>>) dst(%dma_wait3A_41 : memref<10240x128xf32, #tpu.memory_space<vmem_shared>>)
        tpu.yield
      }) : () -> ()
    }
    %scan3A_10 = arith.constant 125 : i32
    %barrier3A_11 = arith.constant 0 : index
    tpu.barrier barrier_id(%barrier3A_11)
    %mul3A_12 = arith.constant 640 : i32
    %mul3A_13 = arith.muli %arg1, %mul3A_12 : i32
    %mul3A_14 = arith.constant 640 : i32
    %mul3A_15 = arith.muli %arg1, %mul3A_14 : i32
    "tpu.region"() ({
      %run_scoped3A = tpu.sem_alloc : memref<!tpu.dma_semaphore, #tpu.memory_space<semaphore_mem>>
      %dma_start3A = arith.constant 0 : i32
      %dma_start3A_16 = tpu.memref_slice %arg5[%arg0, %mul3A_15, %dma_start3A] : memref<2x10240x128xf32, #tpu.memory_space<hbm>> -> memref<1x640x128xf32, #tpu.memory_space<hbm>>
      %dma_start3A_17 = tpu.memref_squeeze %dma_start3A_16 : memref<1x640x128xf32, #tpu.memory_space<hbm>> -> memref<640x128xf32, #tpu.memory_space<hbm>>
      %dma_start3A_18 = arith.constant 0 : i32
      %dma_start3A_19 = tpu.memref_slice %arg8[%mul3A_13, %dma_start3A_18] : memref<10240x128xf32, #tpu.memory_space<vmem_shared>> -> memref<640x128xf32, #tpu.memory_space<vmem_shared>>
      tpu.enqueue_dma source(%dma_start3A_19 : memref<640x128xf32, #tpu.memory_space<vmem_shared>>) target(%dma_start3A_17 : memref<640x128xf32, #tpu.memory_space<hbm>>) target_semaphore(%run_scoped3A : memref<!tpu.dma_semaphore, #tpu.memory_space<semaphore_mem>>)
      %dma_wait3A = arith.constant 0 : i32
      %dma_wait3A_20 = tpu.memref_slice %arg5[%arg0, %mul3A_15, %dma_wait3A] : memref<2x10240x128xf32, #tpu.memory_space<hbm>> -> memref<1x640x128xf32, #tpu.memory_space<hbm>>
      %dma_wait3A_21 = tpu.memref_squeeze %dma_wait3A_20 : memref<1x640x128xf32, #tpu.memory_space<hbm>> -> memref<640x128xf32, #tpu.memory_space<hbm>>
      %dma_wait3A_22 = arith.constant 0 : i32
      %dma_wait3A_23 = tpu.memref_slice %arg8[%mul3A_13, %dma_wait3A_22] : memref<10240x128xf32, #tpu.memory_space<vmem_shared>> -> memref<640x128xf32, #tpu.memory_space<vmem_shared>>
      tpu.wait_dma2 semaphore(%run_scoped3A : memref<!tpu.dma_semaphore, #tpu.memory_space<semaphore_mem>>) src(%dma_wait3A_23 : memref<640x128xf32, #tpu.memory_space<vmem_shared>>) dst(%dma_wait3A_21 : memref<640x128xf32, #tpu.memory_space<hbm>>)
      tpu.yield
    }) : () -> ()
    return
  }
}

module attributes {stable_mosaic.version = 14 : i64} {
  func.func @body(%arg0: i32, %arg1: memref<2000x128xf32, #tpu.memory_space<vmem>>, %arg2: memref<128x128xf32, #tpu.memory_space<vmem>>, %arg3: memref<128x128xf32, #tpu.memory_space<vmem>>, %arg4: memref<2000x128xf32, #tpu.memory_space<vmem>>, %arg5: memref<2000x128xf32, #tpu.memory_space<vmem>>) attributes {dimension_semantics = [#tpu.dimension_semantics<arbitrary>], iteration_bounds = array<i64: 5>, scalar_prefetch = 0 : i64, scratch_operands = 0 : i64, tpu.core_type = #tpu.core_type<tc>, window_params = [{transform_indices = @transform_0, window_bounds = array<i64: 2000, 128>}, {pipeline_mode = #tpu.pipeline_mode<synchronous>, transform_indices = @transform_1, window_bounds = array<i64: 128, 128>}, {pipeline_mode = #tpu.pipeline_mode<synchronous>, transform_indices = @transform_2, window_bounds = array<i64: 128, 128>}, {transform_indices = @transform_3, window_bounds = array<i64: 2000, 128>}, {transform_indices = @transform_4, window_bounds = array<i64: 2000, 128>}]} {
    %get3A = arith.constant 0 : index
    %get3A_0 = arith.constant 0 : index
    %get3A_1 = vector.load %arg1[%get3A, %get3A_0] : memref<2000x128xf32, #tpu.memory_space<vmem>>, vector<2000x128xf32>
    %get3A_2 = arith.constant 0 : index
    %get3A_3 = arith.constant 0 : index
    %get3A_4 = vector.load %arg2[%get3A_2, %get3A_3] : memref<128x128xf32, #tpu.memory_space<vmem>>, vector<128x128xf32>
    %dot_general3A = arith.constant dense<0.000000e+00> : vector<2000x128xf32>
    %dot_general3A_5 = tpu.matmul %get3A_1, %get3A_4, %dot_general3A {dimension_numbers = #tpu.dot_dimension_numbers<[1], [0], [0], [1], [0, 0, 1, 1], [], []>, precision = #tpu.contract_precision<fp32>, transpose_lhs_hint = false} : vector<2000x128xf32>, vector<128x128xf32>, vector<2000x128xf32> -> vector<2000x128xf32>
    %swap3A = arith.constant 0 : index
    %swap3A_6 = arith.constant 0 : index
    %swap3A_7 = vector.load %arg4[%swap3A, %swap3A_6] : memref<2000x128xf32, #tpu.memory_space<vmem>>, vector<2000x128xf32>
    tpu.vector_store %arg4[%swap3A, %swap3A_6], %dot_general3A_5 {strides = array<i32>} : memref<2000x128xf32, #tpu.memory_space<vmem>>, vector<2000x128xf32>,
    %get3A_8 = arith.constant 0 : index
    %get3A_9 = arith.constant 0 : index
    %get3A_10 = vector.load %arg1[%get3A_8, %get3A_9] : memref<2000x128xf32, #tpu.memory_space<vmem>>, vector<2000x128xf32>
    %get3A_11 = arith.constant 0 : index
    %get3A_12 = arith.constant 0 : index
    %get3A_13 = vector.load %arg3[%get3A_11, %get3A_12] : memref<128x128xf32, #tpu.memory_space<vmem>>, vector<128x128xf32>
    %dot_general3A_14 = arith.constant dense<0.000000e+00> : vector<2000x128xf32>
    %dot_general3A_15 = tpu.matmul %get3A_10, %get3A_13, %dot_general3A_14 {dimension_numbers = #tpu.dot_dimension_numbers<[1], [0], [0], [1], [0, 0, 1, 1], [], []>, precision = #tpu.contract_precision<fp32>, transpose_lhs_hint = false} : vector<2000x128xf32>, vector<128x128xf32>, vector<2000x128xf32> -> vector<2000x128xf32>
    %swap3A_16 = arith.constant 0 : index
    %swap3A_17 = arith.constant 0 : index
    %swap3A_18 = vector.load %arg5[%swap3A_16, %swap3A_17] : memref<2000x128xf32, #tpu.memory_space<vmem>>, vector<2000x128xf32>
    tpu.vector_store %arg5[%swap3A_16, %swap3A_17], %dot_general3A_15 {strides = array<i32>} : memref<2000x128xf32, #tpu.memory_space<vmem>>, vector<2000x128xf32>,
    return
  }
  func.func @transform_0(%arg0: i32) -> (i32, i32) {
    %c0_i32 = arith.constant 0 : i32
    %c0_i32_0 = arith.constant 0 : i32
    return %arg0, %c0_i32 : i32, i32
  }
  func.func @transform_1(%arg0: i32) -> (i32, i32) {
    %c0_i32 = arith.constant 0 : i32
    %c0_i32_0 = arith.constant 0 : i32
    %c0_i32_1 = arith.constant 0 : i32
    return %c0_i32, %c0_i32_0 : i32, i32
  }
  func.func @transform_2(%arg0: i32) -> (i32, i32) {
    %c0_i32 = arith.constant 0 : i32
    %c0_i32_0 = arith.constant 0 : i32
    %c0_i32_1 = arith.constant 0 : i32
    return %c0_i32, %c0_i32_0 : i32, i32
  }
  func.func @transform_3(%arg0: i32) -> (i32, i32) {
    %c0_i32 = arith.constant 0 : i32
    %c0_i32_0 = arith.constant 0 : i32
    return %arg0, %c0_i32 : i32, i32
  }
  func.func @transform_4(%arg0: i32) -> (i32, i32) {
    %c0_i32 = arith.constant 0 : i32
    %c0_i32_0 = arith.constant 0 : i32
    return %arg0, %c0_i32 : i32, i32
  }
}

module attributes {stable_mosaic.version = 14 : i64} {
  func.func @body(%arg0: i32, %arg1: memref<1000x128xf32, #tpu.memory_space<vmem>>, %arg2: memref<1000x128xf32, #tpu.memory_space<vmem>>, %arg3: memref<1000x32xf32, #tpu.memory_space<vmem>>, %arg4: memref<32x128xf32, #tpu.memory_space<vmem>>, %arg5: memref<1x128xf32, #tpu.memory_space<vmem>>, %arg6: memref<128x128xf32, #tpu.memory_space<vmem>>, %arg7: memref<1x128xf32, #tpu.memory_space<vmem>>, %arg8: memref<1000x128xf32, #tpu.memory_space<vmem>>) attributes {dimension_semantics = [#tpu.dimension_semantics<arbitrary>], iteration_bounds = array<i64: 320>, scalar_prefetch = 0 : i64, scratch_operands = 0 : i64, tpu.core_type = #tpu.core_type<tc>, window_params = [{transform_indices = @transform_0, window_bounds = array<i64: 1000, 128>}, {transform_indices = @transform_1, window_bounds = array<i64: 1000, 128>}, {transform_indices = @transform_2, window_bounds = array<i64: 1000, 32>}, {pipeline_mode = #tpu.pipeline_mode<synchronous>, transform_indices = @transform_3, window_bounds = array<i64: 32, 128>}, {pipeline_mode = #tpu.pipeline_mode<synchronous>, transform_indices = @transform_4, window_bounds = array<i64: 1, 128>}, {pipeline_mode = #tpu.pipeline_mode<synchronous>, transform_indices = @transform_5, window_bounds = array<i64: 128, 128>}, {pipeline_mode = #tpu.pipeline_mode<synchronous>, transform_indices = @transform_6, window_bounds = array<i64: 1, 128>}, {transform_indices = @transform_7, window_bounds = array<i64: 1000, 128>}]} {
    %get3A = arith.constant 0 : index
    %get3A_0 = arith.constant 0 : index
    %get3A_1 = vector.load %arg1[%get3A, %get3A_0] : memref<1000x128xf32, #tpu.memory_space<vmem>>, vector<1000x128xf32>
    %get3A_2 = arith.constant 0 : index
    %get3A_3 = arith.constant 0 : index
    %get3A_4 = vector.load %arg2[%get3A_2, %get3A_3] : memref<1000x128xf32, #tpu.memory_space<vmem>>, vector<1000x128xf32>
    %add3A = arith.addf %get3A_1, %get3A_4 : vector<1000x128xf32>
    %get3A_5 = arith.constant 0 : index
    %get3A_6 = arith.constant 0 : index
    %get3A_7 = vector.load %arg3[%get3A_5, %get3A_6] : memref<1000x32xf32, #tpu.memory_space<vmem>>, vector<1000x32xf32>
    %get3A_8 = arith.constant 0 : index
    %get3A_9 = arith.constant 0 : index
    %get3A_10 = vector.load %arg4[%get3A_8, %get3A_9] : memref<32x128xf32, #tpu.memory_space<vmem>>, vector<32x128xf32>
    %dot_general3A = arith.constant dense<0.000000e+00> : vector<1000x128xf32>
    %dot_general3A_11 = tpu.matmul %get3A_7, %get3A_10, %dot_general3A {dimension_numbers = #tpu.dot_dimension_numbers<[1], [0], [0], [1], [0, 0, 1, 1], [], []>, precision = #tpu.contract_precision<fp32>, transpose_lhs_hint = false} : vector<1000x32xf32>, vector<32x128xf32>, vector<1000x128xf32> -> vector<1000x128xf32>
    %add3A_12 = arith.addf %add3A, %dot_general3A_11 : vector<1000x128xf32>
    %get3A_13 = arith.constant 0 : index
    %get3A_14 = arith.constant 0 : index
    %get3A_15 = vector.load %arg5[%get3A_13, %get3A_14] : memref<1x128xf32, #tpu.memory_space<vmem>>, vector<1x128xf32>
    %add3A_16 = vector.broadcast %get3A_15 : vector<1x128xf32> to vector<1000x128xf32>
    %add3A_17 = arith.addf %add3A_12, %add3A_16 : vector<1000x128xf32>
    %logistic3A = arith.negf %add3A_17 : vector<1000x128xf32>
    %logistic3A_18 = math.exp %logistic3A : vector<1000x128xf32>
    %logistic3A_19 = arith.constant 1.000000e+00 : f32
    %logistic3A_20 = vector.broadcast %logistic3A_19 : f32 to vector<1000x128xf32>
    %logistic3A_21 = arith.addf %logistic3A_20, %logistic3A_18 : vector<1000x128xf32>
    %logistic3A_22 = arith.divf %logistic3A_20, %logistic3A_21 : vector<1000x128xf32>
    %mul3A = arith.mulf %add3A_17, %logistic3A_22 : vector<1000x128xf32>
    %get3A_23 = arith.constant 0 : index
    %get3A_24 = arith.constant 0 : index
    %get3A_25 = vector.load %arg6[%get3A_23, %get3A_24] : memref<128x128xf32, #tpu.memory_space<vmem>>, vector<128x128xf32>
    %dot_general3A_26 = arith.constant dense<0.000000e+00> : vector<1000x128xf32>
    %dot_general3A_27 = tpu.matmul %mul3A, %get3A_25, %dot_general3A_26 {dimension_numbers = #tpu.dot_dimension_numbers<[1], [0], [0], [1], [0, 0, 1, 1], [], []>, precision = #tpu.contract_precision<fp32>, transpose_lhs_hint = false} : vector<1000x128xf32>, vector<128x128xf32>, vector<1000x128xf32> -> vector<1000x128xf32>
    %get3A_28 = arith.constant 0 : index
    %get3A_29 = arith.constant 0 : index
    %get3A_30 = vector.load %arg7[%get3A_28, %get3A_29] : memref<1x128xf32, #tpu.memory_space<vmem>>, vector<1x128xf32>
    %add3A_31 = vector.broadcast %get3A_30 : vector<1x128xf32> to vector<1000x128xf32>
    %add3A_32 = arith.addf %dot_general3A_27, %add3A_31 : vector<1000x128xf32>
    %logistic3A_33 = arith.negf %add3A_32 : vector<1000x128xf32>
    %logistic3A_34 = math.exp %logistic3A_33 : vector<1000x128xf32>
    %logistic3A_35 = arith.constant 1.000000e+00 : f32
    %logistic3A_36 = vector.broadcast %logistic3A_35 : f32 to vector<1000x128xf32>
    %logistic3A_37 = arith.addf %logistic3A_36, %logistic3A_34 : vector<1000x128xf32>
    %logistic3A_38 = arith.divf %logistic3A_36, %logistic3A_37 : vector<1000x128xf32>
    %mul3A_39 = arith.mulf %add3A_32, %logistic3A_38 : vector<1000x128xf32>
    %swap3A = arith.constant 0 : index
    %swap3A_40 = arith.constant 0 : index
    %swap3A_41 = vector.load %arg8[%swap3A, %swap3A_40] : memref<1000x128xf32, #tpu.memory_space<vmem>>, vector<1000x128xf32>
    tpu.vector_store %arg8[%swap3A, %swap3A_40], %mul3A_39 {strides = array<i32>} : memref<1000x128xf32, #tpu.memory_space<vmem>>, vector<1000x128xf32>,
    return
  }
  func.func @transform_0(%arg0: i32) -> (i32, i32) {
    %c0_i32 = arith.constant 0 : i32
    %c0_i32_0 = arith.constant 0 : i32
    return %arg0, %c0_i32 : i32, i32
  }
  func.func @transform_1(%arg0: i32) -> (i32, i32) {
    %c0_i32 = arith.constant 0 : i32
    %c0_i32_0 = arith.constant 0 : i32
    return %arg0, %c0_i32 : i32, i32
  }
  func.func @transform_2(%arg0: i32) -> (i32, i32) {
    %c0_i32 = arith.constant 0 : i32
    %c0_i32_0 = arith.constant 0 : i32
    return %arg0, %c0_i32 : i32, i32
  }
  func.func @transform_3(%arg0: i32) -> (i32, i32) {
    %c0_i32 = arith.constant 0 : i32
    %c0_i32_0 = arith.constant 0 : i32
    %c0_i32_1 = arith.constant 0 : i32
    return %c0_i32, %c0_i32_0 : i32, i32
  }
  func.func @transform_4(%arg0: i32) -> (i32, i32) {
    %c0_i32 = arith.constant 0 : i32
    %c0_i32_0 = arith.constant 0 : i32
    %c0_i32_1 = arith.constant 0 : i32
    return %c0_i32, %c0_i32_0 : i32, i32
  }
  func.func @transform_5(%arg0: i32) -> (i32, i32) {
    %c0_i32 = arith.constant 0 : i32
    %c0_i32_0 = arith.constant 0 : i32
    %c0_i32_1 = arith.constant 0 : i32
    return %c0_i32, %c0_i32_0 : i32, i32
  }
  func.func @transform_6(%arg0: i32) -> (i32, i32) {
    %c0_i32 = arith.constant 0 : i32
    %c0_i32_0 = arith.constant 0 : i32
    %c0_i32_1 = arith.constant 0 : i32
    return %c0_i32, %c0_i32_0 : i32, i32
  }
  func.func @transform_7(%arg0: i32) -> (i32, i32) {
    %c0_i32 = arith.constant 0 : i32
    %c0_i32_0 = arith.constant 0 : i32
    return %arg0, %c0_i32 : i32, i32
  }
}

module attributes {stable_mosaic.version = 14 : i64} {
  func.func @body(%arg0: i32, %arg1: memref<2000x128xf32, #tpu.memory_space<vmem>>, %arg2: memref<2x2000x128xf32, #tpu.memory_space<vmem>>, %arg3: memref<128x128xf32, #tpu.memory_space<vmem>>, %arg4: memref<128x128xf32, #tpu.memory_space<vmem>>, %arg5: memref<1x128xf32, #tpu.memory_space<vmem>>, %arg6: memref<128x128xf32, #tpu.memory_space<vmem>>, %arg7: memref<1x128xf32, #tpu.memory_space<vmem>>, %arg8: memref<128x128xf32, #tpu.memory_space<vmem>>, %arg9: memref<128x128xf32, #tpu.memory_space<vmem>>, %arg10: memref<2000x128xf32, #tpu.memory_space<vmem>>, %arg11: memref<2000x128xf32, #tpu.memory_space<vmem>>, %arg12: memref<2000x128xf32, #tpu.memory_space<vmem>>) attributes {dimension_semantics = [#tpu.dimension_semantics<arbitrary>], iteration_bounds = array<i64: 5>, scalar_prefetch = 0 : i64, scratch_operands = 0 : i64, tpu.core_type = #tpu.core_type<tc>, window_params = [{transform_indices = @transform_0, window_bounds = array<i64: 2000, 128>}, {transform_indices = @transform_1, window_bounds = array<i64: 2, 2000, 128>}, {pipeline_mode = #tpu.pipeline_mode<synchronous>, transform_indices = @transform_2, window_bounds = array<i64: 128, 128>}, {pipeline_mode = #tpu.pipeline_mode<synchronous>, transform_indices = @transform_3, window_bounds = array<i64: 128, 128>}, {pipeline_mode = #tpu.pipeline_mode<synchronous>, transform_indices = @transform_4, window_bounds = array<i64: 1, 128>}, {pipeline_mode = #tpu.pipeline_mode<synchronous>, transform_indices = @transform_5, window_bounds = array<i64: 128, 128>}, {pipeline_mode = #tpu.pipeline_mode<synchronous>, transform_indices = @transform_6, window_bounds = array<i64: 1, 128>}, {pipeline_mode = #tpu.pipeline_mode<synchronous>, transform_indices = @transform_7, window_bounds = array<i64: 128, 128>}, {pipeline_mode = #tpu.pipeline_mode<synchronous>, transform_indices = @transform_8, window_bounds = array<i64: 128, 128>}, {transform_indices = @transform_9, window_bounds = array<i64: 2000, 128>}, {transform_indices = @transform_10, window_bounds = array<i64: 2000, 128>}, {transform_indices = @transform_11, window_bounds = array<i64: 2000, 128>}]} {
    %get3A = arith.constant 0 : index
    %get3A_0 = arith.constant 0 : index
    %get3A_1 = arith.constant 0 : index
    %get3A_2 = vector.load %arg2[%get3A, %get3A_0, %get3A_1] : memref<2x2000x128xf32, #tpu.memory_space<vmem>>, vector<1x2000x128xf32>
    %get3A_3 = vector.shape_cast %get3A_2 : vector<1x2000x128xf32> to vector<2000x128xf32>
    %get3A_4 = arith.constant 1 : index
    %get3A_5 = arith.constant 0 : index
    %get3A_6 = arith.constant 0 : index
    %get3A_7 = vector.load %arg2[%get3A_4, %get3A_5, %get3A_6] : memref<2x2000x128xf32, #tpu.memory_space<vmem>>, vector<1x2000x128xf32>
    %get3A_8 = vector.shape_cast %get3A_7 : vector<1x2000x128xf32> to vector<2000x128xf32>
    %add3A = arith.addf %get3A_3, %get3A_8 : vector<2000x128xf32>
    %get3A_9 = arith.constant 0 : index
    %get3A_10 = arith.constant 0 : index
    %get3A_11 = vector.load %arg1[%get3A_9, %get3A_10] : memref<2000x128xf32, #tpu.memory_space<vmem>>, vector<2000x128xf32>
    %get3A_12 = arith.constant 0 : index
    %get3A_13 = arith.constant 0 : index
    %get3A_14 = vector.load %arg3[%get3A_12, %get3A_13] : memref<128x128xf32, #tpu.memory_space<vmem>>, vector<128x128xf32>
    %dot_general3A = arith.constant dense<0.000000e+00> : vector<2000x128xf32>
    %dot_general3A_15 = tpu.matmul %get3A_11, %get3A_14, %dot_general3A {dimension_numbers = #tpu.dot_dimension_numbers<[1], [0], [0], [1], [0, 0, 1, 1], [], []>, precision = #tpu.contract_precision<fp32>, transpose_lhs_hint = false} : vector<2000x128xf32>, vector<128x128xf32>, vector<2000x128xf32> -> vector<2000x128xf32>
    %get3A_16 = arith.constant 0 : index
    %get3A_17 = arith.constant 0 : index
    %get3A_18 = vector.load %arg4[%get3A_16, %get3A_17] : memref<128x128xf32, #tpu.memory_space<vmem>>, vector<128x128xf32>
    %dot_general3A_19 = arith.constant dense<0.000000e+00> : vector<2000x128xf32>
    %dot_general3A_20 = tpu.matmul %add3A, %get3A_18, %dot_general3A_19 {dimension_numbers = #tpu.dot_dimension_numbers<[1], [0], [0], [1], [0, 0, 1, 1], [], []>, precision = #tpu.contract_precision<fp32>, transpose_lhs_hint = false} : vector<2000x128xf32>, vector<128x128xf32>, vector<2000x128xf32> -> vector<2000x128xf32>
    %add3A_21 = arith.addf %dot_general3A_15, %dot_general3A_20 : vector<2000x128xf32>
    %get3A_22 = arith.constant 0 : index
    %get3A_23 = arith.constant 0 : index
    %get3A_24 = vector.load %arg5[%get3A_22, %get3A_23] : memref<1x128xf32, #tpu.memory_space<vmem>>, vector<1x128xf32>
    %add3A_25 = vector.broadcast %get3A_24 : vector<1x128xf32> to vector<2000x128xf32>
    %add3A_26 = arith.addf %add3A_21, %add3A_25 : vector<2000x128xf32>
    %logistic3A = arith.negf %add3A_26 : vector<2000x128xf32>
    %logistic3A_27 = math.exp %logistic3A : vector<2000x128xf32>
    %logistic3A_28 = arith.constant 1.000000e+00 : f32
    %logistic3A_29 = vector.broadcast %logistic3A_28 : f32 to vector<2000x128xf32>
    %logistic3A_30 = arith.addf %logistic3A_29, %logistic3A_27 : vector<2000x128xf32>
    %logistic3A_31 = arith.divf %logistic3A_29, %logistic3A_30 : vector<2000x128xf32>
    %mul3A = arith.mulf %add3A_26, %logistic3A_31 : vector<2000x128xf32>
    %get3A_32 = arith.constant 0 : index
    %get3A_33 = arith.constant 0 : index
    %get3A_34 = vector.load %arg6[%get3A_32, %get3A_33] : memref<128x128xf32, #tpu.memory_space<vmem>>, vector<128x128xf32>
    %dot_general3A_35 = arith.constant dense<0.000000e+00> : vector<2000x128xf32>
    %dot_general3A_36 = tpu.matmul %mul3A, %get3A_34, %dot_general3A_35 {dimension_numbers = #tpu.dot_dimension_numbers<[1], [0], [0], [1], [0, 0, 1, 1], [], []>, precision = #tpu.contract_precision<fp32>, transpose_lhs_hint = false} : vector<2000x128xf32>, vector<128x128xf32>, vector<2000x128xf32> -> vector<2000x128xf32>
    %get3A_37 = arith.constant 0 : index
    %get3A_38 = arith.constant 0 : index
    %get3A_39 = vector.load %arg7[%get3A_37, %get3A_38] : memref<1x128xf32, #tpu.memory_space<vmem>>, vector<1x128xf32>
    %add3A_40 = vector.broadcast %get3A_39 : vector<1x128xf32> to vector<2000x128xf32>
    %add3A_41 = arith.addf %dot_general3A_36, %add3A_40 : vector<2000x128xf32>
    %swap3A = arith.constant 0 : index
    %swap3A_42 = arith.constant 0 : index
    %swap3A_43 = vector.load %arg10[%swap3A, %swap3A_42] : memref<2000x128xf32, #tpu.memory_space<vmem>>, vector<2000x128xf32>
    tpu.vector_store %arg10[%swap3A, %swap3A_42], %add3A_41 {strides = array<i32>} : memref<2000x128xf32, #tpu.memory_space<vmem>>, vector<2000x128xf32>,
    %get3A_44 = arith.constant 0 : index
    %get3A_45 = arith.constant 0 : index
    %get3A_46 = vector.load %arg8[%get3A_44, %get3A_45] : memref<128x128xf32, #tpu.memory_space<vmem>>, vector<128x128xf32>
    %dot_general3A_47 = arith.constant dense<0.000000e+00> : vector<2000x128xf32>
    %dot_general3A_48 = tpu.matmul %add3A_41, %get3A_46, %dot_general3A_47 {dimension_numbers = #tpu.dot_dimension_numbers<[1], [0], [0], [1], [0, 0, 1, 1], [], []>, precision = #tpu.contract_precision<fp32>, transpose_lhs_hint = false} : vector<2000x128xf32>, vector<128x128xf32>, vector<2000x128xf32> -> vector<2000x128xf32>
    %swap3A_49 = arith.constant 0 : index
    %swap3A_50 = arith.constant 0 : index
    %swap3A_51 = vector.load %arg11[%swap3A_49, %swap3A_50] : memref<2000x128xf32, #tpu.memory_space<vmem>>, vector<2000x128xf32>
    tpu.vector_store %arg11[%swap3A_49, %swap3A_50], %dot_general3A_48 {strides = array<i32>} : memref<2000x128xf32, #tpu.memory_space<vmem>>, vector<2000x128xf32>,
    %get3A_52 = arith.constant 0 : index
    %get3A_53 = arith.constant 0 : index
    %get3A_54 = vector.load %arg9[%get3A_52, %get3A_53] : memref<128x128xf32, #tpu.memory_space<vmem>>, vector<128x128xf32>
    %dot_general3A_55 = arith.constant dense<0.000000e+00> : vector<2000x128xf32>
    %dot_general3A_56 = tpu.matmul %add3A_41, %get3A_54, %dot_general3A_55 {dimension_numbers = #tpu.dot_dimension_numbers<[1], [0], [0], [1], [0, 0, 1, 1], [], []>, precision = #tpu.contract_precision<fp32>, transpose_lhs_hint = false} : vector<2000x128xf32>, vector<128x128xf32>, vector<2000x128xf32> -> vector<2000x128xf32>
    %swap3A_57 = arith.constant 0 : index
    %swap3A_58 = arith.constant 0 : index
    %swap3A_59 = vector.load %arg12[%swap3A_57, %swap3A_58] : memref<2000x128xf32, #tpu.memory_space<vmem>>, vector<2000x128xf32>
    tpu.vector_store %arg12[%swap3A_57, %swap3A_58], %dot_general3A_56 {strides = array<i32>} : memref<2000x128xf32, #tpu.memory_space<vmem>>, vector<2000x128xf32>,
    return
  }
  func.func @transform_0(%arg0: i32) -> (i32, i32) {
    %c0_i32 = arith.constant 0 : i32
    %c0_i32_0 = arith.constant 0 : i32
    return %arg0, %c0_i32 : i32, i32
  }
  func.func @transform_1(%arg0: i32) -> (i32, i32, i32) {
    %c0_i32 = arith.constant 0 : i32
    %c0_i32_0 = arith.constant 0 : i32
    %c0_i32_1 = arith.constant 0 : i32
    return %c0_i32, %arg0, %c0_i32_0 : i32, i32, i32
  }
  func.func @transform_2(%arg0: i32) -> (i32, i32) {
    %c0_i32 = arith.constant 0 : i32
    %c0_i32_0 = arith.constant 0 : i32
    %c0_i32_1 = arith.constant 0 : i32
    return %c0_i32, %c0_i32_0 : i32, i32
  }
  func.func @transform_3(%arg0: i32) -> (i32, i32) {
    %c0_i32 = arith.constant 0 : i32
    %c0_i32_0 = arith.constant 0 : i32
    %c0_i32_1 = arith.constant 0 : i32
    return %c0_i32, %c0_i32_0 : i32, i32
  }
  func.func @transform_4(%arg0: i32) -> (i32, i32) {
    %c0_i32 = arith.constant 0 : i32
    %c0_i32_0 = arith.constant 0 : i32
    %c0_i32_1 = arith.constant 0 : i32
    return %c0_i32, %c0_i32_0 : i32, i32
  }
  func.func @transform_5(%arg0: i32) -> (i32, i32) {
    %c0_i32 = arith.constant 0 : i32
    %c0_i32_0 = arith.constant 0 : i32
    %c0_i32_1 = arith.constant 0 : i32
    return %c0_i32, %c0_i32_0 : i32, i32
  }
  func.func @transform_6(%arg0: i32) -> (i32, i32) {
    %c0_i32 = arith.constant 0 : i32
    %c0_i32_0 = arith.constant 0 : i32
    %c0_i32_1 = arith.constant 0 : i32
    return %c0_i32, %c0_i32_0 : i32, i32
  }
  func.func @transform_7(%arg0: i32) -> (i32, i32) {
    %c0_i32 = arith.constant 0 : i32
    %c0_i32_0 = arith.constant 0 : i32
    %c0_i32_1 = arith.constant 0 : i32
    return %c0_i32, %c0_i32_0 : i32, i32
  }
  func.func @transform_8(%arg0: i32) -> (i32, i32) {
    %c0_i32 = arith.constant 0 : i32
    %c0_i32_0 = arith.constant 0 : i32
    %c0_i32_1 = arith.constant 0 : i32
    return %c0_i32, %c0_i32_0 : i32, i32
  }
  func.func @transform_9(%arg0: i32) -> (i32, i32) {
    %c0_i32 = arith.constant 0 : i32
    %c0_i32_0 = arith.constant 0 : i32
    return %arg0, %c0_i32 : i32, i32
  }
  func.func @transform_10(%arg0: i32) -> (i32, i32) {
    %c0_i32 = arith.constant 0 : i32
    %c0_i32_0 = arith.constant 0 : i32
    return %arg0, %c0_i32 : i32, i32
  }
  func.func @transform_11(%arg0: i32) -> (i32, i32) {
    %c0_i32 = arith.constant 0 : i32
    %c0_i32_0 = arith.constant 0 : i32
    return %arg0, %c0_i32 : i32, i32
  }
}

module attributes {stable_mosaic.version = 14 : i64} {
  func.func @body(%arg0: i32, %arg1: memref<2000x128xf32, #tpu.memory_space<vmem>>, %arg2: memref<2x2000x128xf32, #tpu.memory_space<vmem>>, %arg3: memref<128x128xf32, #tpu.memory_space<vmem>>, %arg4: memref<128x128xf32, #tpu.memory_space<vmem>>, %arg5: memref<1x128xf32, #tpu.memory_space<vmem>>, %arg6: memref<128x128xf32, #tpu.memory_space<vmem>>, %arg7: memref<1x128xf32, #tpu.memory_space<vmem>>, %arg8: memref<2000x128xf32, #tpu.memory_space<vmem>>) attributes {dimension_semantics = [#tpu.dimension_semantics<arbitrary>], iteration_bounds = array<i64: 5>, scalar_prefetch = 0 : i64, scratch_operands = 0 : i64, tpu.core_type = #tpu.core_type<tc>, window_params = [{transform_indices = @transform_0, window_bounds = array<i64: 2000, 128>}, {transform_indices = @transform_1, window_bounds = array<i64: 2, 2000, 128>}, {pipeline_mode = #tpu.pipeline_mode<synchronous>, transform_indices = @transform_2, window_bounds = array<i64: 128, 128>}, {pipeline_mode = #tpu.pipeline_mode<synchronous>, transform_indices = @transform_3, window_bounds = array<i64: 128, 128>}, {pipeline_mode = #tpu.pipeline_mode<synchronous>, transform_indices = @transform_4, window_bounds = array<i64: 1, 128>}, {pipeline_mode = #tpu.pipeline_mode<synchronous>, transform_indices = @transform_5, window_bounds = array<i64: 128, 128>}, {pipeline_mode = #tpu.pipeline_mode<synchronous>, transform_indices = @transform_6, window_bounds = array<i64: 1, 128>}, {transform_indices = @transform_7, window_bounds = array<i64: 2000, 128>}]} {
    %get3A = arith.constant 0 : index
    %get3A_0 = arith.constant 0 : index
    %get3A_1 = arith.constant 0 : index
    %get3A_2 = vector.load %arg2[%get3A, %get3A_0, %get3A_1] : memref<2x2000x128xf32, #tpu.memory_space<vmem>>, vector<1x2000x128xf32>
    %get3A_3 = vector.shape_cast %get3A_2 : vector<1x2000x128xf32> to vector<2000x128xf32>
    %get3A_4 = arith.constant 1 : index
    %get3A_5 = arith.constant 0 : index
    %get3A_6 = arith.constant 0 : index
    %get3A_7 = vector.load %arg2[%get3A_4, %get3A_5, %get3A_6] : memref<2x2000x128xf32, #tpu.memory_space<vmem>>, vector<1x2000x128xf32>
    %get3A_8 = vector.shape_cast %get3A_7 : vector<1x2000x128xf32> to vector<2000x128xf32>
    %add3A = arith.addf %get3A_3, %get3A_8 : vector<2000x128xf32>
    %get3A_9 = arith.constant 0 : index
    %get3A_10 = arith.constant 0 : index
    %get3A_11 = vector.load %arg1[%get3A_9, %get3A_10] : memref<2000x128xf32, #tpu.memory_space<vmem>>, vector<2000x128xf32>
    %get3A_12 = arith.constant 0 : index
    %get3A_13 = arith.constant 0 : index
    %get3A_14 = vector.load %arg3[%get3A_12, %get3A_13] : memref<128x128xf32, #tpu.memory_space<vmem>>, vector<128x128xf32>
    %dot_general3A = arith.constant dense<0.000000e+00> : vector<2000x128xf32>
    %dot_general3A_15 = tpu.matmul %get3A_11, %get3A_14, %dot_general3A {dimension_numbers = #tpu.dot_dimension_numbers<[1], [0], [0], [1], [0, 0, 1, 1], [], []>, precision = #tpu.contract_precision<fp32>, transpose_lhs_hint = false} : vector<2000x128xf32>, vector<128x128xf32>, vector<2000x128xf32> -> vector<2000x128xf32>
    %get3A_16 = arith.constant 0 : index
    %get3A_17 = arith.constant 0 : index
    %get3A_18 = vector.load %arg4[%get3A_16, %get3A_17] : memref<128x128xf32, #tpu.memory_space<vmem>>, vector<128x128xf32>
    %dot_general3A_19 = arith.constant dense<0.000000e+00> : vector<2000x128xf32>
    %dot_general3A_20 = tpu.matmul %add3A, %get3A_18, %dot_general3A_19 {dimension_numbers = #tpu.dot_dimension_numbers<[1], [0], [0], [1], [0, 0, 1, 1], [], []>, precision = #tpu.contract_precision<fp32>, transpose_lhs_hint = false} : vector<2000x128xf32>, vector<128x128xf32>, vector<2000x128xf32> -> vector<2000x128xf32>
    %add3A_21 = arith.addf %dot_general3A_15, %dot_general3A_20 : vector<2000x128xf32>
    %get3A_22 = arith.constant 0 : index
    %get3A_23 = arith.constant 0 : index
    %get3A_24 = vector.load %arg5[%get3A_22, %get3A_23] : memref<1x128xf32, #tpu.memory_space<vmem>>, vector<1x128xf32>
    %add3A_25 = vector.broadcast %get3A_24 : vector<1x128xf32> to vector<2000x128xf32>
    %add3A_26 = arith.addf %add3A_21, %add3A_25 : vector<2000x128xf32>
    %logistic3A = arith.negf %add3A_26 : vector<2000x128xf32>
    %logistic3A_27 = math.exp %logistic3A : vector<2000x128xf32>
    %logistic3A_28 = arith.constant 1.000000e+00 : f32
    %logistic3A_29 = vector.broadcast %logistic3A_28 : f32 to vector<2000x128xf32>
    %logistic3A_30 = arith.addf %logistic3A_29, %logistic3A_27 : vector<2000x128xf32>
    %logistic3A_31 = arith.divf %logistic3A_29, %logistic3A_30 : vector<2000x128xf32>
    %mul3A = arith.mulf %add3A_26, %logistic3A_31 : vector<2000x128xf32>
    %get3A_32 = arith.constant 0 : index
    %get3A_33 = arith.constant 0 : index
    %get3A_34 = vector.load %arg6[%get3A_32, %get3A_33] : memref<128x128xf32, #tpu.memory_space<vmem>>, vector<128x128xf32>
    %dot_general3A_35 = arith.constant dense<0.000000e+00> : vector<2000x128xf32>
    %dot_general3A_36 = tpu.matmul %mul3A, %get3A_34, %dot_general3A_35 {dimension_numbers = #tpu.dot_dimension_numbers<[1], [0], [0], [1], [0, 0, 1, 1], [], []>, precision = #tpu.contract_precision<fp32>, transpose_lhs_hint = false} : vector<2000x128xf32>, vector<128x128xf32>, vector<2000x128xf32> -> vector<2000x128xf32>
    %get3A_37 = arith.constant 0 : index
    %get3A_38 = arith.constant 0 : index
    %get3A_39 = vector.load %arg7[%get3A_37, %get3A_38] : memref<1x128xf32, #tpu.memory_space<vmem>>, vector<1x128xf32>
    %add3A_40 = vector.broadcast %get3A_39 : vector<1x128xf32> to vector<2000x128xf32>
    %add3A_41 = arith.addf %dot_general3A_36, %add3A_40 : vector<2000x128xf32>
    %swap3A = arith.constant 0 : index
    %swap3A_42 = arith.constant 0 : index
    %swap3A_43 = vector.load %arg8[%swap3A, %swap3A_42] : memref<2000x128xf32, #tpu.memory_space<vmem>>, vector<2000x128xf32>
    tpu.vector_store %arg8[%swap3A, %swap3A_42], %add3A_41 {strides = array<i32>} : memref<2000x128xf32, #tpu.memory_space<vmem>>, vector<2000x128xf32>,
    return
  }
  func.func @transform_0(%arg0: i32) -> (i32, i32) {
    %c0_i32 = arith.constant 0 : i32
    %c0_i32_0 = arith.constant 0 : i32
    return %arg0, %c0_i32 : i32, i32
  }
  func.func @transform_1(%arg0: i32) -> (i32, i32, i32) {
    %c0_i32 = arith.constant 0 : i32
    %c0_i32_0 = arith.constant 0 : i32
    %c0_i32_1 = arith.constant 0 : i32
    return %c0_i32, %arg0, %c0_i32_0 : i32, i32, i32
  }
  func.func @transform_2(%arg0: i32) -> (i32, i32) {
    %c0_i32 = arith.constant 0 : i32
    %c0_i32_0 = arith.constant 0 : i32
    %c0_i32_1 = arith.constant 0 : i32
    return %c0_i32, %c0_i32_0 : i32, i32
  }
  func.func @transform_3(%arg0: i32) -> (i32, i32) {
    %c0_i32 = arith.constant 0 : i32
    %c0_i32_0 = arith.constant 0 : i32
    %c0_i32_1 = arith.constant 0 : i32
    return %c0_i32, %c0_i32_0 : i32, i32
  }
  func.func @transform_4(%arg0: i32) -> (i32, i32) {
    %c0_i32 = arith.constant 0 : i32
    %c0_i32_0 = arith.constant 0 : i32
    %c0_i32_1 = arith.constant 0 : i32
    return %c0_i32, %c0_i32_0 : i32, i32
  }
  func.func @transform_5(%arg0: i32) -> (i32, i32) {
    %c0_i32 = arith.constant 0 : i32
    %c0_i32_0 = arith.constant 0 : i32
    %c0_i32_1 = arith.constant 0 : i32
    return %c0_i32, %c0_i32_0 : i32, i32
  }
  func.func @transform_6(%arg0: i32) -> (i32, i32) {
    %c0_i32 = arith.constant 0 : i32
    %c0_i32_0 = arith.constant 0 : i32
    %c0_i32_1 = arith.constant 0 : i32
    return %c0_i32, %c0_i32_0 : i32, i32
  }
  func.func @transform_7(%arg0: i32) -> (i32, i32) {
    %c0_i32 = arith.constant 0 : i32
    %c0_i32_0 = arith.constant 0 : i32
    return %arg0, %c0_i32 : i32, i32
  }
}

</mosaic_0001>

<sc_bundles>
// kernel: kernel.16.cloned.1.call-start
scs
__scs_entry_jumppad:
0x0: {  	(pc) =	sbr.rel $0x88, $3  }
0x1: {  	(tag) =	ssettag $0x0;
	lr =	simm.s32 $0x1  }
0x2: {  	[smem:$0x3F95] =	sst lr;
	_ =	strace $0xD0000000  }
0x3: {  	_ = 	snop  }
0x4: {  	_ = 	snop  }
0x5: {  	_ = 	snop  }
0x6: {  	_ = 	snop  }
0x7: {  	_ = 	snop  }
__scs_overlays_trampoline_lowered:
0x8: {  	[smem:$0x3FA4] =	sst s0  }
0x9: {  	[smem:$0x3FA5] =	sst s1  }
0xa: {  	[smem:$0x3FA6] =	sst s2  }
0xb: {  	[smem:$0x3FA7] =	sst s3  }
0xc: {  	[smem:$0x3FA8] =	sst s4  }
0xd: {  	[smem:$0x3FA9] =	sst s5  }
0xe: {  	[smem:$0x3FAA] =	sst s6  }
0xf: {  	[smem:$0x3FAB] =	sst s7  }
0x10: {  	[smem:$0x3FAC] =	sst s8  }
0x11: {  	[smem:$0x3FAD] =	sst s9;
	s0 =	simm.s32 @!p0 $0x0  }
0x12: {  	s1 =	sld [smem:$0x3F93];
	s0 =	simm.s32 @p0 $0x1  }
0x13: {  	[smem:$0x3FAE] =	sst s0;
	s0 =	simm.s32 @!p1 $0x0  }
0x14: {  	s2 =	sld [smem:$0x3F92];
	s0 =	simm.s32 @p1 $0x1  }
0x15: {  	[smem:$0x3FAF] =	sst s0;
	s0 =	simm.s32 @!p2 $0x0  }
0x16: {  	s3 =	sld [smem:$0x3FDB];
	s0 =	simm.s32 @p2 $0x1  }
0x17: {  	s4 =	simm.s32 $0x1BF5;
	[smem:$0x3FB1] =	sst s0  }
0x18: {  	s0 =	sld [smem:$0x3F94];
	_ =	swait.ge [sflag:s4], $0x0  }
0x19: {  	s7 =	sld [smem:$0x3F95]  }
0x1a: {  	s8 =	sadd.s32 $0xFFFFE003, lr  }
0x1b: {  	s9 =	sadd.s32 $0xFFFFFEF7, lr;
	s5 =	simm.s32 $0xFFFFFFFF;
	p2 =	slt.u32 s8, $0xFFFFF086  }
0x1c: {  	p1 =	slt.u32 s9, $0xF7A;
	s5 =	simm.s32 @!p2 $0x0  }
0x1d: {  	s5 =	simm.s32 @p1 $0x1;
	p0 =	seq.s32 s7, s2  }
0x1e: {  	s7 =	smul.u32 @!p0 $0xF7A, s2;
	p2 =	seq.s32 @!p0 s5, $0x0  }
0x1f: {  	s9 =	smul.u32 $0xF7A, s1;
	s8 =	simm.s32 @!p0 $0x1BF5;
	p2 =	por !p2, p0  }
0x20: {  	[sflag:s8] =	ssyncset.s32 @!p0 $0xFFFFF086;
	s6 =	sadd.s32 @!p0 s3, s7;
	s7 =	simm.s32 @!p0 $0x108  }
0x21: {  	s3 =	sadd.s32 s3, s9;
	s6 =	sadd.s32 @!p0 $0x88, s6;
	s7 =	simm.s32 @p2 $0x1082  }
0x22: {  	[simem:s7], [sflag:s8] =	dma.local @!p0 [hbm:s6], $0xF7A  }
0x23: {  	s9 =	sor.u32 $0xD0000000, s2;
	s6 =	simm.s32 $0x108;
	_ =	swait.ge @!p0 [sflag:s8], $0x0  }
0x24: {  	s3 =	sadd.s32 $0x88, s3;
	s6 =	simm.s32 @!p1 $0x1082;
	[sflag:s4] =	ssyncset.s32 $0xFFFFF086  }
0x25: {  	[simem:s6], [sflag:s4] =	dma.local [hbm:s3], $0xF7A  }
0x26: {  	[smem:$0x3F95] =	sst s1;
	(tag) =	ssettag s2;
	_ =	strace s9  }
0x27: {  	s1 =	sld [smem:$0x3FA5]  }
0x28: {  	s2 =	sld [smem:$0x3FA6]  }
0x29: {  	s4 =	sld [smem:$0x3FA8]  }
0x2a: {  	p0 =	seq.s32 s5, $0x0;
	s5 =	sld [smem:$0x3FA9]  }
0x2b: {  	s6 =	sld [smem:$0x3FAA]  }
0x2c: {  	s7 =	sld [smem:$0x3FAB]  }
0x2d: {  	s3 =	simm.s32 $0x108;
	s8 =	sld [smem:$0x3FAC]  }
0x2e: {  	s3 =	simm.s32 @!p0 $0x1082;
	s9 =	sld [smem:$0x3FAD]  }
0x2f: {  	lr =	sadd.s32 s0, s3;
	s0 =	sld [smem:$0x3FA4]  }
0x30: {  	s3 =	sld [smem:$0x3FA7]  }
0x31: {  	[smem:$0x3FB0] =	sst s10  }
0x32: {  	s10 =	sld [smem:$0x3FAE];
	_ =	sdelay $0x3  }
0x33: {  	p0 =	seq.s32 s10, $0x1;
	s10 =	sld [smem:$0x3FB0];
	_ =	sdelay $0x3  }
0x34: {  	[smem:$0x3FB0] =	sst s10  }
0x35: {  	s10 =	sld [smem:$0x3FAF];
	_ =	sdelay $0x3  }
0x36: {  	p1 =	seq.s32 s10, $0x1;
	s10 =	sld [smem:$0x3FB0];
	_ =	sdelay $0x3  }
0x37: {  	[smem:$0x3FB0] =	sst s10  }
0x38: {  	s10 =	sld [smem:$0x3FB1]  }
0x39: {  	_ = 	snop;
	(pc) =	sbr.ind lr, $3  }
0x3a: {  	_ = 	snop  }
0x3b: {  	_ = 	snop  }
0x3c: {  	p2 =	seq.s32 s10, $0x1;
	s10 =	sld [smem:$0x3FB0]  }
0x3d: {  	_ =	shalt  }
0x3e: {  	_ =	shalt  }
0x3f: {  	_ =	shalt  }
0x40: {  	_ =	shalt  }
0x41: {  	_ =	shalt  }
0x42: {  	_ =	shalt  }
0x43: {  	_ =	shalt  }
0x44: {  	_ =	shalt  }
0x45: {  	_ =	shalt  }
0x46: {  	_ =	shalt  }
0x47: {  	_ =	shalt  }
0x48: {  	_ =	shalt  }
0x49: {  	_ =	shalt  }
0x4a: {  	_ =	shalt  }
0x4b: {  	_ =	shalt  }
0x4c: {  	_ =	shalt  }
0x4d: {  	_ =	shalt  }
0x4e: {  	_ =	shalt  }
0x4f: {  	_ =	shalt  }
0x50: {  	_ =	shalt  }
0x51: {  	_ =	shalt  }
0x52: {  	_ =	shalt  }
0x53: {  	_ =	shalt  }
0x54: {  	_ =	shalt  }
0x55: {  	_ =	shalt  }
0x56: {  	_ =	shalt  }
0x57: {  	_ =	shalt  }
0x58: {  	_ =	shalt  }
0x59: {  	_ =	shalt  }
0x5a: {  	_ =	shalt  }
0x5b: {  	_ =	shalt  }
0x5c: {  	_ =	shalt  }
0x5d: {  	_ =	shalt  }
0x5e: {  	_ =	shalt  }
0x5f: {  	_ =	shalt  }
0x60: {  	_ =	shalt  }
0x61: {  	_ =	shalt  }
0x62: {  	_ =	shalt  }
0x63: {  	_ =	shalt  }
0x64: {  	_ =	shalt  }
0x65: {  	_ =	shalt  }
0x66: {  	_ =	shalt  }
0x67: {  	_ =	shalt  }
0x68: {  	_ =	shalt  }
0x69: {  	_ =	shalt  }
0x6a: {  	_ =	shalt  }
0x6b: {  	_ =	shalt  }
0x6c: {  	_ =	shalt  }
0x6d: {  	_ =	shalt  }
0x6e: {  	_ =	shalt  }
0x6f: {  	_ =	shalt  }
0x70: {  	_ =	shalt  }
0x71: {  	_ =	shalt  }
0x72: {  	_ =	shalt  }
0x73: {  	_ =	shalt  }
0x74: {  	_ =	shalt  }
0x75: {  	_ =	shalt  }
0x76: {  	_ =	shalt  }
0x77: {  	_ =	shalt  }
0x78: {  	_ =	shalt  }
0x79: {  	_ =	shalt  }
0x7a: {  	_ =	shalt  }
0x7b: {  	_ =	shalt  }
0x7c: {  	_ =	shalt  }
0x7d: {  	_ =	shalt  }
0x7e: {  	_ =	shalt  }
0x7f: {  	_ =	shalt  }
0x80: {  	_ =	shalt  }
0x81: {  	_ =	shalt  }
0x82: {  	_ =	shalt  }
0x83: {  	_ =	shalt  }
0x84: {  	_ =	shalt  }
0x85: {  	_ =	shalt  }
0x86: {  	_ =	shalt  }
0x87: {  	_ =	shalt  }
.Lfunc_end0:
.L_simem_size_0:
called_computation_lowered:
.L_overlay_start_0:
0x88: {  	s2 =	sld [smem:$0x3FD9]  }
0x89: {  	s3 =	sld [smem:$0x3FFE];
	_ =	sdelay $0x1  }
0x8a: {  	s1 =	srdreg.scid  }
0x8b: {  	s0 =	sand.u32 $0x1, s1  }
0x8c: {  	s16 =	sshll.u32 s0, $0xA;
	s2 =	sadd.s32 s3, s2  }
0x8d: {  	s2 =	sadd.s32 s2, s16  }
0x8e: {  	[smem:$0x3FBC] =	sst s2  }
0x8f: {  	_ = 	snop  }
0x90: {  	(tm) =	ssettm $0x1  }
0x91: {  	s17 =	sld [smem:$0x3FFB];
	_ =	sdelay $0x3  }
0x92: {  	_ =	strace s17  }
0x93: {  	s2 =	sld [smem:$0x3FFC];
	_ =	sdelay $0x3  }
0x94: {  	_ =	strace s2  }
0x95: {  	s2 =	sld [smem:$0x3FFD];
	_ =	sdelay $0x3  }
0x96: {  	_ =	strace s2  }
0x97: {  	_ =	strace $0x8FFFFFFF  }
0x98: {  	s18 =	sld [smem:$0x3FDB];
	_ =	sdelay $0x1  }
0x99: {  	s19 =	simm.s32 $_scs_section_size  }
0x9a: {  	s4 =	simm.s32 $_size__tile_overlayer_lowered;
	s5 =	simm.s32 $_tile_overlayer_lowered  }
0x9b: {  	s22 =	simm.s32 $0x1BFF;
	s21 =	sshll.u32 s5, $0x1;
	s2 =	sadd.s32 s19, s18  }
0x9c: {  	s6 =	simm.s32 $0x0;
	s20 =	sshll.u32 s4, $0x1;
	s4 =	sadd.s32 s21, s2  }
0x9d: {  	[timem:s6], [sflag:s22] =	dma.local [hbm:s4], s20  }
0x9e: {  	_ =	swait.ge [sflag:s22], s20  }
0x9f: {  	s3 =	ssub.s32 $0x0, s20;
	[sflag:s22] =	ssyncset.done $0x0  }
0xa0: {  	[sflag:s22] =	ssyncadd.s32 s3;
	_ =	sdelay $0x1  }
0xa1: {  	s23 =	simm.s32 $0x1B8B  }
0xa2: {  	_ =	swait.ge [sflag:s23], $0x1  }
0xa3: {  	[sflag:s23] =	ssyncset.done $0x0  }
0xa4: {  	s25 =	simm.s32 $0x1B8E;
	s24 =	sld [smem:$0x3FFE];
	[sflag:s23] =	ssyncadd.s32 $0xFFFFFFFF  }
0xa5: {  	s26 =	simm.s32 $execute0_lowered;
	[smem:$0x3FD2] =	sst s25  }
0xa6: {  	s4 =	sshll.u32 s26, $0x1;
	_ =	strace $0x80000046;
	[dreg:$0x1] =	wrdreg $0xFFFFFFFF  }
0xa7: {  	s28 =	simm.s32 $_size_execute0_lowered;
	s2 =	sadd.s32 s2, s4;
	[dreg:$0x0] =	wrdreg $0x0  }
0xa8: {  	s4 =	sshll.u32 s28, $0x1;
	[dreg:$0x2] =	wrdreg s2  }
0xa9: {  	[dreg:$0x3] =	wrdreg s4  }
0xaa: {  	[dreg:$0x4] =	wrdreg $0xC0  }
0xab: {  	_ =	task [dreg:s6], $0x5FFFF  }
0xac: {  	[dreg:$0x1] =	wrdreg $0xFFFFFFFF  }
0xad: {  	[dreg:$0x0] =	wrdreg $0x60  }
0xae: {  	[dreg:$0x2] =	wrdreg s24  }
0xaf: {  	[dreg:$0x3] =	wrdreg $0x9  }
0xb0: {  	_ =	task.clear_ibuf [dreg:s6], $0x4FFFF;
	_ =	strace $0x90000046  }
0xb1: {  	s29 =	simm.s32 $0x9;
	_ =	strace $0x80000048  }
0xb2: {  	_ =	swait.ge [sflag:s29], $0x1  }
0xb3: {  	[sflag:s29] =	ssyncadd.s32 $0xFFFFFFFF  }
0xb4: {  	_ =	strace $0x90000048  }
0xb5: {  	_ =	sfence  }
0xb6: {  	s30 =	sld [smem:$0x0];
	_ =	sdelay $0x2  }
0xb7: {  	s31 =	sshll.u32 s1, $0xD;
	s1 =	sshrl.u32 s1, $0x2  }
0xb8: {  	s3 =	sand.u32 $0x4000, s31;
	s1 =	sadd.s32 s1, s30  }
0xb9: {  	s0 =	sor.u32 s3, s0;
	s1 =	sshll.u32 s1, $0x11  }
0xba: {  	s0 =	sor.u32 s1, s0  }
0xbb: {  	s0 =	sadd.s32 $0x8F2B, s0  }
0xbc: {  	[sflag:s0] =	ssyncadd.remote.s32 $0x1  }
0xbd: {  	_ =	sfence.sel $0xFFFF  }
0xbe: {  	[dreg:$0x0] =	wrdreg $0xFFFFFFFF;
	(pc) =	sbr.abs _section_cstart, $3  }
0xbf: {  	[dreg:$0x1] =	wrdreg $0xFFFFFFFF  }
0xc0: {  	_ =	task.clear_ibuf [dreg:s6], $0x2FFFF;
	_ =	strace $0x9FFFFFFF  }
0xc1: {  	(tm) =	ssettm $0x7FFFFFFF  }
tec
execute0_lowered:
.L_overlay_start_1:
0x0: {  	(tag) =	ssettag $0x1  }
0x1: {  	s6 =	rddreg [dreg:$0x0]  }
0x2: {  	s0 =	rddreg [dreg:$0x1]  }
0x3: {  	s2 =	simm.s32 $0x0;
	s3 =	srdreg.scid;
	s1 =	stileid.u32  }
0x4: {  	s11 =	simm.s32 $0x2780;
	s12 =	simm.s32 $0x4F00;
	s13 =	simm.s32 $0x7680  }
0x5: {  	s14 =	simm.s32 $0xB680;
	s15 =	simm.s32 $0xF680;
	s16 =	simm.s32 $0x0  }
0x6: {  	[smem:$0x7FF] =	sst s2;
	s5 =	sand.u32 $0x1, s3;
	s3 =	sadd.s32 $0x29E00, s6  }
0x7: {  	s7 =	sshll.u32 s1, $0xC;
	s4 =	sadd.s32 $0x29800, s6;
	s8 =	sshll.u32 s5, $0xB  }
0x8: {  	_ =	strace $0x80000047;
	s30 =	ssub.s32 $0x2, s5;
	s7 =	sor.u32 s8, s7  }
0x9: {  	s5 =	sadd.s32 $0x29200, s6;
	s31 =	sshrl.u32 s30, $0x1;
	s9 =	sadd.s32 s7, s6  }
0xa: {  	s10 =	ssub.s32 s30, s31;
	s6 =	sadd.s32 $0x9200, s9;
	s7 =	sadd.s32 $0x19200, s9  }
0xb: {  	s8 =	sadd.s32 $0x2A400, s9;
	s9 =	smax.u32 s10, $0x1;
	s10 =	simm.s32 $0x1  }
.LBB2_1:
0xc: {  	[tilespmem:s2], [sflag:$0x1] =	stream.linear.gather [hbm4b:s3+s2], $0x2780, $0x38;
	[tilespmem:$0x13680] =	vst v63  }
0xd: {  	_ =	swait.ge [sflag:s10], $0x2780  }
0xe: {  	[sflag:s10] =	ssyncset.done $0x0  }
0xf: {  	[sflag:s10] =	ssyncadd.s32 $0xFFFFD880  }
0x10: {  	[tilespmem:s11], [sflag:$0x1] =	stream.linear.gather [hbm4b:s4+s2], $0x2780, $0x38;
	[tilespmem:$0x13680] =	vst v63  }
0x11: {  	_ =	swait.ge [sflag:s10], $0x2780  }
0x12: {  	[sflag:s10] =	ssyncset.done $0x0  }
0x13: {  	[sflag:s10] =	ssyncadd.s32 $0xFFFFD880  }
0x14: {  	[tilespmem:s12], [sflag:$0x1] =	stream.linear.gather [hbm4b:s5+s2], $0x2780, $0x38;
	[tilespmem:$0x13680] =	vst v63  }
0x15: {  	_ =	swait.ge [sflag:s10], $0x2780  }
0x16: {  	[sflag:s10] =	ssyncset.done $0x0  }
0x17: {  	[sflag:s10] =	ssyncadd.s32 $0xFFFFD880  }
0x18: {  	[tilespmem:s13], [sflag:$0x1] =	stream.linear.gather [hbm4b:s6+s2], $0x3E80, $0x38;
	[tilespmem:$0x13680] =	vst v63  }
0x19: {  	_ =	swait.ge [sflag:s10], $0x3E80  }
0x1a: {  	[sflag:s10] =	ssyncset.done $0x0  }
0x1b: {  	[sflag:s10] =	ssyncadd.s32 $0xFFFFC180  }
0x1c: {  	[tilespmem:s14], [sflag:$0x1] =	stream.linear.gather [hbm4b:s7+s2], $0x3E80, $0x38;
	[tilespmem:$0x13680] =	vst v63  }
0x1d: {  	_ =	swait.ge [sflag:s10], $0x3E80  }
0x1e: {  	[sflag:s10] =	ssyncset.done $0x0  }
0x1f: {  	s17 =	simm.s32 $0x0;
	[sflag:s10] =	ssyncadd.s32 $0xFFFFC180  }
0x20: {  	v0 =	vld [tilespmem:s17+$0x7680];
	_ =	sdelay $0x1  }
0x21: {  	v1 =	vld [tilespmem:s17+$0xB680];
	_ =	sdelay $0x5  }
0x22: {  	v2 =	vld.idx.msk [tilespmem:v0+s11+$0x0], $0xffff  }
0x23: {  	v3 =	vld.idx.msk [tilespmem:v0+s2+$0x0], $0xffff  }
0x24: {  	v4 =	vld.idx.msk [tilespmem:v1+s2+$0x0], $0xffff  }
0x25: {  	v5 =	vld.idx.msk [tilespmem:v1+s11+$0x0], $0xffff  }
0x26: {  	v0 =	vld.idx.msk [tilespmem:v0+s12+$0x0], $0xffff  }
0x27: {  	v1 =	vld.idx.msk [tilespmem:v1+s12+$0x0], $0xffff;
	_ =	sdelay $0x2  }
0x28: {  	v3 =	vsub.f32 v3, v4;
	v2 =	vsub.f32 v2, v5  }
0x29: {  	v58 =	vld [tilespmem:s17+$0xB690]  }
0x2a: {  	v0 =	vsub.f32 v0, v1;
	v1 =	vmul.f32 v3, v3;
	v2 =	vmul.f32 v2, v2  }
0x2b: {  	v3 =	vld [tilespmem:s17+$0x7690]  }
0x2c: {  	v0 =	vmul.f32 v0, v0;
	v1 =	vadd.f32 v2, v1;
	_ =	sdelay $0x1  }
0x2d: {  	v0 =	vadd.f32 v0, v1;
	_ =	sdelay $0x1  }
0x2e: {  	[tilespmem:s17+$0xF680] =	vst v0  }
0x2f: {  	v0 =	vld.idx.msk [tilespmem:v58+s11+$0x0], $0xffff  }
0x30: {  	v1 =	vld.idx.msk [tilespmem:v58+s2+$0x0], $0xffff  }
0x31: {  	v2 =	vld.idx.msk [tilespmem:v3+s2+$0x0], $0xffff  }
0x32: {  	v59 =	vld.idx.msk [tilespmem:v3+s11+$0x0], $0xffff  }
0x33: {  	v4 =	vld.idx.msk [tilespmem:v58+s12+$0x0], $0xffff  }
0x34: {  	v3 =	vld.idx.msk [tilespmem:v3+s12+$0x0], $0xffff;
	_ =	sdelay $0x2  }
0x35: {  	v1 =	vsub.f32 v2, v1;
	v0 =	vsub.f32 v59, v0  }
0x36: {  	v2 =	vld [tilespmem:s17+$0xB6A0]  }
0x37: {  	v60 =	vld [tilespmem:s17+$0x76A0];
	v3 =	vsub.f32 v3, v4;
	v1 =	vmul.f32 v1, v1;
	v0 =	vmul.f32 v0, v0;
	_ =	sdelay $0x1  }
0x38: {  	v0 =	vadd.f32 v0, v1;
	v1 =	vmul.f32 v3, v3;
	_ =	sdelay $0x1  }
0x39: {  	v0 =	vadd.f32 v1, v0;
	_ =	sdelay $0x1  }
0x3a: {  	[tilespmem:s17+$0xF690] =	vst v0  }
0x3b: {  	v0 =	vld.idx.msk [tilespmem:v2+s2+$0x0], $0xffff  }
0x3c: {  	v1 =	vld.idx.msk [tilespmem:v60+s2+$0x0], $0xffff  }
0x3d: {  	v3 =	vld.idx.msk [tilespmem:v2+s11+$0x0], $0xffff  }
0x3e: {  	v61 =	vld.idx.msk [tilespmem:v60+s11+$0x0], $0xffff  }
0x3f: {  	v2 =	vld.idx.msk [tilespmem:v2+s12+$0x0], $0xffff  }
0x40: {  	v4 =	vld.idx.msk [tilespmem:v60+s12+$0x0], $0xffff;
	_ =	sdelay $0x2  }
0x41: {  	v0 =	vsub.f32 v1, v0;
	v1 =	vsub.f32 v61, v3  }
0x42: {  	v3 =	vld [tilespmem:s17+$0xB6B0]  }
0x43: {  	v2 =	vsub.f32 v4, v2;
	v0 =	vmul.f32 v0, v0;
	v1 =	vmul.f32 v1, v1  }
0x44: {  	v62 =	vld [tilespmem:s17+$0x76B0]  }
0x45: {  	v0 =	vadd.f32 v1, v0;
	v1 =	vmul.f32 v2, v2;
	_ =	sdelay $0x1  }
0x46: {  	v0 =	vadd.f32 v1, v0;
	_ =	sdelay $0x1  }
0x47: {  	[tilespmem:s17+$0xF6A0] =	vst v0  }
0x48: {  	v0 =	vld.idx.msk [tilespmem:v3+s11+$0x0], $0xffff  }
0x49: {  	v1 =	vld.idx.msk [tilespmem:v3+s2+$0x0], $0xffff  }
0x4a: {  	v2 =	vld.idx.msk [tilespmem:v62+s2+$0x0], $0xffff  }
0x4b: {  	v63 =	vld.idx.msk [tilespmem:v62+s11+$0x0], $0xffff  }
0x4c: {  	v4 =	vld.idx.msk [tilespmem:v62+s12+$0x0], $0xffff  }
0x4d: {  	v3 =	vld.idx.msk [tilespmem:v3+s12+$0x0], $0xffff;
	_ =	sdelay $0x2  }
0x4e: {  	v1 =	vsub.f32 v2, v1;
	v2 =	vsub.f32 v63, v0;
	_ =	sdelay $0x1  }
0x4f: {  	v3 =	vsub.f32 v4, v3;
	v1 =	vmul.f32 v1, v1;
	v2 =	vmul.f32 v2, v2;
	_ =	sdelay $0x1  }
0x50: {  	v0 =	vld [tilespmem:s17+$0x76C0];
	v1 =	vadd.f32 v2, v1;
	v2 =	vmul.f32 v3, v3;
	_ =	sdelay $0x1  }
0x51: {  	v2 =	vadd.f32 v2, v1;
	v1 =	vld [tilespmem:s17+$0xB6C0];
	_ =	sdelay $0x4  }
0x52: {  	[tilespmem:s17+$0xF6B0] =	vst v2  }
0x53: {  	s18 =	simm.s32 $0x200;
	v2 =	vld.idx.msk [tilespmem:v0+s12+$0x0], $0xffff  }
.LBB2_2:
0x54: {  	p0 =	sne.s32 s18, $0xF800;
	v3 =	vld.idx.msk [tilespmem:v0+s2+$0x0], $0xffff;
	s19 =	smov.u32 s18;
	s18 =	sadd.s32 $0x200, s18  }
0x55: {  	v4 =	vld.idx.msk [tilespmem:v1+s12+$0x0], $0xffff  }
0x56: {  	v5 =	vld.idx.msk [tilespmem:v1+s11+$0x0], $0xffff  }
0x57: {  	v1 =	vld.idx.msk [tilespmem:v1+s2+$0x0], $0xffff  }
0x58: {  	v0 =	vld.idx.msk [tilespmem:v0+s11+$0x0], $0xffff;
	_ =	sdelay $0x4  }
0x59: {  	s19 =	sshra.s32 s19, $0x2;
	v2 =	vsub.f32 v2, v4;
	v1 =	vsub.f32 v3, v1  }
0x5a: {  	v0 =	vsub.f32 v0, v5;
	v3 =	vld [tilespmem:s19+$0x7680]  }
0x5b: {  	v2 =	vmul.f32 v2, v2;
	v1 =	vmul.f32 v1, v1;
	v4 =	vld [tilespmem:s19+$0xB680]  }
0x5c: {  	v0 =	vmul.f32 v0, v0;
	_ =	sdelay $0x1  }
0x5d: {  	v0 =	vadd.f32 v0, v1;
	_ =	sdelay $0x1  }
0x5e: {  	v0 =	vadd.f32 v2, v0;
	_ =	sdelay $0x1  }
0x5f: {  	[tilespmem:s17+$0xF6C0] =	vst v0;
	s17 =	smov.u32 s19  }
0x60: {  	v0 =	vld.idx.msk [tilespmem:v3+s11+$0x0], $0xffff  }
0x61: {  	v1 =	vld.idx.msk [tilespmem:v3+s2+$0x0], $0xffff  }
0x62: {  	v2 =	vld.idx.msk [tilespmem:v4+s2+$0x0], $0xffff  }
0x63: {  	v5 =	vld.idx.msk [tilespmem:v4+s11+$0x0], $0xffff  }
0x64: {  	v3 =	vld.idx.msk [tilespmem:v3+s12+$0x0], $0xffff  }
0x65: {  	v4 =	vld.idx.msk [tilespmem:v4+s12+$0x0], $0xffff;
	_ =	sdelay $0x2  }
0x66: {  	v1 =	vsub.f32 v1, v2  }
0x67: {  	v0 =	vsub.f32 v0, v5  }
0x68: {  	v2 =	vld [tilespmem:s17+$0xB690]  }
0x69: {  	v1 =	vmul.f32 v1, v1;
	v3 =	vsub.f32 v3, v4;
	v0 =	vmul.f32 v0, v0  }
0x6a: {  	v4 =	vld [tilespmem:s17+$0x7690]  }
0x6b: {  	v0 =	vadd.f32 v0, v1;
	v1 =	vmul.f32 v3, v3;
	_ =	sdelay $0x1  }
0x6c: {  	v0 =	vadd.f32 v1, v0;
	_ =	sdelay $0x1  }
0x6d: {  	[tilespmem:s17+$0xF680] =	vst v0  }
0x6e: {  	v0 =	vld.idx.msk [tilespmem:v2+s11+$0x0], $0xffff  }
0x6f: {  	v1 =	vld.idx.msk [tilespmem:v2+s2+$0x0], $0xffff  }
0x70: {  	v3 =	vld.idx.msk [tilespmem:v4+s2+$0x0], $0xffff  }
0x71: {  	v5 =	vld.idx.msk [tilespmem:v4+s11+$0x0], $0xffff  }
0x72: {  	v2 =	vld.idx.msk [tilespmem:v2+s12+$0x0], $0xffff  }
0x73: {  	v4 =	vld.idx.msk [tilespmem:v4+s12+$0x0], $0xffff;
	_ =	sdelay $0x2  }
0x74: {  	v1 =	vsub.f32 v3, v1  }
0x75: {  	v0 =	vsub.f32 v5, v0  }
0x76: {  	v3 =	vld [tilespmem:s17+$0xB6A0]  }
0x77: {  	v1 =	vmul.f32 v1, v1;
	v2 =	vsub.f32 v4, v2;
	v0 =	vmul.f32 v0, v0;
	v4 =	vld [tilespmem:s17+$0x76A0];
	_ =	sdelay $0x1  }
0x78: {  	v0 =	vadd.f32 v0, v1;
	v1 =	vmul.f32 v2, v2;
	_ =	sdelay $0x1  }
0x79: {  	v0 =	vadd.f32 v1, v0;
	_ =	sdelay $0x1  }
0x7a: {  	[tilespmem:s17+$0xF690] =	vst v0  }
0x7b: {  	v0 =	vld.idx.msk [tilespmem:v3+s2+$0x0], $0xffff  }
0x7c: {  	v1 =	vld.idx.msk [tilespmem:v4+s2+$0x0], $0xffff  }
0x7d: {  	v2 =	vld.idx.msk [tilespmem:v3+s11+$0x0], $0xffff  }
0x7e: {  	v5 =	vld.idx.msk [tilespmem:v4+s11+$0x0], $0xffff  }
0x7f: {  	v3 =	vld.idx.msk [tilespmem:v3+s12+$0x0], $0xffff  }
0x80: {  	v4 =	vld.idx.msk [tilespmem:v4+s12+$0x0], $0xffff;
	_ =	sdelay $0x1  }
0x81: {  	v0 =	vsub.f32 v1, v0;
	_ =	sdelay $0x1  }
0x82: {  	v1 =	vsub.f32 v5, v2;
	v0 =	vmul.f32 v0, v0  }
0x83: {  	v2 =	vld [tilespmem:s17+$0xB6B0]  }
0x84: {  	v3 =	vsub.f32 v4, v3;
	v1 =	vmul.f32 v1, v1  }
0x85: {  	v4 =	vld [tilespmem:s17+$0x76B0]  }
0x86: {  	v0 =	vadd.f32 v1, v0;
	v1 =	vmul.f32 v3, v3;
	_ =	sdelay $0x1  }
0x87: {  	v0 =	vadd.f32 v1, v0;
	_ =	sdelay $0x1  }
0x88: {  	[tilespmem:s17+$0xF6A0] =	vst v0  }
0x89: {  	v0 =	vld.idx.msk [tilespmem:v2+s11+$0x0], $0xffff  }
0x8a: {  	v1 =	vld.idx.msk [tilespmem:v2+s2+$0x0], $0xffff  }
0x8b: {  	v3 =	vld.idx.msk [tilespmem:v4+s2+$0x0], $0xffff  }
0x8c: {  	v5 =	vld.idx.msk [tilespmem:v4+s11+$0x0], $0xffff  }
0x8d: {  	v4 =	vld.idx.msk [tilespmem:v4+s12+$0x0], $0xffff  }
0x8e: {  	v2 =	vld.idx.msk [tilespmem:v2+s12+$0x0], $0xffff;
	_ =	sdelay $0x2  }
0x8f: {  	v1 =	vsub.f32 v3, v1  }
0x90: {  	v3 =	vsub.f32 v5, v0  }
0x91: {  	v0 =	vld [tilespmem:s17+$0x76C0]  }
0x92: {  	v2 =	vsub.f32 v4, v2;
	v4 =	vmul.f32 v1, v1;
	v3 =	vmul.f32 v3, v3  }
0x93: {  	v1 =	vld [tilespmem:s17+$0xB6C0]  }
0x94: {  	v3 =	vadd.f32 v3, v4;
	v2 =	vmul.f32 v2, v2  }
.Ltmp0:
0x95: {  	(pc) =	sbr.rel @p0 .LBB2_2-.Ltmp0, $3  }
0x96: {  	v2 =	vadd.f32 v2, v3;
	_ =	sdelay $0x1  }
0x97: {  	[tilespmem:s17+$0xF6B0] =	vst v2  }
0x98: {  	v2 =	vld.idx.msk [tilespmem:v0+s12+$0x0], $0xffff  }
0x99: {  	_ =	sdelay $0x3  }
0x9a: {  	v3 =	vld.idx.msk [tilespmem:v0+s2+$0x0], $0xffff  }
0x9b: {  	v4 =	vld.idx.msk [tilespmem:v1+s11+$0x0], $0xffff  }
0x9c: {  	v5 =	vld.idx.msk [tilespmem:v1+s2+$0x0], $0xffff  }
0x9d: {  	v61 =	vld.idx.msk [tilespmem:v0+s11+$0x0], $0xffff;
	_ =	sdelay $0x1  }
0x9e: {  	v62 =	vld.idx.msk [tilespmem:v1+s12+$0x0], $0xffff;
	_ =	sdelay $0x2  }
0x9f: {  	v3 =	vsub.f32 v3, v5;
	v0 =	vsub.f32 v61, v4;
	_ =	sdelay $0x1  }
0xa0: {  	v1 =	vsub.f32 v2, v62;
	v63 =	vmul.f32 v3, v3;
	v0 =	vmul.f32 v0, v0;
	_ =	sdelay $0x1  }
0xa1: {  	v1 =	vmul.f32 v1, v1;
	v0 =	vadd.f32 v0, v63;
	_ =	sdelay $0x1  }
0xa2: {  	s16 =	sadd.s32 $0x1, s16;
	v0 =	vadd.f32 v1, v0  }
0xa3: {  	p0 =	sne.s32 s16, s9  }
.Ltmp1:
0xa4: {  	[tilespmem:s17+$0xF6C0] =	vst v0;
	(pc) =	sbr.rel @p0 .LBB2_1-.Ltmp1, $4  }
0xa5: {  	[hbm4b:s8+s2] =	stream.linear.scatter [tilespmem:s15], [sflag:$0x1], $0x3E80, $0x38;
	[tilespmem:$0x13680] =	vst v63  }
0xa6: {  	_ =	swait.ge [sflag:s10], $0x3E80  }
0xa7: {  	[sflag:s10] =	ssyncset.done $0x0  }
0xa8: {  	[sflag:s10] =	ssyncadd.s32 $0xFFFFC180  }
0xa9: {  	_ =	sfence.sel $0x180000  }
0xaa: {  	[bflag:$0x0] =	sbarrier.arrive $0xFFFF  }
0xab: {  	p0 =	sne.s32 s1, $0x0;
	_ =	strace $0x90000047  }
0xac: {  	s0 =	sadd.s32 @!p0 $0x100000, s0;
	[bflag:$0x2] =	sbarrier.arrive $0xFFFF  }
0xad: {  	[sflag:s0] =	ssyncadd.tile.s32 @!p0 $0x1;
	_ =	shalt  }
.Lfunc_end2:
_tile_overlayer_lowered:
.L_overlay_start_2:
0xae: {  	(tag) =	ssettag $0x2  }
0xaf: {  	s0 =	rddreg [dreg:$0x0];
	s2 =	stileid.u32  }
0xb0: {  	s1 =	rddreg [dreg:$0x1];
	p0 =	sne.s32 s2, $0x0  }
0xb1: {  	s3 =	rddreg [dreg:$0x2];
	[bflag:$0x3] =	sbarrier.arrive $0xFFFF;
	s2 =	simm.s32 @!p0 $0x1C01  }
0xb2: {  	[timem:s3], [sflag:s2] =	dma.local @!p0 [hbm:s0], s1  }
0xb3: {  	s0 =	simm.s32 @!p0 $0x1  }
0xb4: {  	_ =	swait.ge @!p0 [sflag:s0], s1  }
0xb5: {  	s1 =	ssub.s32 @!p0 $0x0, s1;
	[sflag:s0] =	ssyncset.done @!p0 $0x0  }
0xb6: {  	[sflag:s0] =	ssyncadd.s32 @!p0 s1  }
0xb7: {  	[bflag:$0x3] =	sbarrier.arrive $0xFFFF  }
0xb8: {  	_ =	shalt  }

// kernel: kernel.19.cloned.1.call-start
scs
__scs_entry_jumppad:
0x0: {  	(pc) =	sbr.rel $0x88, $3  }
0x1: {  	(tag) =	ssettag $0x0;
	lr =	simm.s32 $0x1  }
0x2: {  	[smem:$0x3F95] =	sst lr;
	_ =	strace $0xD0000000  }
0x3: {  	_ = 	snop  }
0x4: {  	_ = 	snop  }
0x5: {  	_ = 	snop  }
0x6: {  	_ = 	snop  }
0x7: {  	_ = 	snop  }
__scs_overlays_trampoline_lowered:
0x8: {  	[smem:$0x3FA4] =	sst s0  }
0x9: {  	[smem:$0x3FA5] =	sst s1  }
0xa: {  	[smem:$0x3FA6] =	sst s2  }
0xb: {  	[smem:$0x3FA7] =	sst s3  }
0xc: {  	[smem:$0x3FA8] =	sst s4  }
0xd: {  	[smem:$0x3FA9] =	sst s5  }
0xe: {  	[smem:$0x3FAA] =	sst s6  }
0xf: {  	[smem:$0x3FAB] =	sst s7  }
0x10: {  	[smem:$0x3FAC] =	sst s8  }
0x11: {  	[smem:$0x3FAD] =	sst s9;
	s0 =	simm.s32 @!p0 $0x0  }
0x12: {  	s1 =	sld [smem:$0x3F93];
	s0 =	simm.s32 @p0 $0x1  }
0x13: {  	[smem:$0x3FAE] =	sst s0;
	s0 =	simm.s32 @!p1 $0x0  }
0x14: {  	s2 =	sld [smem:$0x3F92];
	s0 =	simm.s32 @p1 $0x1  }
0x15: {  	[smem:$0x3FAF] =	sst s0;
	s0 =	simm.s32 @!p2 $0x0  }
0x16: {  	s3 =	sld [smem:$0x3FDB];
	s0 =	simm.s32 @p2 $0x1  }
0x17: {  	s4 =	simm.s32 $0x1BF5;
	[smem:$0x3FB1] =	sst s0  }
0x18: {  	s0 =	sld [smem:$0x3F94];
	_ =	swait.ge [sflag:s4], $0x0  }
0x19: {  	s7 =	sld [smem:$0x3F95]  }
0x1a: {  	s8 =	sadd.s32 $0xFFFFE003, lr  }
0x1b: {  	s9 =	sadd.s32 $0xFFFFFEF7, lr;
	s5 =	simm.s32 $0xFFFFFFFF;
	p2 =	slt.u32 s8, $0xFFFFF086  }
0x1c: {  	p1 =	slt.u32 s9, $0xF7A;
	s5 =	simm.s32 @!p2 $0x0  }
0x1d: {  	s5 =	simm.s32 @p1 $0x1;
	p0 =	seq.s32 s7, s2  }
0x1e: {  	s7 =	smul.u32 @!p0 $0xF7A, s2;
	p2 =	seq.s32 @!p0 s5, $0x0  }
0x1f: {  	s9 =	smul.u32 $0xF7A, s1;
	s8 =	simm.s32 @!p0 $0x1BF5;
	p2 =	por !p2, p0  }
0x20: {  	[sflag:s8] =	ssyncset.s32 @!p0 $0xFFFFF086;
	s6 =	sadd.s32 @!p0 s3, s7;
	s7 =	simm.s32 @!p0 $0x108  }
0x21: {  	s3 =	sadd.s32 s3, s9;
	s6 =	sadd.s32 @!p0 $0x88, s6;
	s7 =	simm.s32 @p2 $0x1082  }
0x22: {  	[simem:s7], [sflag:s8] =	dma.local @!p0 [hbm:s6], $0xF7A  }
0x23: {  	s9 =	sor.u32 $0xD0000000, s2;
	s6 =	simm.s32 $0x108;
	_ =	swait.ge @!p0 [sflag:s8], $0x0  }
0x24: {  	s3 =	sadd.s32 $0x88, s3;
	s6 =	simm.s32 @!p1 $0x1082;
	[sflag:s4] =	ssyncset.s32 $0xFFFFF086  }
0x25: {  	[simem:s6], [sflag:s4] =	dma.local [hbm:s3], $0xF7A  }
0x26: {  	[smem:$0x3F95] =	sst s1;
	(tag) =	ssettag s2;
	_ =	strace s9  }
0x27: {  	s1 =	sld [smem:$0x3FA5]  }
0x28: {  	s2 =	sld [smem:$0x3FA6]  }
0x29: {  	s4 =	sld [smem:$0x3FA8]  }
0x2a: {  	p0 =	seq.s32 s5, $0x0;
	s5 =	sld [smem:$0x3FA9]  }
0x2b: {  	s6 =	sld [smem:$0x3FAA]  }
0x2c: {  	s7 =	sld [smem:$0x3FAB]  }
0x2d: {  	s3 =	simm.s32 $0x108;
	s8 =	sld [smem:$0x3FAC]  }
0x2e: {  	s3 =	simm.s32 @!p0 $0x1082;
	s9 =	sld [smem:$0x3FAD]  }
0x2f: {  	lr =	sadd.s32 s0, s3;
	s0 =	sld [smem:$0x3FA4]  }
0x30: {  	s3 =	sld [smem:$0x3FA7]  }
0x31: {  	[smem:$0x3FB0] =	sst s10  }
0x32: {  	s10 =	sld [smem:$0x3FAE];
	_ =	sdelay $0x3  }
0x33: {  	p0 =	seq.s32 s10, $0x1;
	s10 =	sld [smem:$0x3FB0];
	_ =	sdelay $0x3  }
0x34: {  	[smem:$0x3FB0] =	sst s10  }
0x35: {  	s10 =	sld [smem:$0x3FAF];
	_ =	sdelay $0x3  }
0x36: {  	p1 =	seq.s32 s10, $0x1;
	s10 =	sld [smem:$0x3FB0];
	_ =	sdelay $0x3  }
0x37: {  	[smem:$0x3FB0] =	sst s10  }
0x38: {  	s10 =	sld [smem:$0x3FB1]  }
0x39: {  	_ = 	snop;
	(pc) =	sbr.ind lr, $3  }
0x3a: {  	_ = 	snop  }
0x3b: {  	_ = 	snop  }
0x3c: {  	p2 =	seq.s32 s10, $0x1;
	s10 =	sld [smem:$0x3FB0]  }
0x3d: {  	_ =	shalt  }
0x3e: {  	_ =	shalt  }
0x3f: {  	_ =	shalt  }
0x40: {  	_ =	shalt  }
0x41: {  	_ =	shalt  }
0x42: {  	_ =	shalt  }
0x43: {  	_ =	shalt  }
0x44: {  	_ =	shalt  }
0x45: {  	_ =	shalt  }
0x46: {  	_ =	shalt  }
0x47: {  	_ =	shalt  }
0x48: {  	_ =	shalt  }
0x49: {  	_ =	shalt  }
0x4a: {  	_ =	shalt  }
0x4b: {  	_ =	shalt  }
0x4c: {  	_ =	shalt  }
0x4d: {  	_ =	shalt  }
0x4e: {  	_ =	shalt  }
0x4f: {  	_ =	shalt  }
0x50: {  	_ =	shalt  }
0x51: {  	_ =	shalt  }
0x52: {  	_ =	shalt  }
0x53: {  	_ =	shalt  }
0x54: {  	_ =	shalt  }
0x55: {  	_ =	shalt  }
0x56: {  	_ =	shalt  }
0x57: {  	_ =	shalt  }
0x58: {  	_ =	shalt  }
0x59: {  	_ =	shalt  }
0x5a: {  	_ =	shalt  }
0x5b: {  	_ =	shalt  }
0x5c: {  	_ =	shalt  }
0x5d: {  	_ =	shalt  }
0x5e: {  	_ =	shalt  }
0x5f: {  	_ =	shalt  }
0x60: {  	_ =	shalt  }
0x61: {  	_ =	shalt  }
0x62: {  	_ =	shalt  }
0x63: {  	_ =	shalt  }
0x64: {  	_ =	shalt  }
0x65: {  	_ =	shalt  }
0x66: {  	_ =	shalt  }
0x67: {  	_ =	shalt  }
0x68: {  	_ =	shalt  }
0x69: {  	_ =	shalt  }
0x6a: {  	_ =	shalt  }
0x6b: {  	_ =	shalt  }
0x6c: {  	_ =	shalt  }
0x6d: {  	_ =	shalt  }
0x6e: {  	_ =	shalt  }
0x6f: {  	_ =	shalt  }
0x70: {  	_ =	shalt  }
0x71: {  	_ =	shalt  }
0x72: {  	_ =	shalt  }
0x73: {  	_ =	shalt  }
0x74: {  	_ =	shalt  }
0x75: {  	_ =	shalt  }
0x76: {  	_ =	shalt  }
0x77: {  	_ =	shalt  }
0x78: {  	_ =	shalt  }
0x79: {  	_ =	shalt  }
0x7a: {  	_ =	shalt  }
0x7b: {  	_ =	shalt  }
0x7c: {  	_ =	shalt  }
0x7d: {  	_ =	shalt  }
0x7e: {  	_ =	shalt  }
0x7f: {  	_ =	shalt  }
0x80: {  	_ =	shalt  }
0x81: {  	_ =	shalt  }
0x82: {  	_ =	shalt  }
0x83: {  	_ =	shalt  }
0x84: {  	_ =	shalt  }
0x85: {  	_ =	shalt  }
0x86: {  	_ =	shalt  }
0x87: {  	_ =	shalt  }
.Lfunc_end0:
.L_simem_size_0:
called_computation.1_lowered:
.L_overlay_start_0:
0x88: {  	s2 =	sld [smem:$0x3FD9]  }
0x89: {  	s3 =	sld [smem:$0x3FFE];
	_ =	sdelay $0x1  }
0x8a: {  	s1 =	srdreg.scid  }
0x8b: {  	s0 =	sand.u32 $0x1, s1  }
0x8c: {  	s15 =	sshll.u32 s0, $0xA;
	s2 =	sadd.s32 s3, s2  }
0x8d: {  	s2 =	sadd.s32 s2, s15  }
0x8e: {  	[smem:$0x3FBC] =	sst s2  }
0x8f: {  	_ = 	snop  }
0x90: {  	s2 =	sld [smem:$0x3FD0];
	_ =	sdelay $0x2  }
0x91: {  	s16 =	simm.s32 $0xB;
	s4 =	simm.s32 $0x10  }
0x92: {  	[smem:s4], [sflag:s16] =	dma.local [hbm:s2], $0x1  }
0x93: {  	_ =	swait.eq [sflag:s16], $0x1  }
0x94: {  	[sflag:s16] =	ssyncset.done $0x0  }
0x95: {  	[sflag:s16] =	ssyncadd.s32 $0xFFFFFFFF  }
0x96: {  	s17 =	sld [smem:$0x10];
	(tm) =	ssettm $0x1  }
0x97: {  	s18 =	sld [smem:$0x3FFB];
	_ =	sdelay $0x3  }
0x98: {  	_ =	strace s18  }
0x99: {  	s2 =	sld [smem:$0x3FFC];
	_ =	sdelay $0x3  }
0x9a: {  	_ =	strace s2  }
0x9b: {  	s2 =	sld [smem:$0x3FFD];
	_ =	sdelay $0x3  }
0x9c: {  	_ =	strace s2  }
0x9d: {  	_ =	strace $0x8FFFFFFF  }
0x9e: {  	s19 =	sld [smem:$0x3FDB];
	_ =	sdelay $0x1  }
0x9f: {  	s20 =	simm.s32 $_scs_section_size  }
0xa0: {  	s5 =	simm.s32 $_size__tile_overlayer_lowered;
	s6 =	simm.s32 $_tile_overlayer_lowered  }
0xa1: {  	s7 =	simm.s32 $0x1BFF;
	s21 =	sshll.u32 s6, $0x1;
	s4 =	sadd.s32 s20, s19  }
0xa2: {  	s22 =	simm.s32 $0x0;
	s5 =	sshll.u32 s5, $0x1;
	s6 =	sadd.s32 s21, s4  }
0xa3: {  	[timem:s22], [sflag:s7] =	dma.local [hbm:s6], s5  }
0xa4: {  	_ =	swait.ge [sflag:s7], s5  }
0xa5: {  	s5 =	ssub.s32 $0x0, s5;
	[sflag:s7] =	ssyncset.done $0x0  }
0xa6: {  	[sflag:s7] =	ssyncadd.s32 s5;
	_ =	sdelay $0x1  }
0xa7: {  	s23 =	simm.s32 $0x1B8B  }
0xa8: {  	_ =	swait.ge [sflag:s23], $0x1  }
0xa9: {  	[sflag:s23] =	ssyncset.done $0x0  }
0xaa: {  	[sflag:s23] =	ssyncadd.s32 $0xFFFFFFFF  }
0xab: {  	s5 =	sld [smem:$0x0]  }
0xac: {  	s6 =	sand.u32 $0xFFFFFFFE, s1  }
0xad: {  	p0 =	sne.s32 s1, s6  }
0xae: {  	s6 =	sshll.u32 @p0 s6, $0xE  }
0xaf: {  	s6 =	sadd.s32 @p0 $0x11B8D, s6;
	s7 =	sshll.u32 @p0 s5, $0x11  }
0xb0: {  	s6 =	sor.u32 @p0 s7, s6  }
0xb1: {  	[sflag:s6] =	ssyncadd.remote.s32 @p0 $0x1;
	_ =	sdelay $0x1  }
0xb2: {  	s6 =	simm.s32 @p0 $0x1B8D  }
0xb3: {  	_ =	swait.eq @p0 [sflag:s6], $0x1  }
0xb4: {  	[sflag:s6] =	ssyncadd.s32 @p0 $0xFFFFFFFF  }
0xb5: {  	s7 =	sshll.u32 @!p0 s1, $0xE  }
0xb6: {  	s7 =	sor.u32 @!p0 $0x4000, s7;
	s6 =	simm.s32 @!p0 $0x1B8D  }
0xb7: {  	s5 =	sshll.u32 @!p0 s5, $0x11;
	s7 =	sadd.s32 @!p0 $0x11B8D, s7;
	_ =	swait.eq @!p0 [sflag:s6], $0x1  }
0xb8: {  	s5 =	sor.u32 @!p0 s5, s7;
	[sflag:s6] =	ssyncadd.s32 @!p0 $0xFFFFFFFF  }
0xb9: {  	s25 =	simm.s32 $0x1B8E;
	s24 =	sld [smem:$0x3FFE];
	[sflag:s5] =	ssyncadd.remote.s32 @!p0 $0x1  }
0xba: {  	s26 =	simm.s32 $execute0_lowered;
	[smem:$0x3FD2] =	sst s25  }
0xbb: {  	s6 =	sshll.u32 s26, $0x1;
	_ =	strace $0x80000049;
	[dreg:$0x1] =	wrdreg $0xFFFFFFFF  }
0xbc: {  	s28 =	simm.s32 $_size_execute0_lowered;
	s4 =	sadd.s32 s4, s6;
	[dreg:$0x0] =	wrdreg $0x0  }
0xbd: {  	s6 =	sshll.u32 s28, $0x1;
	[dreg:$0x2] =	wrdreg s4  }
0xbe: {  	[dreg:$0x3] =	wrdreg s6  }
0xbf: {  	[dreg:$0x4] =	wrdreg $0xC0  }
0xc0: {  	_ =	task [dreg:s22], $0x5FFFF  }
0xc1: {  	[dreg:$0x1] =	wrdreg $0xFFFFFFFF  }
0xc2: {  	[dreg:$0x0] =	wrdreg $0x60  }
0xc3: {  	[dreg:$0x2] =	wrdreg s17  }
0xc4: {  	[dreg:$0x3] =	wrdreg s24  }
0xc5: {  	[dreg:$0x4] =	wrdreg $0xA  }
0xc6: {  	_ =	task.clear_ibuf [dreg:s22], $0x5FFFF;
	_ =	strace $0x90000049  }
0xc7: {  	s29 =	simm.s32 $0xA;
	_ =	strace $0x8000004B  }
0xc8: {  	_ =	swait.ge [sflag:s29], $0x1  }
0xc9: {  	[sflag:s29] =	ssyncadd.s32 $0xFFFFFFFF  }
0xca: {  	_ =	strace $0x9000004B  }
0xcb: {  	_ =	sfence  }
0xcc: {  	s30 =	sld [smem:$0x0];
	_ =	sdelay $0x2  }
0xcd: {  	s31 =	sshll.u32 s1, $0xD;
	s1 =	sshrl.u32 s1, $0x2  }
0xce: {  	s4 =	sand.u32 $0x4000, s31;
	s1 =	sadd.s32 s1, s30  }
0xcf: {  	s0 =	sor.u32 s4, s0;
	s1 =	sshll.u32 s1, $0x11  }
0xd0: {  	s0 =	sor.u32 s1, s0  }
0xd1: {  	s0 =	sadd.s32 $0x8F2B, s0  }
0xd2: {  	[sflag:s0] =	ssyncadd.remote.s32 $0x1  }
0xd3: {  	_ =	sfence.sel $0xFFFF  }
0xd4: {  	[dreg:$0x0] =	wrdreg $0xFFFFFFFF;
	(pc) =	sbr.abs _section_cstart, $3  }
0xd5: {  	[dreg:$0x1] =	wrdreg $0xFFFFFFFF  }
0xd6: {  	_ =	task.clear_ibuf [dreg:s22], $0x2FFFF;
	_ =	strace $0x9FFFFFFF  }
0xd7: {  	(tm) =	ssettm $0x7FFFFFFF  }
tec
execute0_lowered:
.L_overlay_start_1:
0x0: {  	(tag) =	ssettag $0x1  }
0x1: {  	s1 =	rddreg [dreg:$0x0]  }
0x2: {  	s5 =	rddreg [dreg:$0x1]  }
0x3: {  	s0 =	rddreg [dreg:$0x2];
	s2 =	simm.s32 $0x0  }
0x4: {  	s6 =	srdreg.scid;
	s3 =	stileid.u32;
	s10 =	simm.s32 $0x3  }
0x5: {  	s11 =	simm.s32 $0x4000;
	s12 =	simm.s32 $0x50;
	s13 =	simm.s32 $0x8000  }
0x6: {  	s14 =	simm.s32 $0xA800;
	s15 =	simm.s32 $0x1;
	s16 =	simm.s32 $0x2  }
0x7: {  	s17 =	simm.s32 $0x0;
	[smem:$0x7FF] =	sst s2;
	s4 =	sadd.s32 $0x3EC00, s5  }
0x8: {  	s6 =	sand.u32 $0x1, s6;
	s7 =	sshll.u32 s3, $0xC;
	s9 =	smul.u32 $0x4E200, s3  }
0x9: {  	_ =	strace $0x8000004A;
	s8 =	sshll.u32 s6, $0xB;
	s30 =	ssub.s32 $0x2, s6  }
0xa: {  	s6 =	smul.u32 $0x27100, s6;
	s7 =	sor.u32 s8, s7;
	s31 =	sshrl.u32 s30, $0x1  }
0xb: {  	s9 =	sadd.s32 s9, s5;
	s7 =	sadd.s32 s7, s5;
	s8 =	ssub.s32 s30, s31  }
0xc: {  	s9 =	sadd.s32 s6, s9;
	s5 =	sadd.s32 $0x9200, s7;
	s6 =	sadd.s32 $0x19200, s7  }
0xd: {  	s7 =	smax.u32 s8, $0x1;
	s8 =	sadd.s32 $0x65E00, s9;
	s9 =	sadd.s32 $0x547E00, s9  }
.LBB2_1:
0xe: {  	[tilespmem:s2], [sflag:$0x3] =	stream.linear.gather [hbm4b:s5+s2], $0x3E80, $0x38;
	[tilespmem:$0xD000] =	vst v63  }
0xf: {  	_ =	swait.ge [sflag:s10], $0x3E80  }
0x10: {  	[sflag:s10] =	ssyncset.done $0x0  }
0x11: {  	[sflag:s10] =	ssyncadd.s32 $0xFFFFC180  }
0x12: {  	[tilespmem:s11], [sflag:$0x3] =	stream.linear.gather [hbm4b:s6+s2], $0x3E80, $0x38;
	[tilespmem:$0xD000] =	vst v63  }
0x13: {  	_ =	swait.ge [sflag:s10], $0x3E80  }
0x14: {  	[sflag:s10] =	ssyncset.done $0x0  }
0x15: {  	s18 =	simm.s32 $0x0;
	[sflag:s10] =	ssyncadd.s32 $0xFFFFC180  }
0x16: {  	[tilespmem:s13], [sflag:$0x1] =	stream.indirect.gather [hbm4b:s1+s12], $0x80, s18, s12, $0xb8;
	[tilespmem:$0xD000] =	vst v63  }
0x17: {  	s31 =	simm.s32 $0x4000  }
0x18: {  	[tilespmem:s14], [sflag:$0x2] =	stream.indirect.gather [hbm4b:s4+s12], $0x80, s31, s12, $0xb8;
	[tilespmem:$0xD000] =	vst v63  }
0x19: {  	_ =	swait.ge [sflag:s15], $0x2800  }
0x1a: {  	[sflag:s15] =	ssyncset.done $0x0  }
0x1b: {  	[sflag:s15] =	ssyncadd.s32 $0xFFFFD800  }
0x1c: {  	_ =	swait.ge [sflag:s16], $0x2800  }
0x1d: {  	[sflag:s16] =	ssyncset.done $0x0  }
0x1e: {  	[sflag:s16] =	ssyncadd.s32 $0xFFFFD800  }
0x1f: {  	[hbm4b:s8+s2] =	stream.linear.scatter [tilespmem:s13], [sflag:$0x3], $0x2800, $0x38;
	[tilespmem:$0xD000] =	vst v63  }
0x20: {  	_ =	swait.ge [sflag:s10], $0x2800  }
0x21: {  	[sflag:s10] =	ssyncset.done $0x0  }
0x22: {  	[sflag:s10] =	ssyncadd.s32 $0xFFFFD800  }
0x23: {  	[hbm4b:s9+s2] =	stream.linear.scatter [tilespmem:s14], [sflag:$0x3], $0x2800, $0x38;
	[tilespmem:$0xD000] =	vst v63  }
0x24: {  	s20 =	simm.s32 $0x200;
	s21 =	simm.s32 $0x400;
	_ =	swait.ge [sflag:s10], $0x2800  }
0x25: {  	s19 =	sadd.s32 $0x500, s8;
	s18 =	sadd.s32 $0x500, s9;
	[sflag:s10] =	ssyncset.done $0x0  }
.LBB2_2:
0x26: {  	s22 =	sshra.s32 s20, $0x2  }
0x27: {  	[sflag:s10] =	ssyncadd.s32 $0xFFFFD800;
	s20 =	smov.u32 s21;
	s23 =	sadd.s32 $0x200, s21  }
0x28: {  	[tilespmem:s13], [sflag:$0x1] =	stream.indirect.gather [hbm4b:s1+s12], $0x80, s22, s12, $0xb8;
	[tilespmem:$0xD000] =	vst v63  }
0x29: {  	p0 =	sne.s32 s21, $0xF800;
	s21 =	sadd.s32 $0x4000, s22  }
0x2a: {  	[tilespmem:s14], [sflag:$0x2] =	stream.indirect.gather [hbm4b:s4+s12], $0x80, s21, s12, $0xb8;
	[tilespmem:$0xD000] =	vst v63  }
0x2b: {  	_ =	swait.ge [sflag:s15], $0x2800  }
0x2c: {  	[sflag:s15] =	ssyncset.done $0x0  }
0x2d: {  	[sflag:s15] =	ssyncadd.s32 $0xFFFFD800  }
0x2e: {  	_ =	swait.ge [sflag:s16], $0x2800  }
0x2f: {  	[sflag:s16] =	ssyncset.done $0x0  }
0x30: {  	[sflag:s16] =	ssyncadd.s32 $0xFFFFD800  }
0x31: {  	[hbm4b:s19+s2] =	stream.linear.scatter [tilespmem:s13], [sflag:$0x3], $0x2800, $0x38;
	[tilespmem:$0xD000] =	vst v63  }
0x32: {  	_ =	swait.ge [sflag:s10], $0x2800  }
.Ltmp0:
0x33: {  	[sflag:s10] =	ssyncset.done $0x0;
	(pc) =	sbr.rel @p0 .LBB2_2-.Ltmp0, $4  }
0x34: {  	[sflag:s10] =	ssyncadd.s32 $0xFFFFD800  }
0x35: {  	[hbm4b:s18+s2] =	stream.linear.scatter [tilespmem:s14], [sflag:$0x3], $0x2800, $0x38;
	[tilespmem:$0xD000] =	vst v63  }
0x36: {  	s21 =	smov.u32 s23;
	_ =	swait.ge [sflag:s10], $0x2800  }
0x37: {  	s19 =	sadd.s32 $0x500, s19;
	s18 =	sadd.s32 $0x500, s18;
	[sflag:s10] =	ssyncset.done $0x0  }
0x38: {  	s20 =	sshra.s32 s20, $0x2;
	[sflag:s10] =	ssyncadd.s32 $0xFFFFD800  }
0x39: {  	[tilespmem:s13], [sflag:$0x1] =	stream.indirect.gather [hbm4b:s1+s12], $0x80, s20, s12, $0xb8;
	[tilespmem:$0xD000] =	vst v63  }
0x3a: {  	s20 =	sadd.s32 $0x4000, s20  }
0x3b: {  	[tilespmem:s14], [sflag:$0x2] =	stream.indirect.gather [hbm4b:s4+s12], $0x80, s20, s12, $0xb8;
	[tilespmem:$0xD000] =	vst v63  }
0x3c: {  	_ =	swait.ge [sflag:s15], $0x2800  }
0x3d: {  	[sflag:s15] =	ssyncset.done $0x0  }
0x3e: {  	[sflag:s15] =	ssyncadd.s32 $0xFFFFD800  }
0x3f: {  	_ =	swait.ge [sflag:s16], $0x2800  }
0x40: {  	[sflag:s16] =	ssyncset.done $0x0  }
0x41: {  	[sflag:s16] =	ssyncadd.s32 $0xFFFFD800  }
0x42: {  	[hbm4b:s19+s2] =	stream.linear.scatter [tilespmem:s13], [sflag:$0x3], $0x2800, $0x38;
	[tilespmem:$0xD000] =	vst v63  }
0x43: {  	s17 =	sadd.s32 $0x1, s17;
	_ =	swait.ge [sflag:s10], $0x2800  }
0x44: {  	p0 =	sne.s32 s17, s7;
	[sflag:s10] =	ssyncset.done $0x0  }
.Ltmp1:
0x45: {  	[sflag:s10] =	ssyncadd.s32 $0xFFFFD800;
	(pc) =	sbr.rel @p0 .LBB2_1-.Ltmp1, $4  }
0x46: {  	[hbm4b:s18+s2] =	stream.linear.scatter [tilespmem:s14], [sflag:$0x3], $0x2800, $0x38;
	[tilespmem:$0xD000] =	vst v63  }
0x47: {  	_ =	swait.ge [sflag:s10], $0x2800  }
0x48: {  	[sflag:s10] =	ssyncset.done $0x0  }
0x49: {  	[sflag:s10] =	ssyncadd.s32 $0xFFFFD800  }
0x4a: {  	_ =	sfence.sel $0x180000  }
0x4b: {  	[bflag:$0x0] =	sbarrier.arrive $0xFFFF  }
0x4c: {  	p0 =	sne.s32 s3, $0x0;
	_ =	strace $0x9000004A  }
0x4d: {  	s0 =	sadd.s32 @!p0 $0x100000, s0;
	[bflag:$0x2] =	sbarrier.arrive $0xFFFF  }
0x4e: {  	[sflag:s0] =	ssyncadd.tile.s32 @!p0 $0x1;
	_ =	shalt  }
.Lfunc_end2:
_tile_overlayer_lowered:
.L_overlay_start_2:
0x4f: {  	(tag) =	ssettag $0x2  }
0x50: {  	s0 =	rddreg [dreg:$0x0];
	s2 =	stileid.u32  }
0x51: {  	s1 =	rddreg [dreg:$0x1];
	p0 =	sne.s32 s2, $0x0  }
0x52: {  	s3 =	rddreg [dreg:$0x2];
	[bflag:$0x3] =	sbarrier.arrive $0xFFFF;
	s2 =	simm.s32 @!p0 $0x1C03  }
0x53: {  	[timem:s3], [sflag:s2] =	dma.local @!p0 [hbm:s0], s1  }
0x54: {  	s0 =	simm.s32 @!p0 $0x3  }
0x55: {  	_ =	swait.ge @!p0 [sflag:s0], s1  }
0x56: {  	s1 =	ssub.s32 @!p0 $0x0, s1;
	[sflag:s0] =	ssyncset.done @!p0 $0x0  }
0x57: {  	[sflag:s0] =	ssyncadd.s32 @!p0 s1  }
0x58: {  	[bflag:$0x3] =	sbarrier.arrive $0xFFFF  }
0x59: {  	_ =	shalt  }

// kernel: kernel.22.cloned.1.call-start
scs
__scs_entry_jumppad:
0x0: {  	(pc) =	sbr.rel $0x88, $3  }
0x1: {  	(tag) =	ssettag $0x0;
	lr =	simm.s32 $0x1  }
0x2: {  	[smem:$0x3F95] =	sst lr;
	_ =	strace $0xD0000000  }
0x3: {  	_ = 	snop  }
0x4: {  	_ = 	snop  }
0x5: {  	_ = 	snop  }
0x6: {  	_ = 	snop  }
0x7: {  	_ = 	snop  }
__scs_overlays_trampoline_lowered:
0x8: {  	[smem:$0x3FA4] =	sst s0  }
0x9: {  	[smem:$0x3FA5] =	sst s1  }
0xa: {  	[smem:$0x3FA6] =	sst s2  }
0xb: {  	[smem:$0x3FA7] =	sst s3  }
0xc: {  	[smem:$0x3FA8] =	sst s4  }
0xd: {  	[smem:$0x3FA9] =	sst s5  }
0xe: {  	[smem:$0x3FAA] =	sst s6  }
0xf: {  	[smem:$0x3FAB] =	sst s7  }
0x10: {  	[smem:$0x3FAC] =	sst s8  }
0x11: {  	[smem:$0x3FAD] =	sst s9;
	s0 =	simm.s32 @!p0 $0x0  }
0x12: {  	s1 =	sld [smem:$0x3F93];
	s0 =	simm.s32 @p0 $0x1  }
0x13: {  	[smem:$0x3FAE] =	sst s0;
	s0 =	simm.s32 @!p1 $0x0  }
0x14: {  	s2 =	sld [smem:$0x3F92];
	s0 =	simm.s32 @p1 $0x1  }
0x15: {  	[smem:$0x3FAF] =	sst s0;
	s0 =	simm.s32 @!p2 $0x0  }
0x16: {  	s3 =	sld [smem:$0x3FDB];
	s0 =	simm.s32 @p2 $0x1  }
0x17: {  	s4 =	simm.s32 $0x1BF5;
	[smem:$0x3FB1] =	sst s0  }
0x18: {  	s0 =	sld [smem:$0x3F94];
	_ =	swait.ge [sflag:s4], $0x0  }
0x19: {  	s7 =	sld [smem:$0x3F95]  }
0x1a: {  	s8 =	sadd.s32 $0xFFFFE003, lr  }
0x1b: {  	s9 =	sadd.s32 $0xFFFFFEF7, lr;
	s5 =	simm.s32 $0xFFFFFFFF;
	p2 =	slt.u32 s8, $0xFFFFF086  }
0x1c: {  	p1 =	slt.u32 s9, $0xF7A;
	s5 =	simm.s32 @!p2 $0x0  }
0x1d: {  	s5 =	simm.s32 @p1 $0x1;
	p0 =	seq.s32 s7, s2  }
0x1e: {  	s7 =	smul.u32 @!p0 $0xF7A, s2;
	p2 =	seq.s32 @!p0 s5, $0x0  }
0x1f: {  	s9 =	smul.u32 $0xF7A, s1;
	s8 =	simm.s32 @!p0 $0x1BF5;
	p2 =	por !p2, p0  }
0x20: {  	[sflag:s8] =	ssyncset.s32 @!p0 $0xFFFFF086;
	s6 =	sadd.s32 @!p0 s3, s7;
	s7 =	simm.s32 @!p0 $0x108  }
0x21: {  	s3 =	sadd.s32 s3, s9;
	s6 =	sadd.s32 @!p0 $0x88, s6;
	s7 =	simm.s32 @p2 $0x1082  }
0x22: {  	[simem:s7], [sflag:s8] =	dma.local @!p0 [hbm:s6], $0xF7A  }
0x23: {  	s9 =	sor.u32 $0xD0000000, s2;
	s6 =	simm.s32 $0x108;
	_ =	swait.ge @!p0 [sflag:s8], $0x0  }
0x24: {  	s3 =	sadd.s32 $0x88, s3;
	s6 =	simm.s32 @!p1 $0x1082;
	[sflag:s4] =	ssyncset.s32 $0xFFFFF086  }
0x25: {  	[simem:s6], [sflag:s4] =	dma.local [hbm:s3], $0xF7A  }
0x26: {  	[smem:$0x3F95] =	sst s1;
	(tag) =	ssettag s2;
	_ =	strace s9  }
0x27: {  	s1 =	sld [smem:$0x3FA5]  }
0x28: {  	s2 =	sld [smem:$0x3FA6]  }
0x29: {  	s4 =	sld [smem:$0x3FA8]  }
0x2a: {  	p0 =	seq.s32 s5, $0x0;
	s5 =	sld [smem:$0x3FA9]  }
0x2b: {  	s6 =	sld [smem:$0x3FAA]  }
0x2c: {  	s7 =	sld [smem:$0x3FAB]  }
0x2d: {  	s3 =	simm.s32 $0x108;
	s8 =	sld [smem:$0x3FAC]  }
0x2e: {  	s3 =	simm.s32 @!p0 $0x1082;
	s9 =	sld [smem:$0x3FAD]  }
0x2f: {  	lr =	sadd.s32 s0, s3;
	s0 =	sld [smem:$0x3FA4]  }
0x30: {  	s3 =	sld [smem:$0x3FA7]  }
0x31: {  	[smem:$0x3FB0] =	sst s10  }
0x32: {  	s10 =	sld [smem:$0x3FAE];
	_ =	sdelay $0x3  }
0x33: {  	p0 =	seq.s32 s10, $0x1;
	s10 =	sld [smem:$0x3FB0];
	_ =	sdelay $0x3  }
0x34: {  	[smem:$0x3FB0] =	sst s10  }
0x35: {  	s10 =	sld [smem:$0x3FAF];
	_ =	sdelay $0x3  }
0x36: {  	p1 =	seq.s32 s10, $0x1;
	s10 =	sld [smem:$0x3FB0];
	_ =	sdelay $0x3  }
0x37: {  	[smem:$0x3FB0] =	sst s10  }
0x38: {  	s10 =	sld [smem:$0x3FB1]  }
0x39: {  	_ = 	snop;
	(pc) =	sbr.ind lr, $3  }
0x3a: {  	_ = 	snop  }
0x3b: {  	_ = 	snop  }
0x3c: {  	p2 =	seq.s32 s10, $0x1;
	s10 =	sld [smem:$0x3FB0]  }
0x3d: {  	_ =	shalt  }
0x3e: {  	_ =	shalt  }
0x3f: {  	_ =	shalt  }
0x40: {  	_ =	shalt  }
0x41: {  	_ =	shalt  }
0x42: {  	_ =	shalt  }
0x43: {  	_ =	shalt  }
0x44: {  	_ =	shalt  }
0x45: {  	_ =	shalt  }
0x46: {  	_ =	shalt  }
0x47: {  	_ =	shalt  }
0x48: {  	_ =	shalt  }
0x49: {  	_ =	shalt  }
0x4a: {  	_ =	shalt  }
0x4b: {  	_ =	shalt  }
0x4c: {  	_ =	shalt  }
0x4d: {  	_ =	shalt  }
0x4e: {  	_ =	shalt  }
0x4f: {  	_ =	shalt  }
0x50: {  	_ =	shalt  }
0x51: {  	_ =	shalt  }
0x52: {  	_ =	shalt  }
0x53: {  	_ =	shalt  }
0x54: {  	_ =	shalt  }
0x55: {  	_ =	shalt  }
0x56: {  	_ =	shalt  }
0x57: {  	_ =	shalt  }
0x58: {  	_ =	shalt  }
0x59: {  	_ =	shalt  }
0x5a: {  	_ =	shalt  }
0x5b: {  	_ =	shalt  }
0x5c: {  	_ =	shalt  }
0x5d: {  	_ =	shalt  }
0x5e: {  	_ =	shalt  }
0x5f: {  	_ =	shalt  }
0x60: {  	_ =	shalt  }
0x61: {  	_ =	shalt  }
0x62: {  	_ =	shalt  }
0x63: {  	_ =	shalt  }
0x64: {  	_ =	shalt  }
0x65: {  	_ =	shalt  }
0x66: {  	_ =	shalt  }
0x67: {  	_ =	shalt  }
0x68: {  	_ =	shalt  }
0x69: {  	_ =	shalt  }
0x6a: {  	_ =	shalt  }
0x6b: {  	_ =	shalt  }
0x6c: {  	_ =	shalt  }
0x6d: {  	_ =	shalt  }
0x6e: {  	_ =	shalt  }
0x6f: {  	_ =	shalt  }
0x70: {  	_ =	shalt  }
0x71: {  	_ =	shalt  }
0x72: {  	_ =	shalt  }
0x73: {  	_ =	shalt  }
0x74: {  	_ =	shalt  }
0x75: {  	_ =	shalt  }
0x76: {  	_ =	shalt  }
0x77: {  	_ =	shalt  }
0x78: {  	_ =	shalt  }
0x79: {  	_ =	shalt  }
0x7a: {  	_ =	shalt  }
0x7b: {  	_ =	shalt  }
0x7c: {  	_ =	shalt  }
0x7d: {  	_ =	shalt  }
0x7e: {  	_ =	shalt  }
0x7f: {  	_ =	shalt  }
0x80: {  	_ =	shalt  }
0x81: {  	_ =	shalt  }
0x82: {  	_ =	shalt  }
0x83: {  	_ =	shalt  }
0x84: {  	_ =	shalt  }
0x85: {  	_ =	shalt  }
0x86: {  	_ =	shalt  }
0x87: {  	_ =	shalt  }
.Lfunc_end0:
.L_simem_size_0:
called_computation.2_lowered:
.L_overlay_start_0:
0x88: {  	s2 =	sld [smem:$0x3FD9]  }
0x89: {  	s3 =	sld [smem:$0x3FFE];
	_ =	sdelay $0x1  }
0x8a: {  	s1 =	srdreg.scid  }
0x8b: {  	s0 =	sand.u32 $0x1, s1  }
0x8c: {  	s16 =	sshll.u32 s0, $0xA;
	s2 =	sadd.s32 s3, s2  }
0x8d: {  	s2 =	sadd.s32 s2, s16  }
0x8e: {  	[smem:$0x3FBC] =	sst s2  }
0x8f: {  	_ = 	snop  }
0x90: {  	(tm) =	ssettm $0x1  }
0x91: {  	s17 =	sld [smem:$0x3FFB];
	_ =	sdelay $0x3  }
0x92: {  	_ =	strace s17  }
0x93: {  	s2 =	sld [smem:$0x3FFC];
	_ =	sdelay $0x3  }
0x94: {  	_ =	strace s2  }
0x95: {  	s2 =	sld [smem:$0x3FFD];
	_ =	sdelay $0x3  }
0x96: {  	_ =	strace s2  }
0x97: {  	_ =	strace $0x8FFFFFFF  }
0x98: {  	s18 =	sld [smem:$0x3FDB];
	_ =	sdelay $0x1  }
0x99: {  	s19 =	simm.s32 $_scs_section_size  }
0x9a: {  	s4 =	simm.s32 $_size__tile_overlayer_lowered;
	s5 =	simm.s32 $_tile_overlayer_lowered  }
0x9b: {  	s22 =	simm.s32 $0x1BFF;
	s21 =	sshll.u32 s5, $0x1;
	s2 =	sadd.s32 s19, s18  }
0x9c: {  	s6 =	simm.s32 $0x0;
	s20 =	sshll.u32 s4, $0x1;
	s4 =	sadd.s32 s21, s2  }
0x9d: {  	[timem:s6], [sflag:s22] =	dma.local [hbm:s4], s20  }
0x9e: {  	_ =	swait.ge [sflag:s22], s20  }
0x9f: {  	s3 =	ssub.s32 $0x0, s20;
	[sflag:s22] =	ssyncset.done $0x0  }
0xa0: {  	[sflag:s22] =	ssyncadd.s32 s3;
	_ =	sdelay $0x1  }
0xa1: {  	s23 =	simm.s32 $0x1B8B  }
0xa2: {  	_ =	swait.ge [sflag:s23], $0x1  }
0xa3: {  	[sflag:s23] =	ssyncset.done $0x0  }
0xa4: {  	s25 =	simm.s32 $0x1B8E;
	s24 =	sld [smem:$0x3FFE];
	[sflag:s23] =	ssyncadd.s32 $0xFFFFFFFF  }
0xa5: {  	s26 =	simm.s32 $execute0_lowered;
	[smem:$0x3FD2] =	sst s25  }
0xa6: {  	s4 =	sshll.u32 s26, $0x1;
	_ =	strace $0x8000004C;
	[dreg:$0x1] =	wrdreg $0xFFFFFFFF  }
0xa7: {  	s28 =	simm.s32 $_size_execute0_lowered;
	s2 =	sadd.s32 s2, s4;
	[dreg:$0x0] =	wrdreg $0x0  }
0xa8: {  	s4 =	sshll.u32 s28, $0x1;
	[dreg:$0x2] =	wrdreg s2  }
0xa9: {  	[dreg:$0x3] =	wrdreg s4  }
0xaa: {  	[dreg:$0x4] =	wrdreg $0xC0  }
0xab: {  	_ =	task [dreg:s6], $0x5FFFF  }
0xac: {  	[dreg:$0x1] =	wrdreg $0xFFFFFFFF  }
0xad: {  	[dreg:$0x0] =	wrdreg $0x60  }
0xae: {  	[dreg:$0x2] =	wrdreg s24  }
0xaf: {  	[dreg:$0x3] =	wrdreg $0x68000  }
0xb0: {  	[dreg:$0x4] =	wrdreg $0x9  }
0xb1: {  	_ =	task.clear_ibuf [dreg:s6], $0x5FFFF;
	_ =	strace $0x9000004C  }
0xb2: {  	s29 =	simm.s32 $0x9;
	_ =	strace $0x8000004E  }
0xb3: {  	_ =	swait.ge [sflag:s29], $0x1  }
0xb4: {  	[sflag:s29] =	ssyncadd.s32 $0xFFFFFFFF  }
0xb5: {  	_ =	strace $0x9000004E  }
0xb6: {  	_ =	sfence  }
0xb7: {  	s30 =	sld [smem:$0x0];
	_ =	sdelay $0x2  }
0xb8: {  	s31 =	sshll.u32 s1, $0xD;
	s1 =	sshrl.u32 s1, $0x2  }
0xb9: {  	s3 =	sand.u32 $0x4000, s31;
	s1 =	sadd.s32 s1, s30  }
0xba: {  	s0 =	sor.u32 s3, s0;
	s1 =	sshll.u32 s1, $0x11  }
0xbb: {  	s0 =	sor.u32 s1, s0  }
0xbc: {  	s0 =	sadd.s32 $0x8F2B, s0  }
0xbd: {  	[sflag:s0] =	ssyncadd.remote.s32 $0x1  }
0xbe: {  	_ =	sfence.sel $0xFFFF  }
0xbf: {  	[dreg:$0x0] =	wrdreg $0xFFFFFFFF;
	(pc) =	sbr.abs _section_cstart, $3  }
0xc0: {  	[dreg:$0x1] =	wrdreg $0xFFFFFFFF  }
0xc1: {  	_ =	task.clear_ibuf [dreg:s6], $0x2FFFF;
	_ =	strace $0x9FFFFFFF  }
0xc2: {  	(tm) =	ssettm $0x7FFFFFFF  }
0xc3: {  	_ =	shalt  }
tec
execute0_lowered:
.L_overlay_start_1:
0x0: {  	(tag) =	ssettag $0x1  }
0x1: {  	s4 =	rddreg [dreg:$0x0]  }
0x2: {  	s2 =	rddreg [dreg:$0x1]  }
0x3: {  	s0 =	rddreg [dreg:$0x2];
	s1 =	stileid.u32  }
0x4: {  	s3 =	simm.s32 $0x0;
	s6 =	srdreg.scid;
	s13 =	simm.s32 $0x1  }
0x5: {  	s14 =	simm.s32 $0x50;
	s15 =	simm.s32 $0x0;
	s5 =	smul.u32 $0x4E200, s1  }
0x6: {  	[smem:$0x7FF] =	sst s3;
	s6 =	sand.u32 $0x1, s6;
	s7 =	smul.u32 $0x14000, s1  }
0x7: {  	s8 =	sshll.u32 s1, $0xC;
	s26 =	smul.u32 $0x50000, s1;
	s31 =	sshll.u32 s1, $0x6  }
0x8: {  	s9 =	sshll.u32 s6, $0xB;
	s10 =	smul.u32 $0x140000, s6;
	_ =	strace $0x8000004D  }
0x9: {  	s25 =	ssub.s32 $0x2, s6;
	s30 =	smul.u32 $0x27100, s6;
	s11 =	sadd.s32 s5, s4  }
0xa: {  	s23 =	sor.u32 s9, s8;
	s24 =	sshrl.u32 s7, $0x3;
	s28 =	sshrl.u32 s25, $0x1  }
0xb: {  	s29 =	sshrl.u32 s26, $0x2;
	s8 =	sadd.s32 s23, s4;
	s7 =	sadd.s32 s7, s10  }
0xc: {  	s5 =	sadd.s32 s24, s4;
	s9 =	ssub.s32 s25, s28;
	s12 =	sadd.s32 s29, s2  }
0xd: {  	s10 =	sadd.s32 s30, s11;
	s11 =	simm.s32 $0x2;
	s7 =	sshrl.u32 s7, $0x3  }
0xe: {  	s6 =	sadd.s32 $0x19200, s8;
	s8 =	smax.u32 s9, $0x1;
	s9 =	sadd.s32 $0x1045A00, s10  }
0xf: {  	s10 =	sshrl.u32 s12, $0x3;
	s7 =	sadd.s32 s7, s4;
	s4 =	sadd.s32 $0xA2B200, s5  }
0x10: {  	s12 =	simm.s32 $0x4000;
	s5 =	sor.u32 $0x1C02, s31;
	s7 =	sadd.s32 $0xA53200, s7  }
.LBB2_1:
0x11: {  	[spmem:s10], [sflag:s5] =	dma.local [hbm:s4], $0x2800  }
0x12: {  	_ =	swait.ge [sflag:s11], $0x2800  }
0x13: {  	[sflag:s11] =	ssyncset.done $0x0  }
0x14: {  	[sflag:s11] =	ssyncadd.s32 $0xFFFFD800  }
0x15: {  	[tilespmem:s3], [sflag:$0x2] =	stream.linear.gather [hbm4b:s6+s3], $0x3E80, $0x38;
	[tilespmem:$0x1A800] =	vst v63  }
0x16: {  	_ =	swait.ge [sflag:s11], $0x3E80  }
0x17: {  	[sflag:s11] =	ssyncset.done $0x0  }
0x18: {  	[sflag:s11] =	ssyncadd.s32 $0xFFFFC180  }
0x19: {  	[bflag:$0x0] =	sbarrier.arrive $0xFFFF  }
0x1a: {  	[tilespmem:s12], [sflag:$0x1] =	stream.linear.gather [hbm4b:s9+s3], $0x2800, $0x38;
	[tilespmem:$0x1A800] =	vst v63  }
0x1b: {  	_ =	swait.ge [sflag:s13], $0x2800  }
0x1c: {  	[sflag:s13] =	ssyncset.done $0x0  }
0x1d: {  	s16 =	simm.s32 $0x0;
	[sflag:s13] =	ssyncadd.s32 $0xFFFFD800  }
0x1e: {  	[spmem:s2] =	stream.indirect.scatter.add.f32 [tilespmem:s12], [sflag:$0x2], $0x80, s16, s14, $0xb8;
	[tilespmem:$0x1A800] =	vst v63  }
0x1f: {  	_ =	swait.ge [sflag:s11], $0x2800  }
0x20: {  	s17 =	smov.u32 s9;
	s16 =	simm.s32 $0x200;
	[sflag:s11] =	ssyncset.done $0x0  }
.LBB2_2:
0x21: {  	p0 =	sne.s32 s16, $0xF800;
	[sflag:s11] =	ssyncadd.s32 $0xFFFFD800;
	s17 =	sadd.s32 $0x500, s17  }
0x22: {  	[tilespmem:s12], [sflag:$0x1] =	stream.linear.gather [hbm4b:s17+s3], $0x2800, $0x38;
	[tilespmem:$0x1A800] =	vst v63  }
0x23: {  	s18 =	smov.u32 s16;
	s16 =	sadd.s32 $0x200, s16;
	_ =	swait.ge [sflag:s13], $0x2800  }
.Ltmp0:
0x24: {  	[sflag:s13] =	ssyncset.done $0x0;
	(pc) =	sbr.rel @p0 .LBB2_2-.Ltmp0, $4  }
0x25: {  	s18 =	sshra.s32 s18, $0x2;
	[sflag:s13] =	ssyncadd.s32 $0xFFFFD800  }
0x26: {  	[spmem:s2] =	stream.indirect.scatter.add.f32 [tilespmem:s12], [sflag:$0x2], $0x80, s18, s14, $0xb8;
	[tilespmem:$0x1A800] =	vst v63  }
0x27: {  	_ =	swait.ge [sflag:s11], $0x2800  }
0x28: {  	[sflag:s11] =	ssyncset.done $0x0  }
0x29: {  	s15 =	sadd.s32 $0x1, s15  }
0x2a: {  	[sflag:s11] =	ssyncadd.s32 $0xFFFFD800;
	p0 =	sne.s32 s15, s8  }
.Ltmp1:
0x2b: {  	[bflag:$0x0] =	sbarrier.arrive $0xFFFF;
	(pc) =	sbr.rel @p0 .LBB2_1-.Ltmp1, $4  }
0x2c: {  	[hbm:s7], [sflag:s5] =	dma.local [spmem:s10], $0x2800  }
0x2d: {  	_ =	swait.ge [sflag:s11], $0x2800  }
0x2e: {  	[sflag:s11] =	ssyncset.done $0x0  }
0x2f: {  	[sflag:s11] =	ssyncadd.s32 $0xFFFFD800  }
0x30: {  	_ =	sfence.sel $0x180000  }
0x31: {  	[bflag:$0x0] =	sbarrier.arrive $0xFFFF  }
0x32: {  	p0 =	sne.s32 s1, $0x0;
	_ =	strace $0x9000004D  }
0x33: {  	s0 =	sadd.s32 @!p0 $0x100000, s0;
	[bflag:$0x2] =	sbarrier.arrive $0xFFFF  }
0x34: {  	[sflag:s0] =	ssyncadd.tile.s32 @!p0 $0x1;
	_ =	shalt  }
.Lfunc_end2:
_tile_overlayer_lowered:
.L_overlay_start_2:
0x35: {  	(tag) =	ssettag $0x2  }
0x36: {  	s0 =	rddreg [dreg:$0x0];
	s2 =	stileid.u32  }
0x37: {  	s1 =	rddreg [dreg:$0x1];
	p0 =	sne.s32 s2, $0x0  }
0x38: {  	s3 =	rddreg [dreg:$0x2];
	[bflag:$0x3] =	sbarrier.arrive $0xFFFF;
	s2 =	simm.s32 @!p0 $0x1C02  }
0x39: {  	[timem:s3], [sflag:s2] =	dma.local @!p0 [hbm:s0], s1  }
0x3a: {  	s0 =	simm.s32 @!p0 $0x2  }
0x3b: {  	_ =	swait.ge @!p0 [sflag:s0], s1  }
0x3c: {  	s1 =	ssub.s32 @!p0 $0x0, s1;
	[sflag:s0] =	ssyncset.done @!p0 $0x0  }
0x3d: {  	[sflag:s0] =	ssyncadd.s32 @!p0 s1  }
0x3e: {  	[bflag:$0x3] =	sbarrier.arrive $0xFFFF  }
0x3f: {  	_ =	shalt  }

// kernel: kernel.25.cloned.1.call-start
scs
__scs_entry_jumppad:
0x0: {  	(pc) =	sbr.rel $0x88, $3  }
0x1: {  	(tag) =	ssettag $0x0;
	lr =	simm.s32 $0x1  }
0x2: {  	[smem:$0x3F95] =	sst lr;
	_ =	strace $0xD0000000  }
0x3: {  	_ = 	snop  }
0x4: {  	_ = 	snop  }
0x5: {  	_ = 	snop  }
0x6: {  	_ = 	snop  }
0x7: {  	_ = 	snop  }
__scs_overlays_trampoline_lowered:
0x8: {  	[smem:$0x3FA4] =	sst s0  }
0x9: {  	[smem:$0x3FA5] =	sst s1  }
0xa: {  	[smem:$0x3FA6] =	sst s2  }
0xb: {  	[smem:$0x3FA7] =	sst s3  }
0xc: {  	[smem:$0x3FA8] =	sst s4  }
0xd: {  	[smem:$0x3FA9] =	sst s5  }
0xe: {  	[smem:$0x3FAA] =	sst s6  }
0xf: {  	[smem:$0x3FAB] =	sst s7  }
0x10: {  	[smem:$0x3FAC] =	sst s8  }
0x11: {  	[smem:$0x3FAD] =	sst s9;
	s0 =	simm.s32 @!p0 $0x0  }
0x12: {  	s1 =	sld [smem:$0x3F93];
	s0 =	simm.s32 @p0 $0x1  }
0x13: {  	[smem:$0x3FAE] =	sst s0;
	s0 =	simm.s32 @!p1 $0x0  }
0x14: {  	s2 =	sld [smem:$0x3F92];
	s0 =	simm.s32 @p1 $0x1  }
0x15: {  	[smem:$0x3FAF] =	sst s0;
	s0 =	simm.s32 @!p2 $0x0  }
0x16: {  	s3 =	sld [smem:$0x3FDB];
	s0 =	simm.s32 @p2 $0x1  }
0x17: {  	s4 =	simm.s32 $0x1BF5;
	[smem:$0x3FB1] =	sst s0  }
0x18: {  	s0 =	sld [smem:$0x3F94];
	_ =	swait.ge [sflag:s4], $0x0  }
0x19: {  	s7 =	sld [smem:$0x3F95]  }
0x1a: {  	s8 =	sadd.s32 $0xFFFFE003, lr  }
0x1b: {  	s9 =	sadd.s32 $0xFFFFFEF7, lr;
	s5 =	simm.s32 $0xFFFFFFFF;
	p2 =	slt.u32 s8, $0xFFFFF086  }
0x1c: {  	p1 =	slt.u32 s9, $0xF7A;
	s5 =	simm.s32 @!p2 $0x0  }
0x1d: {  	s5 =	simm.s32 @p1 $0x1;
	p0 =	seq.s32 s7, s2  }
0x1e: {  	s7 =	smul.u32 @!p0 $0xF7A, s2;
	p2 =	seq.s32 @!p0 s5, $0x0  }
0x1f: {  	s9 =	smul.u32 $0xF7A, s1;
	s8 =	simm.s32 @!p0 $0x1BF5;
	p2 =	por !p2, p0  }
0x20: {  	[sflag:s8] =	ssyncset.s32 @!p0 $0xFFFFF086;
	s6 =	sadd.s32 @!p0 s3, s7;
	s7 =	simm.s32 @!p0 $0x108  }
0x21: {  	s3 =	sadd.s32 s3, s9;
	s6 =	sadd.s32 @!p0 $0x88, s6;
	s7 =	simm.s32 @p2 $0x1082  }
0x22: {  	[simem:s7], [sflag:s8] =	dma.local @!p0 [hbm:s6], $0xF7A  }
0x23: {  	s9 =	sor.u32 $0xD0000000, s2;
	s6 =	simm.s32 $0x108;
	_ =	swait.ge @!p0 [sflag:s8], $0x0  }
0x24: {  	s3 =	sadd.s32 $0x88, s3;
	s6 =	simm.s32 @!p1 $0x1082;
	[sflag:s4] =	ssyncset.s32 $0xFFFFF086  }
0x25: {  	[simem:s6], [sflag:s4] =	dma.local [hbm:s3], $0xF7A  }
0x26: {  	[smem:$0x3F95] =	sst s1;
	(tag) =	ssettag s2;
	_ =	strace s9  }
0x27: {  	s1 =	sld [smem:$0x3FA5]  }
0x28: {  	s2 =	sld [smem:$0x3FA6]  }
0x29: {  	s4 =	sld [smem:$0x3FA8]  }
0x2a: {  	p0 =	seq.s32 s5, $0x0;
	s5 =	sld [smem:$0x3FA9]  }
0x2b: {  	s6 =	sld [smem:$0x3FAA]  }
0x2c: {  	s7 =	sld [smem:$0x3FAB]  }
0x2d: {  	s3 =	simm.s32 $0x108;
	s8 =	sld [smem:$0x3FAC]  }
0x2e: {  	s3 =	simm.s32 @!p0 $0x1082;
	s9 =	sld [smem:$0x3FAD]  }
0x2f: {  	lr =	sadd.s32 s0, s3;
	s0 =	sld [smem:$0x3FA4]  }
0x30: {  	s3 =	sld [smem:$0x3FA7]  }
0x31: {  	[smem:$0x3FB0] =	sst s10  }
0x32: {  	s10 =	sld [smem:$0x3FAE];
	_ =	sdelay $0x3  }
0x33: {  	p0 =	seq.s32 s10, $0x1;
	s10 =	sld [smem:$0x3FB0];
	_ =	sdelay $0x3  }
0x34: {  	[smem:$0x3FB0] =	sst s10  }
0x35: {  	s10 =	sld [smem:$0x3FAF];
	_ =	sdelay $0x3  }
0x36: {  	p1 =	seq.s32 s10, $0x1;
	s10 =	sld [smem:$0x3FB0];
	_ =	sdelay $0x3  }
0x37: {  	[smem:$0x3FB0] =	sst s10  }
0x38: {  	s10 =	sld [smem:$0x3FB1]  }
0x39: {  	_ = 	snop;
	(pc) =	sbr.ind lr, $3  }
0x3a: {  	_ = 	snop  }
0x3b: {  	_ = 	snop  }
0x3c: {  	p2 =	seq.s32 s10, $0x1;
	s10 =	sld [smem:$0x3FB0]  }
0x3d: {  	_ =	shalt  }
0x3e: {  	_ =	shalt  }
0x3f: {  	_ =	shalt  }
0x40: {  	_ =	shalt  }
0x41: {  	_ =	shalt  }
0x42: {  	_ =	shalt  }
0x43: {  	_ =	shalt  }
0x44: {  	_ =	shalt  }
0x45: {  	_ =	shalt  }
0x46: {  	_ =	shalt  }
0x47: {  	_ =	shalt  }
0x48: {  	_ =	shalt  }
0x49: {  	_ =	shalt  }
0x4a: {  	_ =	shalt  }
0x4b: {  	_ =	shalt  }
0x4c: {  	_ =	shalt  }
0x4d: {  	_ =	shalt  }
0x4e: {  	_ =	shalt  }
0x4f: {  	_ =	shalt  }
0x50: {  	_ =	shalt  }
0x51: {  	_ =	shalt  }
0x52: {  	_ =	shalt  }
0x53: {  	_ =	shalt  }
0x54: {  	_ =	shalt  }
0x55: {  	_ =	shalt  }
0x56: {  	_ =	shalt  }
0x57: {  	_ =	shalt  }
0x58: {  	_ =	shalt  }
0x59: {  	_ =	shalt  }
0x5a: {  	_ =	shalt  }
0x5b: {  	_ =	shalt  }
0x5c: {  	_ =	shalt  }
0x5d: {  	_ =	shalt  }
0x5e: {  	_ =	shalt  }
0x5f: {  	_ =	shalt  }
0x60: {  	_ =	shalt  }
0x61: {  	_ =	shalt  }
0x62: {  	_ =	shalt  }
0x63: {  	_ =	shalt  }
0x64: {  	_ =	shalt  }
0x65: {  	_ =	shalt  }
0x66: {  	_ =	shalt  }
0x67: {  	_ =	shalt  }
0x68: {  	_ =	shalt  }
0x69: {  	_ =	shalt  }
0x6a: {  	_ =	shalt  }
0x6b: {  	_ =	shalt  }
0x6c: {  	_ =	shalt  }
0x6d: {  	_ =	shalt  }
0x6e: {  	_ =	shalt  }
0x6f: {  	_ =	shalt  }
0x70: {  	_ =	shalt  }
0x71: {  	_ =	shalt  }
0x72: {  	_ =	shalt  }
0x73: {  	_ =	shalt  }
0x74: {  	_ =	shalt  }
0x75: {  	_ =	shalt  }
0x76: {  	_ =	shalt  }
0x77: {  	_ =	shalt  }
0x78: {  	_ =	shalt  }
0x79: {  	_ =	shalt  }
0x7a: {  	_ =	shalt  }
0x7b: {  	_ =	shalt  }
0x7c: {  	_ =	shalt  }
0x7d: {  	_ =	shalt  }
0x7e: {  	_ =	shalt  }
0x7f: {  	_ =	shalt  }
0x80: {  	_ =	shalt  }
0x81: {  	_ =	shalt  }
0x82: {  	_ =	shalt  }
0x83: {  	_ =	shalt  }
0x84: {  	_ =	shalt  }
0x85: {  	_ =	shalt  }
0x86: {  	_ =	shalt  }
0x87: {  	_ =	shalt  }
.Lfunc_end0:
.L_simem_size_0:
called_computation.3_lowered:
.L_overlay_start_0:
0x88: {  	s2 =	sld [smem:$0x3FD9]  }
0x89: {  	s3 =	sld [smem:$0x3FFE];
	_ =	sdelay $0x1  }
0x8a: {  	s1 =	srdreg.scid  }
0x8b: {  	s0 =	sand.u32 $0x1, s1  }
0x8c: {  	s16 =	sshll.u32 s0, $0xA;
	s2 =	sadd.s32 s3, s2  }
0x8d: {  	s2 =	sadd.s32 s2, s16  }
0x8e: {  	[smem:$0x3FBC] =	sst s2  }
0x8f: {  	_ = 	snop  }
0x90: {  	(tm) =	ssettm $0x1  }
0x91: {  	s17 =	sld [smem:$0x3FFB];
	_ =	sdelay $0x3  }
0x92: {  	_ =	strace s17  }
0x93: {  	s2 =	sld [smem:$0x3FFC];
	_ =	sdelay $0x3  }
0x94: {  	_ =	strace s2  }
0x95: {  	s2 =	sld [smem:$0x3FFD];
	_ =	sdelay $0x3  }
0x96: {  	_ =	strace s2  }
0x97: {  	_ =	strace $0x8FFFFFFF  }
0x98: {  	s18 =	sld [smem:$0x3FDB];
	_ =	sdelay $0x1  }
0x99: {  	s19 =	simm.s32 $_scs_section_size  }
0x9a: {  	s4 =	simm.s32 $_size__tile_overlayer_lowered;
	s5 =	simm.s32 $_tile_overlayer_lowered  }
0x9b: {  	s22 =	simm.s32 $0x1BFF;
	s21 =	sshll.u32 s5, $0x1;
	s2 =	sadd.s32 s19, s18  }
0x9c: {  	s6 =	simm.s32 $0x0;
	s20 =	sshll.u32 s4, $0x1;
	s4 =	sadd.s32 s21, s2  }
0x9d: {  	[timem:s6], [sflag:s22] =	dma.local [hbm:s4], s20  }
0x9e: {  	_ =	swait.ge [sflag:s22], s20  }
0x9f: {  	s3 =	ssub.s32 $0x0, s20;
	[sflag:s22] =	ssyncset.done $0x0  }
0xa0: {  	[sflag:s22] =	ssyncadd.s32 s3;
	_ =	sdelay $0x1  }
0xa1: {  	s23 =	simm.s32 $0x1B8B  }
0xa2: {  	_ =	swait.ge [sflag:s23], $0x1  }
0xa3: {  	[sflag:s23] =	ssyncset.done $0x0  }
0xa4: {  	s25 =	simm.s32 $0x1B8E;
	s24 =	sld [smem:$0x3FFE];
	[sflag:s23] =	ssyncadd.s32 $0xFFFFFFFF  }
0xa5: {  	s26 =	simm.s32 $execute0_lowered;
	[smem:$0x3FD2] =	sst s25  }
0xa6: {  	s4 =	sshll.u32 s26, $0x1;
	_ =	strace $0x8000004F;
	[dreg:$0x1] =	wrdreg $0xFFFFFFFF  }
0xa7: {  	s28 =	simm.s32 $_size_execute0_lowered;
	s2 =	sadd.s32 s2, s4;
	[dreg:$0x0] =	wrdreg $0x0  }
0xa8: {  	s4 =	sshll.u32 s28, $0x1;
	[dreg:$0x2] =	wrdreg s2  }
0xa9: {  	[dreg:$0x3] =	wrdreg s4  }
0xaa: {  	[dreg:$0x4] =	wrdreg $0xC0  }
0xab: {  	_ =	task [dreg:s6], $0x5FFFF  }
0xac: {  	[dreg:$0x1] =	wrdreg $0xFFFFFFFF  }
0xad: {  	[dreg:$0x0] =	wrdreg $0x60  }
0xae: {  	[dreg:$0x2] =	wrdreg s24  }
0xaf: {  	[dreg:$0x3] =	wrdreg $0x9  }
0xb0: {  	_ =	task.clear_ibuf [dreg:s6], $0x4FFFF;
	_ =	strace $0x9000004F  }
0xb1: {  	s29 =	simm.s32 $0x9;
	_ =	strace $0x80000051  }
0xb2: {  	_ =	swait.ge [sflag:s29], $0x1  }
0xb3: {  	[sflag:s29] =	ssyncadd.s32 $0xFFFFFFFF  }
0xb4: {  	_ =	strace $0x90000051  }
0xb5: {  	_ =	sfence  }
0xb6: {  	s30 =	sld [smem:$0x0];
	_ =	sdelay $0x2  }
0xb7: {  	s31 =	sshll.u32 s1, $0xD;
	s1 =	sshrl.u32 s1, $0x2  }
0xb8: {  	s3 =	sand.u32 $0x4000, s31;
	s1 =	sadd.s32 s1, s30  }
0xb9: {  	s0 =	sor.u32 s3, s0;
	s1 =	sshll.u32 s1, $0x11  }
0xba: {  	s0 =	sor.u32 s1, s0  }
0xbb: {  	s0 =	sadd.s32 $0x8F2B, s0  }
0xbc: {  	[sflag:s0] =	ssyncadd.remote.s32 $0x1  }
0xbd: {  	_ =	sfence.sel $0xFFFF  }
0xbe: {  	[dreg:$0x0] =	wrdreg $0xFFFFFFFF;
	(pc) =	sbr.abs _section_cstart, $3  }
0xbf: {  	[dreg:$0x1] =	wrdreg $0xFFFFFFFF  }
0xc0: {  	_ =	task.clear_ibuf [dreg:s6], $0x2FFFF;
	_ =	strace $0x9FFFFFFF  }
0xc1: {  	(tm) =	ssettm $0x7FFFFFFF  }
tec
execute0_lowered:
.L_overlay_start_1:
0x0: {  	(tag) =	ssettag $0x1  }
0x1: {  	s5 =	rddreg [dreg:$0x0]  }
0x2: {  	s0 =	rddreg [dreg:$0x1];
	s1 =	simm.s32 $0x0;
	s6 =	srdreg.scid  }
0x3: {  	s2 =	stileid.u32;
	s10 =	simm.s32 $0x3;
	s11 =	simm.s32 $0x4000  }
0x4: {  	s12 =	simm.s32 $0x50;
	s13 =	simm.s32 $0x8000;
	s14 =	simm.s32 $0xA800  }
0x5: {  	s15 =	simm.s32 $0x1;
	s16 =	simm.s32 $0x2;
	[smem:$0x7FF] =	sst s1  }
0x6: {  	s17 =	simm.s32 $0x0;
	s3 =	sadd.s32 $0xA53200, s5;
	s4 =	sadd.s32 $0xA7A400, s5  }
0x7: {  	s6 =	sand.u32 $0x1, s6;
	s7 =	sshll.u32 s2, $0xC;
	s9 =	smul.u32 $0x4E200, s2  }
0x8: {  	_ =	strace $0x80000050;
	s8 =	sshll.u32 s6, $0xB;
	s30 =	ssub.s32 $0x2, s6  }
0x9: {  	s6 =	smul.u32 $0x27100, s6;
	s7 =	sor.u32 s8, s7;
	s31 =	sshrl.u32 s30, $0x1  }
0xa: {  	s9 =	sadd.s32 s9, s5;
	s7 =	sadd.s32 s7, s5;
	s8 =	ssub.s32 s30, s31  }
0xb: {  	s9 =	sadd.s32 s6, s9;
	s5 =	sadd.s32 $0x9200, s7;
	s6 =	sadd.s32 $0x19200, s7  }
0xc: {  	s7 =	smax.u32 s8, $0x1;
	s8 =	sadd.s32 $0x3EC00, s9;
	s9 =	sadd.s32 $0x520C00, s9  }
.LBB2_1:
0xd: {  	[tilespmem:s1], [sflag:$0x3] =	stream.linear.gather [hbm4b:s5+s1], $0x3E80, $0x38;
	[tilespmem:$0xD000] =	vst v63  }
0xe: {  	_ =	swait.ge [sflag:s10], $0x3E80  }
0xf: {  	[sflag:s10] =	ssyncset.done $0x0  }
0x10: {  	[sflag:s10] =	ssyncadd.s32 $0xFFFFC180  }
0x11: {  	[tilespmem:s11], [sflag:$0x3] =	stream.linear.gather [hbm4b:s6+s1], $0x3E80, $0x38;
	[tilespmem:$0xD000] =	vst v63  }
0x12: {  	_ =	swait.ge [sflag:s10], $0x3E80  }
0x13: {  	[sflag:s10] =	ssyncset.done $0x0  }
0x14: {  	s18 =	simm.s32 $0x0;
	[sflag:s10] =	ssyncadd.s32 $0xFFFFC180  }
0x15: {  	[tilespmem:s13], [sflag:$0x1] =	stream.indirect.gather [hbm4b:s3+s12], $0x80, s18, s12, $0xb8;
	[tilespmem:$0xD000] =	vst v63  }
0x16: {  	s31 =	simm.s32 $0x4000  }
0x17: {  	[tilespmem:s14], [sflag:$0x2] =	stream.indirect.gather [hbm4b:s4+s12], $0x80, s31, s12, $0xb8;
	[tilespmem:$0xD000] =	vst v63  }
0x18: {  	_ =	swait.ge [sflag:s15], $0x2800  }
0x19: {  	[sflag:s15] =	ssyncset.done $0x0  }
0x1a: {  	[sflag:s15] =	ssyncadd.s32 $0xFFFFD800  }
0x1b: {  	_ =	swait.ge [sflag:s16], $0x2800  }
0x1c: {  	[sflag:s16] =	ssyncset.done $0x0  }
0x1d: {  	[sflag:s16] =	ssyncadd.s32 $0xFFFFD800  }
0x1e: {  	[hbm4b:s8+s1] =	stream.linear.scatter [tilespmem:s13], [sflag:$0x3], $0x2800, $0x38;
	[tilespmem:$0xD000] =	vst v63  }
0x1f: {  	_ =	swait.ge [sflag:s10], $0x2800  }
0x20: {  	[sflag:s10] =	ssyncset.done $0x0  }
0x21: {  	[sflag:s10] =	ssyncadd.s32 $0xFFFFD800  }
0x22: {  	[hbm4b:s9+s1] =	stream.linear.scatter [tilespmem:s14], [sflag:$0x3], $0x2800, $0x38;
	[tilespmem:$0xD000] =	vst v63  }
0x23: {  	s20 =	simm.s32 $0x200;
	s21 =	simm.s32 $0x400;
	_ =	swait.ge [sflag:s10], $0x2800  }
0x24: {  	s19 =	sadd.s32 $0x500, s8;
	s18 =	sadd.s32 $0x500, s9;
	[sflag:s10] =	ssyncset.done $0x0  }
.LBB2_2:
0x25: {  	s22 =	sshra.s32 s20, $0x2  }
0x26: {  	[sflag:s10] =	ssyncadd.s32 $0xFFFFD800;
	s20 =	smov.u32 s21;
	s23 =	sadd.s32 $0x200, s21  }
0x27: {  	[tilespmem:s13], [sflag:$0x1] =	stream.indirect.gather [hbm4b:s3+s12], $0x80, s22, s12, $0xb8;
	[tilespmem:$0xD000] =	vst v63  }
0x28: {  	p0 =	sne.s32 s21, $0xF800;
	s21 =	sadd.s32 $0x4000, s22  }
0x29: {  	[tilespmem:s14], [sflag:$0x2] =	stream.indirect.gather [hbm4b:s4+s12], $0x80, s21, s12, $0xb8;
	[tilespmem:$0xD000] =	vst v63  }
0x2a: {  	_ =	swait.ge [sflag:s15], $0x2800  }
0x2b: {  	[sflag:s15] =	ssyncset.done $0x0  }
0x2c: {  	[sflag:s15] =	ssyncadd.s32 $0xFFFFD800  }
0x2d: {  	_ =	swait.ge [sflag:s16], $0x2800  }
0x2e: {  	[sflag:s16] =	ssyncset.done $0x0  }
0x2f: {  	[sflag:s16] =	ssyncadd.s32 $0xFFFFD800  }
0x30: {  	[hbm4b:s19+s1] =	stream.linear.scatter [tilespmem:s13], [sflag:$0x3], $0x2800, $0x38;
	[tilespmem:$0xD000] =	vst v63  }
0x31: {  	_ =	swait.ge [sflag:s10], $0x2800  }
.Ltmp0:
0x32: {  	[sflag:s10] =	ssyncset.done $0x0;
	(pc) =	sbr.rel @p0 .LBB2_2-.Ltmp0, $4  }
0x33: {  	[sflag:s10] =	ssyncadd.s32 $0xFFFFD800  }
0x34: {  	[hbm4b:s18+s1] =	stream.linear.scatter [tilespmem:s14], [sflag:$0x3], $0x2800, $0x38;
	[tilespmem:$0xD000] =	vst v63  }
0x35: {  	s21 =	smov.u32 s23;
	_ =	swait.ge [sflag:s10], $0x2800  }
0x36: {  	s19 =	sadd.s32 $0x500, s19;
	s18 =	sadd.s32 $0x500, s18;
	[sflag:s10] =	ssyncset.done $0x0  }
0x37: {  	s20 =	sshra.s32 s20, $0x2;
	[sflag:s10] =	ssyncadd.s32 $0xFFFFD800  }
0x38: {  	[tilespmem:s13], [sflag:$0x1] =	stream.indirect.gather [hbm4b:s3+s12], $0x80, s20, s12, $0xb8;
	[tilespmem:$0xD000] =	vst v63  }
0x39: {  	s20 =	sadd.s32 $0x4000, s20  }
0x3a: {  	[tilespmem:s14], [sflag:$0x2] =	stream.indirect.gather [hbm4b:s4+s12], $0x80, s20, s12, $0xb8;
	[tilespmem:$0xD000] =	vst v63  }
0x3b: {  	_ =	swait.ge [sflag:s15], $0x2800  }
0x3c: {  	[sflag:s15] =	ssyncset.done $0x0  }
0x3d: {  	[sflag:s15] =	ssyncadd.s32 $0xFFFFD800  }
0x3e: {  	_ =	swait.ge [sflag:s16], $0x2800  }
0x3f: {  	[sflag:s16] =	ssyncset.done $0x0  }
0x40: {  	[sflag:s16] =	ssyncadd.s32 $0xFFFFD800  }
0x41: {  	[hbm4b:s19+s1] =	stream.linear.scatter [tilespmem:s13], [sflag:$0x3], $0x2800, $0x38;
	[tilespmem:$0xD000] =	vst v63  }
0x42: {  	s17 =	sadd.s32 $0x1, s17;
	_ =	swait.ge [sflag:s10], $0x2800  }
0x43: {  	p0 =	sne.s32 s17, s7;
	[sflag:s10] =	ssyncset.done $0x0  }
.Ltmp1:
0x44: {  	[sflag:s10] =	ssyncadd.s32 $0xFFFFD800;
	(pc) =	sbr.rel @p0 .LBB2_1-.Ltmp1, $4  }
0x45: {  	[hbm4b:s18+s1] =	stream.linear.scatter [tilespmem:s14], [sflag:$0x3], $0x2800, $0x38;
	[tilespmem:$0xD000] =	vst v63  }
0x46: {  	_ =	swait.ge [sflag:s10], $0x2800  }
0x47: {  	[sflag:s10] =	ssyncset.done $0x0  }
0x48: {  	[sflag:s10] =	ssyncadd.s32 $0xFFFFD800  }
0x49: {  	_ =	sfence.sel $0x180000  }
0x4a: {  	[bflag:$0x0] =	sbarrier.arrive $0xFFFF  }
0x4b: {  	p0 =	sne.s32 s2, $0x0;
	_ =	strace $0x90000050  }
0x4c: {  	s0 =	sadd.s32 @!p0 $0x100000, s0;
	[bflag:$0x2] =	sbarrier.arrive $0xFFFF  }
0x4d: {  	[sflag:s0] =	ssyncadd.tile.s32 @!p0 $0x1;
	_ =	shalt  }
.Lfunc_end2:
_tile_overlayer_lowered:
.L_overlay_start_2:
0x4e: {  	(tag) =	ssettag $0x2  }
0x4f: {  	s0 =	rddreg [dreg:$0x0];
	s2 =	stileid.u32  }
0x50: {  	s1 =	rddreg [dreg:$0x1];
	p0 =	sne.s32 s2, $0x0  }
0x51: {  	s3 =	rddreg [dreg:$0x2];
	[bflag:$0x3] =	sbarrier.arrive $0xFFFF;
	s2 =	simm.s32 @!p0 $0x1C03  }
0x52: {  	[timem:s3], [sflag:s2] =	dma.local @!p0 [hbm:s0], s1  }
0x53: {  	s0 =	simm.s32 @!p0 $0x3  }
0x54: {  	_ =	swait.ge @!p0 [sflag:s0], s1  }
0x55: {  	s1 =	ssub.s32 @!p0 $0x0, s1;
	[sflag:s0] =	ssyncset.done @!p0 $0x0  }
0x56: {  	[sflag:s0] =	ssyncadd.s32 @!p0 s1  }
0x57: {  	[bflag:$0x3] =	sbarrier.arrive $0xFFFF  }
0x58: {  	_ =	shalt  }

// kernel: kernel.28.cloned.1.call-start
scs
__scs_entry_jumppad:
0x0: {  	(pc) =	sbr.rel $0x88, $3  }
0x1: {  	(tag) =	ssettag $0x0;
	lr =	simm.s32 $0x1  }
0x2: {  	[smem:$0x3F95] =	sst lr;
	_ =	strace $0xD0000000  }
0x3: {  	_ = 	snop  }
0x4: {  	_ = 	snop  }
0x5: {  	_ = 	snop  }
0x6: {  	_ = 	snop  }
0x7: {  	_ = 	snop  }
__scs_overlays_trampoline_lowered:
0x8: {  	[smem:$0x3FA4] =	sst s0  }
0x9: {  	[smem:$0x3FA5] =	sst s1  }
0xa: {  	[smem:$0x3FA6] =	sst s2  }
0xb: {  	[smem:$0x3FA7] =	sst s3  }
0xc: {  	[smem:$0x3FA8] =	sst s4  }
0xd: {  	[smem:$0x3FA9] =	sst s5  }
0xe: {  	[smem:$0x3FAA] =	sst s6  }
0xf: {  	[smem:$0x3FAB] =	sst s7  }
0x10: {  	[smem:$0x3FAC] =	sst s8  }
0x11: {  	[smem:$0x3FAD] =	sst s9;
	s0 =	simm.s32 @!p0 $0x0  }
0x12: {  	s1 =	sld [smem:$0x3F93];
	s0 =	simm.s32 @p0 $0x1  }
0x13: {  	[smem:$0x3FAE] =	sst s0;
	s0 =	simm.s32 @!p1 $0x0  }
0x14: {  	s2 =	sld [smem:$0x3F92];
	s0 =	simm.s32 @p1 $0x1  }
0x15: {  	[smem:$0x3FAF] =	sst s0;
	s0 =	simm.s32 @!p2 $0x0  }
0x16: {  	s3 =	sld [smem:$0x3FDB];
	s0 =	simm.s32 @p2 $0x1  }
0x17: {  	s4 =	simm.s32 $0x1BF5;
	[smem:$0x3FB1] =	sst s0  }
0x18: {  	s0 =	sld [smem:$0x3F94];
	_ =	swait.ge [sflag:s4], $0x0  }
0x19: {  	s7 =	sld [smem:$0x3F95]  }
0x1a: {  	s8 =	sadd.s32 $0xFFFFE003, lr  }
0x1b: {  	s9 =	sadd.s32 $0xFFFFFEF7, lr;
	s5 =	simm.s32 $0xFFFFFFFF;
	p2 =	slt.u32 s8, $0xFFFFF086  }
0x1c: {  	p1 =	slt.u32 s9, $0xF7A;
	s5 =	simm.s32 @!p2 $0x0  }
0x1d: {  	s5 =	simm.s32 @p1 $0x1;
	p0 =	seq.s32 s7, s2  }
0x1e: {  	s7 =	smul.u32 @!p0 $0xF7A, s2;
	p2 =	seq.s32 @!p0 s5, $0x0  }
0x1f: {  	s9 =	smul.u32 $0xF7A, s1;
	s8 =	simm.s32 @!p0 $0x1BF5;
	p2 =	por !p2, p0  }
0x20: {  	[sflag:s8] =	ssyncset.s32 @!p0 $0xFFFFF086;
	s6 =	sadd.s32 @!p0 s3, s7;
	s7 =	simm.s32 @!p0 $0x108  }
0x21: {  	s3 =	sadd.s32 s3, s9;
	s6 =	sadd.s32 @!p0 $0x88, s6;
	s7 =	simm.s32 @p2 $0x1082  }
0x22: {  	[simem:s7], [sflag:s8] =	dma.local @!p0 [hbm:s6], $0xF7A  }
0x23: {  	s9 =	sor.u32 $0xD0000000, s2;
	s6 =	simm.s32 $0x108;
	_ =	swait.ge @!p0 [sflag:s8], $0x0  }
0x24: {  	s3 =	sadd.s32 $0x88, s3;
	s6 =	simm.s32 @!p1 $0x1082;
	[sflag:s4] =	ssyncset.s32 $0xFFFFF086  }
0x25: {  	[simem:s6], [sflag:s4] =	dma.local [hbm:s3], $0xF7A  }
0x26: {  	[smem:$0x3F95] =	sst s1;
	(tag) =	ssettag s2;
	_ =	strace s9  }
0x27: {  	s1 =	sld [smem:$0x3FA5]  }
0x28: {  	s2 =	sld [smem:$0x3FA6]  }
0x29: {  	s4 =	sld [smem:$0x3FA8]  }
0x2a: {  	p0 =	seq.s32 s5, $0x0;
	s5 =	sld [smem:$0x3FA9]  }
0x2b: {  	s6 =	sld [smem:$0x3FAA]  }
0x2c: {  	s7 =	sld [smem:$0x3FAB]  }
0x2d: {  	s3 =	simm.s32 $0x108;
	s8 =	sld [smem:$0x3FAC]  }
0x2e: {  	s3 =	simm.s32 @!p0 $0x1082;
	s9 =	sld [smem:$0x3FAD]  }
0x2f: {  	lr =	sadd.s32 s0, s3;
	s0 =	sld [smem:$0x3FA4]  }
0x30: {  	s3 =	sld [smem:$0x3FA7]  }
0x31: {  	[smem:$0x3FB0] =	sst s10  }
0x32: {  	s10 =	sld [smem:$0x3FAE];
	_ =	sdelay $0x3  }
0x33: {  	p0 =	seq.s32 s10, $0x1;
	s10 =	sld [smem:$0x3FB0];
	_ =	sdelay $0x3  }
0x34: {  	[smem:$0x3FB0] =	sst s10  }
0x35: {  	s10 =	sld [smem:$0x3FAF];
	_ =	sdelay $0x3  }
0x36: {  	p1 =	seq.s32 s10, $0x1;
	s10 =	sld [smem:$0x3FB0];
	_ =	sdelay $0x3  }
0x37: {  	[smem:$0x3FB0] =	sst s10  }
0x38: {  	s10 =	sld [smem:$0x3FB1]  }
0x39: {  	_ = 	snop;
	(pc) =	sbr.ind lr, $3  }
0x3a: {  	_ = 	snop  }
0x3b: {  	_ = 	snop  }
0x3c: {  	p2 =	seq.s32 s10, $0x1;
	s10 =	sld [smem:$0x3FB0]  }
0x3d: {  	_ =	shalt  }
0x3e: {  	_ =	shalt  }
0x3f: {  	_ =	shalt  }
0x40: {  	_ =	shalt  }
0x41: {  	_ =	shalt  }
0x42: {  	_ =	shalt  }
0x43: {  	_ =	shalt  }
0x44: {  	_ =	shalt  }
0x45: {  	_ =	shalt  }
0x46: {  	_ =	shalt  }
0x47: {  	_ =	shalt  }
0x48: {  	_ =	shalt  }
0x49: {  	_ =	shalt  }
0x4a: {  	_ =	shalt  }
0x4b: {  	_ =	shalt  }
0x4c: {  	_ =	shalt  }
0x4d: {  	_ =	shalt  }
0x4e: {  	_ =	shalt  }
0x4f: {  	_ =	shalt  }
0x50: {  	_ =	shalt  }
0x51: {  	_ =	shalt  }
0x52: {  	_ =	shalt  }
0x53: {  	_ =	shalt  }
0x54: {  	_ =	shalt  }
0x55: {  	_ =	shalt  }
0x56: {  	_ =	shalt  }
0x57: {  	_ =	shalt  }
0x58: {  	_ =	shalt  }
0x59: {  	_ =	shalt  }
0x5a: {  	_ =	shalt  }
0x5b: {  	_ =	shalt  }
0x5c: {  	_ =	shalt  }
0x5d: {  	_ =	shalt  }
0x5e: {  	_ =	shalt  }
0x5f: {  	_ =	shalt  }
0x60: {  	_ =	shalt  }
0x61: {  	_ =	shalt  }
0x62: {  	_ =	shalt  }
0x63: {  	_ =	shalt  }
0x64: {  	_ =	shalt  }
0x65: {  	_ =	shalt  }
0x66: {  	_ =	shalt  }
0x67: {  	_ =	shalt  }
0x68: {  	_ =	shalt  }
0x69: {  	_ =	shalt  }
0x6a: {  	_ =	shalt  }
0x6b: {  	_ =	shalt  }
0x6c: {  	_ =	shalt  }
0x6d: {  	_ =	shalt  }
0x6e: {  	_ =	shalt  }
0x6f: {  	_ =	shalt  }
0x70: {  	_ =	shalt  }
0x71: {  	_ =	shalt  }
0x72: {  	_ =	shalt  }
0x73: {  	_ =	shalt  }
0x74: {  	_ =	shalt  }
0x75: {  	_ =	shalt  }
0x76: {  	_ =	shalt  }
0x77: {  	_ =	shalt  }
0x78: {  	_ =	shalt  }
0x79: {  	_ =	shalt  }
0x7a: {  	_ =	shalt  }
0x7b: {  	_ =	shalt  }
0x7c: {  	_ =	shalt  }
0x7d: {  	_ =	shalt  }
0x7e: {  	_ =	shalt  }
0x7f: {  	_ =	shalt  }
0x80: {  	_ =	shalt  }
0x81: {  	_ =	shalt  }
0x82: {  	_ =	shalt  }
0x83: {  	_ =	shalt  }
0x84: {  	_ =	shalt  }
0x85: {  	_ =	shalt  }
0x86: {  	_ =	shalt  }
0x87: {  	_ =	shalt  }
.Lfunc_end0:
.L_simem_size_0:
called_computation.4_lowered:
.L_overlay_start_0:
0x88: {  	s2 =	sld [smem:$0x3FD9]  }
0x89: {  	s3 =	sld [smem:$0x3FFE];
	_ =	sdelay $0x1  }
0x8a: {  	s1 =	srdreg.scid  }
0x8b: {  	s0 =	sand.u32 $0x1, s1  }
0x8c: {  	s16 =	sshll.u32 s0, $0xA;
	s2 =	sadd.s32 s3, s2  }
0x8d: {  	s2 =	sadd.s32 s2, s16  }
0x8e: {  	[smem:$0x3FBC] =	sst s2  }
0x8f: {  	_ = 	snop  }
0x90: {  	(tm) =	ssettm $0x1  }
0x91: {  	s17 =	sld [smem:$0x3FFB];
	_ =	sdelay $0x3  }
0x92: {  	_ =	strace s17  }
0x93: {  	s2 =	sld [smem:$0x3FFC];
	_ =	sdelay $0x3  }
0x94: {  	_ =	strace s2  }
0x95: {  	s2 =	sld [smem:$0x3FFD];
	_ =	sdelay $0x3  }
0x96: {  	_ =	strace s2  }
0x97: {  	_ =	strace $0x8FFFFFFF  }
0x98: {  	s18 =	sld [smem:$0x3FDB];
	_ =	sdelay $0x1  }
0x99: {  	s19 =	simm.s32 $_scs_section_size  }
0x9a: {  	s4 =	simm.s32 $_size__tile_overlayer_lowered;
	s5 =	simm.s32 $_tile_overlayer_lowered  }
0x9b: {  	s22 =	simm.s32 $0x1BFF;
	s21 =	sshll.u32 s5, $0x1;
	s2 =	sadd.s32 s19, s18  }
0x9c: {  	s6 =	simm.s32 $0x0;
	s20 =	sshll.u32 s4, $0x1;
	s4 =	sadd.s32 s21, s2  }
0x9d: {  	[timem:s6], [sflag:s22] =	dma.local [hbm:s4], s20  }
0x9e: {  	_ =	swait.ge [sflag:s22], s20  }
0x9f: {  	s3 =	ssub.s32 $0x0, s20;
	[sflag:s22] =	ssyncset.done $0x0  }
0xa0: {  	[sflag:s22] =	ssyncadd.s32 s3;
	_ =	sdelay $0x1  }
0xa1: {  	s23 =	simm.s32 $0x1B8B  }
0xa2: {  	_ =	swait.ge [sflag:s23], $0x1  }
0xa3: {  	[sflag:s23] =	ssyncset.done $0x0  }
0xa4: {  	s25 =	simm.s32 $0x1B8E;
	s24 =	sld [smem:$0x3FFE];
	[sflag:s23] =	ssyncadd.s32 $0xFFFFFFFF  }
0xa5: {  	s26 =	simm.s32 $execute0_lowered;
	[smem:$0x3FD2] =	sst s25  }
0xa6: {  	s4 =	sshll.u32 s26, $0x1;
	_ =	strace $0x80000052;
	[dreg:$0x1] =	wrdreg $0xFFFFFFFF  }
0xa7: {  	s28 =	simm.s32 $_size_execute0_lowered;
	s2 =	sadd.s32 s2, s4;
	[dreg:$0x0] =	wrdreg $0x0  }
0xa8: {  	s4 =	sshll.u32 s28, $0x1;
	[dreg:$0x2] =	wrdreg s2  }
0xa9: {  	[dreg:$0x3] =	wrdreg s4  }
0xaa: {  	[dreg:$0x4] =	wrdreg $0xC0  }
0xab: {  	_ =	task [dreg:s6], $0x5FFFF  }
0xac: {  	[dreg:$0x1] =	wrdreg $0xFFFFFFFF  }
0xad: {  	[dreg:$0x0] =	wrdreg $0x60  }
0xae: {  	[dreg:$0x2] =	wrdreg s24  }
0xaf: {  	[dreg:$0x3] =	wrdreg $0x68000  }
0xb0: {  	[dreg:$0x4] =	wrdreg $0x9  }
0xb1: {  	_ =	task.clear_ibuf [dreg:s6], $0x5FFFF;
	_ =	strace $0x90000052  }
0xb2: {  	s29 =	simm.s32 $0x9;
	_ =	strace $0x80000054  }
0xb3: {  	_ =	swait.ge [sflag:s29], $0x1  }
0xb4: {  	[sflag:s29] =	ssyncadd.s32 $0xFFFFFFFF  }
0xb5: {  	_ =	strace $0x90000054  }
0xb6: {  	_ =	sfence  }
0xb7: {  	s30 =	sld [smem:$0x0];
	_ =	sdelay $0x2  }
0xb8: {  	s31 =	sshll.u32 s1, $0xD;
	s1 =	sshrl.u32 s1, $0x2  }
0xb9: {  	s3 =	sand.u32 $0x4000, s31;
	s1 =	sadd.s32 s1, s30  }
0xba: {  	s0 =	sor.u32 s3, s0;
	s1 =	sshll.u32 s1, $0x11  }
0xbb: {  	s0 =	sor.u32 s1, s0  }
0xbc: {  	s0 =	sadd.s32 $0x8F2B, s0  }
0xbd: {  	[sflag:s0] =	ssyncadd.remote.s32 $0x1  }
0xbe: {  	_ =	sfence.sel $0xFFFF  }
0xbf: {  	[dreg:$0x0] =	wrdreg $0xFFFFFFFF;
	(pc) =	sbr.abs _section_cstart, $3  }
0xc0: {  	[dreg:$0x1] =	wrdreg $0xFFFFFFFF  }
0xc1: {  	_ =	task.clear_ibuf [dreg:s6], $0x2FFFF;
	_ =	strace $0x9FFFFFFF  }
0xc2: {  	(tm) =	ssettm $0x7FFFFFFF  }
0xc3: {  	_ =	shalt  }
tec
execute0_lowered:
.L_overlay_start_1:
0x0: {  	(tag) =	ssettag $0x1  }
0x1: {  	s4 =	rddreg [dreg:$0x0]  }
0x2: {  	s2 =	rddreg [dreg:$0x1]  }
0x3: {  	s0 =	rddreg [dreg:$0x2];
	s1 =	stileid.u32  }
0x4: {  	s3 =	simm.s32 $0x0;
	s6 =	srdreg.scid;
	s13 =	simm.s32 $0x1  }
0x5: {  	s14 =	simm.s32 $0x50;
	s15 =	simm.s32 $0x0;
	s5 =	smul.u32 $0x4E200, s1  }
0x6: {  	[smem:$0x7FF] =	sst s3;
	s6 =	sand.u32 $0x1, s6;
	s7 =	smul.u32 $0x14000, s1  }
0x7: {  	s8 =	sshll.u32 s1, $0xC;
	s26 =	smul.u32 $0x50000, s1;
	s31 =	sshll.u32 s1, $0x6  }
0x8: {  	s9 =	sshll.u32 s6, $0xB;
	s10 =	smul.u32 $0x140000, s6;
	_ =	strace $0x80000053  }
0x9: {  	s25 =	ssub.s32 $0x2, s6;
	s30 =	smul.u32 $0x27100, s6;
	s11 =	sadd.s32 s5, s4  }
0xa: {  	s23 =	sor.u32 s9, s8;
	s24 =	sshrl.u32 s7, $0x3;
	s28 =	sshrl.u32 s25, $0x1  }
0xb: {  	s29 =	sshrl.u32 s26, $0x2;
	s8 =	sadd.s32 s23, s4;
	s7 =	sadd.s32 s7, s10  }
0xc: {  	s5 =	sadd.s32 s24, s4;
	s9 =	ssub.s32 s25, s28;
	s12 =	sadd.s32 s29, s2  }
0xd: {  	s10 =	sadd.s32 s30, s11;
	s11 =	simm.s32 $0x2;
	s7 =	sshrl.u32 s7, $0x3  }
0xe: {  	s6 =	sadd.s32 $0x19200, s8;
	s8 =	smax.u32 s9, $0x1;
	s9 =	sadd.s32 $0x1045A00, s10  }
0xf: {  	s10 =	sshrl.u32 s12, $0x3;
	s7 =	sadd.s32 s7, s4;
	s4 =	sadd.s32 $0xA2B200, s5  }
0x10: {  	s12 =	simm.s32 $0x4000;
	s5 =	sor.u32 $0x1C02, s31;
	s7 =	sadd.s32 $0xA53200, s7  }
.LBB2_1:
0x11: {  	[spmem:s10], [sflag:s5] =	dma.local [hbm:s4], $0x2800  }
0x12: {  	_ =	swait.ge [sflag:s11], $0x2800  }
0x13: {  	[sflag:s11] =	ssyncset.done $0x0  }
0x14: {  	[sflag:s11] =	ssyncadd.s32 $0xFFFFD800  }
0x15: {  	[tilespmem:s3], [sflag:$0x2] =	stream.linear.gather [hbm4b:s6+s3], $0x3E80, $0x38;
	[tilespmem:$0x1A800] =	vst v63  }
0x16: {  	_ =	swait.ge [sflag:s11], $0x3E80  }
0x17: {  	[sflag:s11] =	ssyncset.done $0x0  }
0x18: {  	[sflag:s11] =	ssyncadd.s32 $0xFFFFC180  }
0x19: {  	[bflag:$0x0] =	sbarrier.arrive $0xFFFF  }
0x1a: {  	[tilespmem:s12], [sflag:$0x1] =	stream.linear.gather [hbm4b:s9+s3], $0x2800, $0x38;
	[tilespmem:$0x1A800] =	vst v63  }
0x1b: {  	_ =	swait.ge [sflag:s13], $0x2800  }
0x1c: {  	[sflag:s13] =	ssyncset.done $0x0  }
0x1d: {  	s16 =	simm.s32 $0x0;
	[sflag:s13] =	ssyncadd.s32 $0xFFFFD800  }
0x1e: {  	[spmem:s2] =	stream.indirect.scatter.add.f32 [tilespmem:s12], [sflag:$0x2], $0x80, s16, s14, $0xb8;
	[tilespmem:$0x1A800] =	vst v63  }
0x1f: {  	_ =	swait.ge [sflag:s11], $0x2800  }
0x20: {  	s17 =	smov.u32 s9;
	s16 =	simm.s32 $0x200;
	[sflag:s11] =	ssyncset.done $0x0  }
.LBB2_2:
0x21: {  	p0 =	sne.s32 s16, $0xF800;
	[sflag:s11] =	ssyncadd.s32 $0xFFFFD800;
	s17 =	sadd.s32 $0x500, s17  }
0x22: {  	[tilespmem:s12], [sflag:$0x1] =	stream.linear.gather [hbm4b:s17+s3], $0x2800, $0x38;
	[tilespmem:$0x1A800] =	vst v63  }
0x23: {  	s18 =	smov.u32 s16;
	s16 =	sadd.s32 $0x200, s16;
	_ =	swait.ge [sflag:s13], $0x2800  }
.Ltmp0:
0x24: {  	[sflag:s13] =	ssyncset.done $0x0;
	(pc) =	sbr.rel @p0 .LBB2_2-.Ltmp0, $4  }
0x25: {  	s18 =	sshra.s32 s18, $0x2;
	[sflag:s13] =	ssyncadd.s32 $0xFFFFD800  }
0x26: {  	[spmem:s2] =	stream.indirect.scatter.add.f32 [tilespmem:s12], [sflag:$0x2], $0x80, s18, s14, $0xb8;
	[tilespmem:$0x1A800] =	vst v63  }
0x27: {  	_ =	swait.ge [sflag:s11], $0x2800  }
0x28: {  	[sflag:s11] =	ssyncset.done $0x0  }
0x29: {  	s15 =	sadd.s32 $0x1, s15  }
0x2a: {  	[sflag:s11] =	ssyncadd.s32 $0xFFFFD800;
	p0 =	sne.s32 s15, s8  }
.Ltmp1:
0x2b: {  	[bflag:$0x0] =	sbarrier.arrive $0xFFFF;
	(pc) =	sbr.rel @p0 .LBB2_1-.Ltmp1, $4  }
0x2c: {  	[hbm:s7], [sflag:s5] =	dma.local [spmem:s10], $0x2800  }
0x2d: {  	_ =	swait.ge [sflag:s11], $0x2800  }
0x2e: {  	[sflag:s11] =	ssyncset.done $0x0  }
0x2f: {  	[sflag:s11] =	ssyncadd.s32 $0xFFFFD800  }
0x30: {  	_ =	sfence.sel $0x180000  }
0x31: {  	[bflag:$0x0] =	sbarrier.arrive $0xFFFF  }
0x32: {  	p0 =	sne.s32 s1, $0x0;
	_ =	strace $0x90000053  }
0x33: {  	s0 =	sadd.s32 @!p0 $0x100000, s0;
	[bflag:$0x2] =	sbarrier.arrive $0xFFFF  }
0x34: {  	[sflag:s0] =	ssyncadd.tile.s32 @!p0 $0x1;
	_ =	shalt  }
.Lfunc_end2:
_tile_overlayer_lowered:
.L_overlay_start_2:
0x35: {  	(tag) =	ssettag $0x2  }
0x36: {  	s0 =	rddreg [dreg:$0x0];
	s2 =	stileid.u32  }
0x37: {  	s1 =	rddreg [dreg:$0x1];
	p0 =	sne.s32 s2, $0x0  }
0x38: {  	s3 =	rddreg [dreg:$0x2];
	[bflag:$0x3] =	sbarrier.arrive $0xFFFF;
	s2 =	simm.s32 @!p0 $0x1C02  }
0x39: {  	[timem:s3], [sflag:s2] =	dma.local @!p0 [hbm:s0], s1  }
0x3a: {  	s0 =	simm.s32 @!p0 $0x2  }
0x3b: {  	_ =	swait.ge @!p0 [sflag:s0], s1  }
0x3c: {  	s1 =	ssub.s32 @!p0 $0x0, s1;
	[sflag:s0] =	ssyncset.done @!p0 $0x0  }
0x3d: {  	[sflag:s0] =	ssyncadd.s32 @!p0 s1  }
0x3e: {  	[bflag:$0x3] =	sbarrier.arrive $0xFFFF  }
0x3f: {  	_ =	shalt  }

// kernel: kernel.31.cloned.1.call-start
scs
__scs_entry_jumppad:
0x0: {  	(pc) =	sbr.rel $0x88, $3  }
0x1: {  	(tag) =	ssettag $0x0;
	lr =	simm.s32 $0x1  }
0x2: {  	[smem:$0x3F95] =	sst lr;
	_ =	strace $0xD0000000  }
0x3: {  	_ = 	snop  }
0x4: {  	_ = 	snop  }
0x5: {  	_ = 	snop  }
0x6: {  	_ = 	snop  }
0x7: {  	_ = 	snop  }
__scs_overlays_trampoline_lowered:
0x8: {  	[smem:$0x3FA4] =	sst s0  }
0x9: {  	[smem:$0x3FA5] =	sst s1  }
0xa: {  	[smem:$0x3FA6] =	sst s2  }
0xb: {  	[smem:$0x3FA7] =	sst s3  }
0xc: {  	[smem:$0x3FA8] =	sst s4  }
0xd: {  	[smem:$0x3FA9] =	sst s5  }
0xe: {  	[smem:$0x3FAA] =	sst s6  }
0xf: {  	[smem:$0x3FAB] =	sst s7  }
0x10: {  	[smem:$0x3FAC] =	sst s8  }
0x11: {  	[smem:$0x3FAD] =	sst s9;
	s0 =	simm.s32 @!p0 $0x0  }
0x12: {  	s1 =	sld [smem:$0x3F93];
	s0 =	simm.s32 @p0 $0x1  }
0x13: {  	[smem:$0x3FAE] =	sst s0;
	s0 =	simm.s32 @!p1 $0x0  }
0x14: {  	s2 =	sld [smem:$0x3F92];
	s0 =	simm.s32 @p1 $0x1  }
0x15: {  	[smem:$0x3FAF] =	sst s0;
	s0 =	simm.s32 @!p2 $0x0  }
0x16: {  	s3 =	sld [smem:$0x3FDB];
	s0 =	simm.s32 @p2 $0x1  }
0x17: {  	s4 =	simm.s32 $0x1BF5;
	[smem:$0x3FB1] =	sst s0  }
0x18: {  	s0 =	sld [smem:$0x3F94];
	_ =	swait.ge [sflag:s4], $0x0  }
0x19: {  	s7 =	sld [smem:$0x3F95]  }
0x1a: {  	s8 =	sadd.s32 $0xFFFFE003, lr  }
0x1b: {  	s9 =	sadd.s32 $0xFFFFFEF7, lr;
	s5 =	simm.s32 $0xFFFFFFFF;
	p2 =	slt.u32 s8, $0xFFFFF086  }
0x1c: {  	p1 =	slt.u32 s9, $0xF7A;
	s5 =	simm.s32 @!p2 $0x0  }
0x1d: {  	s5 =	simm.s32 @p1 $0x1;
	p0 =	seq.s32 s7, s2  }
0x1e: {  	s7 =	smul.u32 @!p0 $0xF7A, s2;
	p2 =	seq.s32 @!p0 s5, $0x0  }
0x1f: {  	s9 =	smul.u32 $0xF7A, s1;
	s8 =	simm.s32 @!p0 $0x1BF5;
	p2 =	por !p2, p0  }
0x20: {  	[sflag:s8] =	ssyncset.s32 @!p0 $0xFFFFF086;
	s6 =	sadd.s32 @!p0 s3, s7;
	s7 =	simm.s32 @!p0 $0x108  }
0x21: {  	s3 =	sadd.s32 s3, s9;
	s6 =	sadd.s32 @!p0 $0x88, s6;
	s7 =	simm.s32 @p2 $0x1082  }
0x22: {  	[simem:s7], [sflag:s8] =	dma.local @!p0 [hbm:s6], $0xF7A  }
0x23: {  	s9 =	sor.u32 $0xD0000000, s2;
	s6 =	simm.s32 $0x108;
	_ =	swait.ge @!p0 [sflag:s8], $0x0  }
0x24: {  	s3 =	sadd.s32 $0x88, s3;
	s6 =	simm.s32 @!p1 $0x1082;
	[sflag:s4] =	ssyncset.s32 $0xFFFFF086  }
0x25: {  	[simem:s6], [sflag:s4] =	dma.local [hbm:s3], $0xF7A  }
0x26: {  	[smem:$0x3F95] =	sst s1;
	(tag) =	ssettag s2;
	_ =	strace s9  }
0x27: {  	s1 =	sld [smem:$0x3FA5]  }
0x28: {  	s2 =	sld [smem:$0x3FA6]  }
0x29: {  	s4 =	sld [smem:$0x3FA8]  }
0x2a: {  	p0 =	seq.s32 s5, $0x0;
	s5 =	sld [smem:$0x3FA9]  }
0x2b: {  	s6 =	sld [smem:$0x3FAA]  }
0x2c: {  	s7 =	sld [smem:$0x3FAB]  }
0x2d: {  	s3 =	simm.s32 $0x108;
	s8 =	sld [smem:$0x3FAC]  }
0x2e: {  	s3 =	simm.s32 @!p0 $0x1082;
	s9 =	sld [smem:$0x3FAD]  }
0x2f: {  	lr =	sadd.s32 s0, s3;
	s0 =	sld [smem:$0x3FA4]  }
0x30: {  	s3 =	sld [smem:$0x3FA7]  }
0x31: {  	[smem:$0x3FB0] =	sst s10  }
0x32: {  	s10 =	sld [smem:$0x3FAE];
	_ =	sdelay $0x3  }
0x33: {  	p0 =	seq.s32 s10, $0x1;
	s10 =	sld [smem:$0x3FB0];
	_ =	sdelay $0x3  }
0x34: {  	[smem:$0x3FB0] =	sst s10  }
0x35: {  	s10 =	sld [smem:$0x3FAF];
	_ =	sdelay $0x3  }
0x36: {  	p1 =	seq.s32 s10, $0x1;
	s10 =	sld [smem:$0x3FB0];
	_ =	sdelay $0x3  }
0x37: {  	[smem:$0x3FB0] =	sst s10  }
0x38: {  	s10 =	sld [smem:$0x3FB1]  }
0x39: {  	_ = 	snop;
	(pc) =	sbr.ind lr, $3  }
0x3a: {  	_ = 	snop  }
0x3b: {  	_ = 	snop  }
0x3c: {  	p2 =	seq.s32 s10, $0x1;
	s10 =	sld [smem:$0x3FB0]  }
0x3d: {  	_ =	shalt  }
0x3e: {  	_ =	shalt  }
0x3f: {  	_ =	shalt  }
0x40: {  	_ =	shalt  }
0x41: {  	_ =	shalt  }
0x42: {  	_ =	shalt  }
0x43: {  	_ =	shalt  }
0x44: {  	_ =	shalt  }
0x45: {  	_ =	shalt  }
0x46: {  	_ =	shalt  }
0x47: {  	_ =	shalt  }
0x48: {  	_ =	shalt  }
0x49: {  	_ =	shalt  }
0x4a: {  	_ =	shalt  }
0x4b: {  	_ =	shalt  }
0x4c: {  	_ =	shalt  }
0x4d: {  	_ =	shalt  }
0x4e: {  	_ =	shalt  }
0x4f: {  	_ =	shalt  }
0x50: {  	_ =	shalt  }
0x51: {  	_ =	shalt  }
0x52: {  	_ =	shalt  }
0x53: {  	_ =	shalt  }
0x54: {  	_ =	shalt  }
0x55: {  	_ =	shalt  }
0x56: {  	_ =	shalt  }
0x57: {  	_ =	shalt  }
0x58: {  	_ =	shalt  }
0x59: {  	_ =	shalt  }
0x5a: {  	_ =	shalt  }
0x5b: {  	_ =	shalt  }
0x5c: {  	_ =	shalt  }
0x5d: {  	_ =	shalt  }
0x5e: {  	_ =	shalt  }
0x5f: {  	_ =	shalt  }
0x60: {  	_ =	shalt  }
0x61: {  	_ =	shalt  }
0x62: {  	_ =	shalt  }
0x63: {  	_ =	shalt  }
0x64: {  	_ =	shalt  }
0x65: {  	_ =	shalt  }
0x66: {  	_ =	shalt  }
0x67: {  	_ =	shalt  }
0x68: {  	_ =	shalt  }
0x69: {  	_ =	shalt  }
0x6a: {  	_ =	shalt  }
0x6b: {  	_ =	shalt  }
0x6c: {  	_ =	shalt  }
0x6d: {  	_ =	shalt  }
0x6e: {  	_ =	shalt  }
0x6f: {  	_ =	shalt  }
0x70: {  	_ =	shalt  }
0x71: {  	_ =	shalt  }
0x72: {  	_ =	shalt  }
0x73: {  	_ =	shalt  }
0x74: {  	_ =	shalt  }
0x75: {  	_ =	shalt  }
0x76: {  	_ =	shalt  }
0x77: {  	_ =	shalt  }
0x78: {  	_ =	shalt  }
0x79: {  	_ =	shalt  }
0x7a: {  	_ =	shalt  }
0x7b: {  	_ =	shalt  }
0x7c: {  	_ =	shalt  }
0x7d: {  	_ =	shalt  }
0x7e: {  	_ =	shalt  }
0x7f: {  	_ =	shalt  }
0x80: {  	_ =	shalt  }
0x81: {  	_ =	shalt  }
0x82: {  	_ =	shalt  }
0x83: {  	_ =	shalt  }
0x84: {  	_ =	shalt  }
0x85: {  	_ =	shalt  }
0x86: {  	_ =	shalt  }
0x87: {  	_ =	shalt  }
.Lfunc_end0:
.L_simem_size_0:
called_computation.5_lowered:
.L_overlay_start_0:
0x88: {  	s2 =	sld [smem:$0x3FD9]  }
0x89: {  	s3 =	sld [smem:$0x3FFE];
	_ =	sdelay $0x1  }
0x8a: {  	s1 =	srdreg.scid  }
0x8b: {  	s0 =	sand.u32 $0x1, s1  }
0x8c: {  	s16 =	sshll.u32 s0, $0xA;
	s2 =	sadd.s32 s3, s2  }
0x8d: {  	s2 =	sadd.s32 s2, s16  }
0x8e: {  	[smem:$0x3FBC] =	sst s2  }
0x8f: {  	_ = 	snop  }
0x90: {  	(tm) =	ssettm $0x1  }
0x91: {  	s17 =	sld [smem:$0x3FFB];
	_ =	sdelay $0x3  }
0x92: {  	_ =	strace s17  }
0x93: {  	s2 =	sld [smem:$0x3FFC];
	_ =	sdelay $0x3  }
0x94: {  	_ =	strace s2  }
0x95: {  	s2 =	sld [smem:$0x3FFD];
	_ =	sdelay $0x3  }
0x96: {  	_ =	strace s2  }
0x97: {  	_ =	strace $0x8FFFFFFF  }
0x98: {  	s18 =	sld [smem:$0x3FDB];
	_ =	sdelay $0x1  }
0x99: {  	s19 =	simm.s32 $_scs_section_size  }
0x9a: {  	s4 =	simm.s32 $_size__tile_overlayer_lowered;
	s5 =	simm.s32 $_tile_overlayer_lowered  }
0x9b: {  	s22 =	simm.s32 $0x1BFF;
	s21 =	sshll.u32 s5, $0x1;
	s2 =	sadd.s32 s19, s18  }
0x9c: {  	s6 =	simm.s32 $0x0;
	s20 =	sshll.u32 s4, $0x1;
	s4 =	sadd.s32 s21, s2  }
0x9d: {  	[timem:s6], [sflag:s22] =	dma.local [hbm:s4], s20  }
0x9e: {  	_ =	swait.ge [sflag:s22], s20  }
0x9f: {  	s3 =	ssub.s32 $0x0, s20;
	[sflag:s22] =	ssyncset.done $0x0  }
0xa0: {  	[sflag:s22] =	ssyncadd.s32 s3;
	_ =	sdelay $0x1  }
0xa1: {  	s23 =	simm.s32 $0x1B8B  }
0xa2: {  	_ =	swait.ge [sflag:s23], $0x1  }
0xa3: {  	[sflag:s23] =	ssyncset.done $0x0  }
0xa4: {  	s25 =	simm.s32 $0x1B8E;
	s24 =	sld [smem:$0x3FFE];
	[sflag:s23] =	ssyncadd.s32 $0xFFFFFFFF  }
0xa5: {  	s26 =	simm.s32 $execute0_lowered;
	[smem:$0x3FD2] =	sst s25  }
0xa6: {  	s4 =	sshll.u32 s26, $0x1;
	_ =	strace $0x80000055;
	[dreg:$0x1] =	wrdreg $0xFFFFFFFF  }
0xa7: {  	s28 =	simm.s32 $_size_execute0_lowered;
	s2 =	sadd.s32 s2, s4;
	[dreg:$0x0] =	wrdreg $0x0  }
0xa8: {  	s4 =	sshll.u32 s28, $0x1;
	[dreg:$0x2] =	wrdreg s2  }
0xa9: {  	[dreg:$0x3] =	wrdreg s4  }
0xaa: {  	[dreg:$0x4] =	wrdreg $0xC0  }
0xab: {  	_ =	task [dreg:s6], $0x5FFFF  }
0xac: {  	[dreg:$0x1] =	wrdreg $0xFFFFFFFF  }
0xad: {  	[dreg:$0x0] =	wrdreg $0x60  }
0xae: {  	[dreg:$0x2] =	wrdreg s24  }
0xaf: {  	[dreg:$0x3] =	wrdreg $0x9  }
0xb0: {  	_ =	task.clear_ibuf [dreg:s6], $0x4FFFF;
	_ =	strace $0x90000055  }
0xb1: {  	s29 =	simm.s32 $0x9;
	_ =	strace $0x80000057  }
0xb2: {  	_ =	swait.ge [sflag:s29], $0x1  }
0xb3: {  	[sflag:s29] =	ssyncadd.s32 $0xFFFFFFFF  }
0xb4: {  	_ =	strace $0x90000057  }
0xb5: {  	_ =	sfence  }
0xb6: {  	s30 =	sld [smem:$0x0];
	_ =	sdelay $0x2  }
0xb7: {  	s31 =	sshll.u32 s1, $0xD;
	s1 =	sshrl.u32 s1, $0x2  }
0xb8: {  	s3 =	sand.u32 $0x4000, s31;
	s1 =	sadd.s32 s1, s30  }
0xb9: {  	s0 =	sor.u32 s3, s0;
	s1 =	sshll.u32 s1, $0x11  }
0xba: {  	s0 =	sor.u32 s1, s0  }
0xbb: {  	s0 =	sadd.s32 $0x8F2B, s0  }
0xbc: {  	[sflag:s0] =	ssyncadd.remote.s32 $0x1  }
0xbd: {  	_ =	sfence.sel $0xFFFF  }
0xbe: {  	[dreg:$0x0] =	wrdreg $0xFFFFFFFF;
	(pc) =	sbr.abs _section_cstart, $3  }
0xbf: {  	[dreg:$0x1] =	wrdreg $0xFFFFFFFF  }
0xc0: {  	_ =	task.clear_ibuf [dreg:s6], $0x2FFFF;
	_ =	strace $0x9FFFFFFF  }
0xc1: {  	(tm) =	ssettm $0x7FFFFFFF  }
tec
execute0_lowered:
.L_overlay_start_1:
0x0: {  	(tag) =	ssettag $0x1  }
0x1: {  	s5 =	rddreg [dreg:$0x0]  }
0x2: {  	s0 =	rddreg [dreg:$0x1];
	s1 =	simm.s32 $0x0;
	s6 =	srdreg.scid  }
0x3: {  	s2 =	stileid.u32;
	s10 =	simm.s32 $0x3;
	s11 =	simm.s32 $0x4000  }
0x4: {  	s12 =	simm.s32 $0x50;
	s13 =	simm.s32 $0x8000;
	s14 =	simm.s32 $0xA800  }
0x5: {  	s15 =	simm.s32 $0x1;
	s16 =	simm.s32 $0x2;
	[smem:$0x7FF] =	sst s1  }
0x6: {  	s17 =	simm.s32 $0x0;
	s3 =	sadd.s32 $0xA53200, s5;
	s4 =	sadd.s32 $0xA7A400, s5  }
0x7: {  	s6 =	sand.u32 $0x1, s6;
	s7 =	sshll.u32 s2, $0xC;
	s9 =	smul.u32 $0x4E200, s2  }
0x8: {  	_ =	strace $0x80000056;
	s8 =	sshll.u32 s6, $0xB;
	s30 =	ssub.s32 $0x2, s6  }
0x9: {  	s6 =	smul.u32 $0x27100, s6;
	s7 =	sor.u32 s8, s7;
	s31 =	sshrl.u32 s30, $0x1  }
0xa: {  	s9 =	sadd.s32 s9, s5;
	s7 =	sadd.s32 s7, s5;
	s8 =	ssub.s32 s30, s31  }
0xb: {  	s9 =	sadd.s32 s6, s9;
	s5 =	sadd.s32 $0x9200, s7;
	s6 =	sadd.s32 $0x19200, s7  }
0xc: {  	s7 =	smax.u32 s8, $0x1;
	s8 =	sadd.s32 $0x3EC00, s9;
	s9 =	sadd.s32 $0x520C00, s9  }
.LBB2_1:
0xd: {  	[tilespmem:s1], [sflag:$0x3] =	stream.linear.gather [hbm4b:s5+s1], $0x3E80, $0x38;
	[tilespmem:$0xD000] =	vst v63  }
0xe: {  	_ =	swait.ge [sflag:s10], $0x3E80  }
0xf: {  	[sflag:s10] =	ssyncset.done $0x0  }
0x10: {  	[sflag:s10] =	ssyncadd.s32 $0xFFFFC180  }
0x11: {  	[tilespmem:s11], [sflag:$0x3] =	stream.linear.gather [hbm4b:s6+s1], $0x3E80, $0x38;
	[tilespmem:$0xD000] =	vst v63  }
0x12: {  	_ =	swait.ge [sflag:s10], $0x3E80  }
0x13: {  	[sflag:s10] =	ssyncset.done $0x0  }
0x14: {  	s18 =	simm.s32 $0x0;
	[sflag:s10] =	ssyncadd.s32 $0xFFFFC180  }
0x15: {  	[tilespmem:s13], [sflag:$0x1] =	stream.indirect.gather [hbm4b:s3+s12], $0x80, s18, s12, $0xb8;
	[tilespmem:$0xD000] =	vst v63  }
0x16: {  	s31 =	simm.s32 $0x4000  }
0x17: {  	[tilespmem:s14], [sflag:$0x2] =	stream.indirect.gather [hbm4b:s4+s12], $0x80, s31, s12, $0xb8;
	[tilespmem:$0xD000] =	vst v63  }
0x18: {  	_ =	swait.ge [sflag:s15], $0x2800  }
0x19: {  	[sflag:s15] =	ssyncset.done $0x0  }
0x1a: {  	[sflag:s15] =	ssyncadd.s32 $0xFFFFD800  }
0x1b: {  	_ =	swait.ge [sflag:s16], $0x2800  }
0x1c: {  	[sflag:s16] =	ssyncset.done $0x0  }
0x1d: {  	[sflag:s16] =	ssyncadd.s32 $0xFFFFD800  }
0x1e: {  	[hbm4b:s8+s1] =	stream.linear.scatter [tilespmem:s13], [sflag:$0x3], $0x2800, $0x38;
	[tilespmem:$0xD000] =	vst v63  }
0x1f: {  	_ =	swait.ge [sflag:s10], $0x2800  }
0x20: {  	[sflag:s10] =	ssyncset.done $0x0  }
0x21: {  	[sflag:s10] =	ssyncadd.s32 $0xFFFFD800  }
0x22: {  	[hbm4b:s9+s1] =	stream.linear.scatter [tilespmem:s14], [sflag:$0x3], $0x2800, $0x38;
	[tilespmem:$0xD000] =	vst v63  }
0x23: {  	s20 =	simm.s32 $0x200;
	s21 =	simm.s32 $0x400;
	_ =	swait.ge [sflag:s10], $0x2800  }
0x24: {  	s19 =	sadd.s32 $0x500, s8;
	s18 =	sadd.s32 $0x500, s9;
	[sflag:s10] =	ssyncset.done $0x0  }
.LBB2_2:
0x25: {  	s22 =	sshra.s32 s20, $0x2  }
0x26: {  	[sflag:s10] =	ssyncadd.s32 $0xFFFFD800;
	s20 =	smov.u32 s21;
	s23 =	sadd.s32 $0x200, s21  }
0x27: {  	[tilespmem:s13], [sflag:$0x1] =	stream.indirect.gather [hbm4b:s3+s12], $0x80, s22, s12, $0xb8;
	[tilespmem:$0xD000] =	vst v63  }
0x28: {  	p0 =	sne.s32 s21, $0xF800;
	s21 =	sadd.s32 $0x4000, s22  }
0x29: {  	[tilespmem:s14], [sflag:$0x2] =	stream.indirect.gather [hbm4b:s4+s12], $0x80, s21, s12, $0xb8;
	[tilespmem:$0xD000] =	vst v63  }
0x2a: {  	_ =	swait.ge [sflag:s15], $0x2800  }
0x2b: {  	[sflag:s15] =	ssyncset.done $0x0  }
0x2c: {  	[sflag:s15] =	ssyncadd.s32 $0xFFFFD800  }
0x2d: {  	_ =	swait.ge [sflag:s16], $0x2800  }
0x2e: {  	[sflag:s16] =	ssyncset.done $0x0  }
0x2f: {  	[sflag:s16] =	ssyncadd.s32 $0xFFFFD800  }
0x30: {  	[hbm4b:s19+s1] =	stream.linear.scatter [tilespmem:s13], [sflag:$0x3], $0x2800, $0x38;
	[tilespmem:$0xD000] =	vst v63  }
0x31: {  	_ =	swait.ge [sflag:s10], $0x2800  }
.Ltmp0:
0x32: {  	[sflag:s10] =	ssyncset.done $0x0;
	(pc) =	sbr.rel @p0 .LBB2_2-.Ltmp0, $4  }
0x33: {  	[sflag:s10] =	ssyncadd.s32 $0xFFFFD800  }
0x34: {  	[hbm4b:s18+s1] =	stream.linear.scatter [tilespmem:s14], [sflag:$0x3], $0x2800, $0x38;
	[tilespmem:$0xD000] =	vst v63  }
0x35: {  	s21 =	smov.u32 s23;
	_ =	swait.ge [sflag:s10], $0x2800  }
0x36: {  	s19 =	sadd.s32 $0x500, s19;
	s18 =	sadd.s32 $0x500, s18;
	[sflag:s10] =	ssyncset.done $0x0  }
0x37: {  	s20 =	sshra.s32 s20, $0x2;
	[sflag:s10] =	ssyncadd.s32 $0xFFFFD800  }
0x38: {  	[tilespmem:s13], [sflag:$0x1] =	stream.indirect.gather [hbm4b:s3+s12], $0x80, s20, s12, $0xb8;
	[tilespmem:$0xD000] =	vst v63  }
0x39: {  	s20 =	sadd.s32 $0x4000, s20  }
0x3a: {  	[tilespmem:s14], [sflag:$0x2] =	stream.indirect.gather [hbm4b:s4+s12], $0x80, s20, s12, $0xb8;
	[tilespmem:$0xD000] =	vst v63  }
0x3b: {  	_ =	swait.ge [sflag:s15], $0x2800  }
0x3c: {  	[sflag:s15] =	ssyncset.done $0x0  }
0x3d: {  	[sflag:s15] =	ssyncadd.s32 $0xFFFFD800  }
0x3e: {  	_ =	swait.ge [sflag:s16], $0x2800  }
0x3f: {  	[sflag:s16] =	ssyncset.done $0x0  }
0x40: {  	[sflag:s16] =	ssyncadd.s32 $0xFFFFD800  }
0x41: {  	[hbm4b:s19+s1] =	stream.linear.scatter [tilespmem:s13], [sflag:$0x3], $0x2800, $0x38;
	[tilespmem:$0xD000] =	vst v63  }
0x42: {  	s17 =	sadd.s32 $0x1, s17;
	_ =	swait.ge [sflag:s10], $0x2800  }
0x43: {  	p0 =	sne.s32 s17, s7;
	[sflag:s10] =	ssyncset.done $0x0  }
.Ltmp1:
0x44: {  	[sflag:s10] =	ssyncadd.s32 $0xFFFFD800;
	(pc) =	sbr.rel @p0 .LBB2_1-.Ltmp1, $4  }
0x45: {  	[hbm4b:s18+s1] =	stream.linear.scatter [tilespmem:s14], [sflag:$0x3], $0x2800, $0x38;
	[tilespmem:$0xD000] =	vst v63  }
0x46: {  	_ =	swait.ge [sflag:s10], $0x2800  }
0x47: {  	[sflag:s10] =	ssyncset.done $0x0  }
0x48: {  	[sflag:s10] =	ssyncadd.s32 $0xFFFFD800  }
0x49: {  	_ =	sfence.sel $0x180000  }
0x4a: {  	[bflag:$0x0] =	sbarrier.arrive $0xFFFF  }
0x4b: {  	p0 =	sne.s32 s2, $0x0;
	_ =	strace $0x90000056  }
0x4c: {  	s0 =	sadd.s32 @!p0 $0x100000, s0;
	[bflag:$0x2] =	sbarrier.arrive $0xFFFF  }
0x4d: {  	[sflag:s0] =	ssyncadd.tile.s32 @!p0 $0x1;
	_ =	shalt  }
.Lfunc_end2:
_tile_overlayer_lowered:
.L_overlay_start_2:
0x4e: {  	(tag) =	ssettag $0x2  }
0x4f: {  	s0 =	rddreg [dreg:$0x0];
	s2 =	stileid.u32  }
0x50: {  	s1 =	rddreg [dreg:$0x1];
	p0 =	sne.s32 s2, $0x0  }
0x51: {  	s3 =	rddreg [dreg:$0x2];
	[bflag:$0x3] =	sbarrier.arrive $0xFFFF;
	s2 =	simm.s32 @!p0 $0x1C03  }
0x52: {  	[timem:s3], [sflag:s2] =	dma.local @!p0 [hbm:s0], s1  }
0x53: {  	s0 =	simm.s32 @!p0 $0x3  }
0x54: {  	_ =	swait.ge @!p0 [sflag:s0], s1  }
0x55: {  	s1 =	ssub.s32 @!p0 $0x0, s1;
	[sflag:s0] =	ssyncset.done @!p0 $0x0  }
0x56: {  	[sflag:s0] =	ssyncadd.s32 @!p0 s1  }
0x57: {  	[bflag:$0x3] =	sbarrier.arrive $0xFFFF  }
0x58: {  	_ =	shalt  }

// kernel: kernel.34.cloned.1.call-start
scs
__scs_entry_jumppad:
0x0: {  	(pc) =	sbr.rel $0x88, $3  }
0x1: {  	(tag) =	ssettag $0x0;
	lr =	simm.s32 $0x1  }
0x2: {  	[smem:$0x3F95] =	sst lr;
	_ =	strace $0xD0000000  }
0x3: {  	_ = 	snop  }
0x4: {  	_ = 	snop  }
0x5: {  	_ = 	snop  }
0x6: {  	_ = 	snop  }
0x7: {  	_ = 	snop  }
__scs_overlays_trampoline_lowered:
0x8: {  	[smem:$0x3FA4] =	sst s0  }
0x9: {  	[smem:$0x3FA5] =	sst s1  }
0xa: {  	[smem:$0x3FA6] =	sst s2  }
0xb: {  	[smem:$0x3FA7] =	sst s3  }
0xc: {  	[smem:$0x3FA8] =	sst s4  }
0xd: {  	[smem:$0x3FA9] =	sst s5  }
0xe: {  	[smem:$0x3FAA] =	sst s6  }
0xf: {  	[smem:$0x3FAB] =	sst s7  }
0x10: {  	[smem:$0x3FAC] =	sst s8  }
0x11: {  	[smem:$0x3FAD] =	sst s9;
	s0 =	simm.s32 @!p0 $0x0  }
0x12: {  	s1 =	sld [smem:$0x3F93];
	s0 =	simm.s32 @p0 $0x1  }
0x13: {  	[smem:$0x3FAE] =	sst s0;
	s0 =	simm.s32 @!p1 $0x0  }
0x14: {  	s2 =	sld [smem:$0x3F92];
	s0 =	simm.s32 @p1 $0x1  }
0x15: {  	[smem:$0x3FAF] =	sst s0;
	s0 =	simm.s32 @!p2 $0x0  }
0x16: {  	s3 =	sld [smem:$0x3FDB];
	s0 =	simm.s32 @p2 $0x1  }
0x17: {  	s4 =	simm.s32 $0x1BF5;
	[smem:$0x3FB1] =	sst s0  }
0x18: {  	s0 =	sld [smem:$0x3F94];
	_ =	swait.ge [sflag:s4], $0x0  }
0x19: {  	s7 =	sld [smem:$0x3F95]  }
0x1a: {  	s8 =	sadd.s32 $0xFFFFE003, lr  }
0x1b: {  	s9 =	sadd.s32 $0xFFFFFEF7, lr;
	s5 =	simm.s32 $0xFFFFFFFF;
	p2 =	slt.u32 s8, $0xFFFFF086  }
0x1c: {  	p1 =	slt.u32 s9, $0xF7A;
	s5 =	simm.s32 @!p2 $0x0  }
0x1d: {  	s5 =	simm.s32 @p1 $0x1;
	p0 =	seq.s32 s7, s2  }
0x1e: {  	s7 =	smul.u32 @!p0 $0xF7A, s2;
	p2 =	seq.s32 @!p0 s5, $0x0  }
0x1f: {  	s9 =	smul.u32 $0xF7A, s1;
	s8 =	simm.s32 @!p0 $0x1BF5;
	p2 =	por !p2, p0  }
0x20: {  	[sflag:s8] =	ssyncset.s32 @!p0 $0xFFFFF086;
	s6 =	sadd.s32 @!p0 s3, s7;
	s7 =	simm.s32 @!p0 $0x108  }
0x21: {  	s3 =	sadd.s32 s3, s9;
	s6 =	sadd.s32 @!p0 $0x88, s6;
	s7 =	simm.s32 @p2 $0x1082  }
0x22: {  	[simem:s7], [sflag:s8] =	dma.local @!p0 [hbm:s6], $0xF7A  }
0x23: {  	s9 =	sor.u32 $0xD0000000, s2;
	s6 =	simm.s32 $0x108;
	_ =	swait.ge @!p0 [sflag:s8], $0x0  }
0x24: {  	s3 =	sadd.s32 $0x88, s3;
	s6 =	simm.s32 @!p1 $0x1082;
	[sflag:s4] =	ssyncset.s32 $0xFFFFF086  }
0x25: {  	[simem:s6], [sflag:s4] =	dma.local [hbm:s3], $0xF7A  }
0x26: {  	[smem:$0x3F95] =	sst s1;
	(tag) =	ssettag s2;
	_ =	strace s9  }
0x27: {  	s1 =	sld [smem:$0x3FA5]  }
0x28: {  	s2 =	sld [smem:$0x3FA6]  }
0x29: {  	s4 =	sld [smem:$0x3FA8]  }
0x2a: {  	p0 =	seq.s32 s5, $0x0;
	s5 =	sld [smem:$0x3FA9]  }
0x2b: {  	s6 =	sld [smem:$0x3FAA]  }
0x2c: {  	s7 =	sld [smem:$0x3FAB]  }
0x2d: {  	s3 =	simm.s32 $0x108;
	s8 =	sld [smem:$0x3FAC]  }
0x2e: {  	s3 =	simm.s32 @!p0 $0x1082;
	s9 =	sld [smem:$0x3FAD]  }
0x2f: {  	lr =	sadd.s32 s0, s3;
	s0 =	sld [smem:$0x3FA4]  }
0x30: {  	s3 =	sld [smem:$0x3FA7]  }
0x31: {  	[smem:$0x3FB0] =	sst s10  }
0x32: {  	s10 =	sld [smem:$0x3FAE];
	_ =	sdelay $0x3  }
0x33: {  	p0 =	seq.s32 s10, $0x1;
	s10 =	sld [smem:$0x3FB0];
	_ =	sdelay $0x3  }
0x34: {  	[smem:$0x3FB0] =	sst s10  }
0x35: {  	s10 =	sld [smem:$0x3FAF];
	_ =	sdelay $0x3  }
0x36: {  	p1 =	seq.s32 s10, $0x1;
	s10 =	sld [smem:$0x3FB0];
	_ =	sdelay $0x3  }
0x37: {  	[smem:$0x3FB0] =	sst s10  }
0x38: {  	s10 =	sld [smem:$0x3FB1]  }
0x39: {  	_ = 	snop;
	(pc) =	sbr.ind lr, $3  }
0x3a: {  	_ = 	snop  }
0x3b: {  	_ = 	snop  }
0x3c: {  	p2 =	seq.s32 s10, $0x1;
	s10 =	sld [smem:$0x3FB0]  }
0x3d: {  	_ =	shalt  }
0x3e: {  	_ =	shalt  }
0x3f: {  	_ =	shalt  }
0x40: {  	_ =	shalt  }
0x41: {  	_ =	shalt  }
0x42: {  	_ =	shalt  }
0x43: {  	_ =	shalt  }
0x44: {  	_ =	shalt  }
0x45: {  	_ =	shalt  }
0x46: {  	_ =	shalt  }
0x47: {  	_ =	shalt  }
0x48: {  	_ =	shalt  }
0x49: {  	_ =	shalt  }
0x4a: {  	_ =	shalt  }
0x4b: {  	_ =	shalt  }
0x4c: {  	_ =	shalt  }
0x4d: {  	_ =	shalt  }
0x4e: {  	_ =	shalt  }
0x4f: {  	_ =	shalt  }
0x50: {  	_ =	shalt  }
0x51: {  	_ =	shalt  }
0x52: {  	_ =	shalt  }
0x53: {  	_ =	shalt  }
0x54: {  	_ =	shalt  }
0x55: {  	_ =	shalt  }
0x56: {  	_ =	shalt  }
0x57: {  	_ =	shalt  }
0x58: {  	_ =	shalt  }
0x59: {  	_ =	shalt  }
0x5a: {  	_ =	shalt  }
0x5b: {  	_ =	shalt  }
0x5c: {  	_ =	shalt  }
0x5d: {  	_ =	shalt  }
0x5e: {  	_ =	shalt  }
0x5f: {  	_ =	shalt  }
0x60: {  	_ =	shalt  }
0x61: {  	_ =	shalt  }
0x62: {  	_ =	shalt  }
0x63: {  	_ =	shalt  }
0x64: {  	_ =	shalt  }
0x65: {  	_ =	shalt  }
0x66: {  	_ =	shalt  }
0x67: {  	_ =	shalt  }
0x68: {  	_ =	shalt  }
0x69: {  	_ =	shalt  }
0x6a: {  	_ =	shalt  }
0x6b: {  	_ =	shalt  }
0x6c: {  	_ =	shalt  }
0x6d: {  	_ =	shalt  }
0x6e: {  	_ =	shalt  }
0x6f: {  	_ =	shalt  }
0x70: {  	_ =	shalt  }
0x71: {  	_ =	shalt  }
0x72: {  	_ =	shalt  }
0x73: {  	_ =	shalt  }
0x74: {  	_ =	shalt  }
0x75: {  	_ =	shalt  }
0x76: {  	_ =	shalt  }
0x77: {  	_ =	shalt  }
0x78: {  	_ =	shalt  }
0x79: {  	_ =	shalt  }
0x7a: {  	_ =	shalt  }
0x7b: {  	_ =	shalt  }
0x7c: {  	_ =	shalt  }
0x7d: {  	_ =	shalt  }
0x7e: {  	_ =	shalt  }
0x7f: {  	_ =	shalt  }
0x80: {  	_ =	shalt  }
0x81: {  	_ =	shalt  }
0x82: {  	_ =	shalt  }
0x83: {  	_ =	shalt  }
0x84: {  	_ =	shalt  }
0x85: {  	_ =	shalt  }
0x86: {  	_ =	shalt  }
0x87: {  	_ =	shalt  }
.Lfunc_end0:
.L_simem_size_0:
called_computation.6_lowered:
.L_overlay_start_0:
0x88: {  	s2 =	sld [smem:$0x3FD9]  }
0x89: {  	s3 =	sld [smem:$0x3FFE];
	_ =	sdelay $0x1  }
0x8a: {  	s1 =	srdreg.scid  }
0x8b: {  	s0 =	sand.u32 $0x1, s1  }
0x8c: {  	s16 =	sshll.u32 s0, $0xA;
	s2 =	sadd.s32 s3, s2  }
0x8d: {  	s2 =	sadd.s32 s2, s16  }
0x8e: {  	[smem:$0x3FBC] =	sst s2  }
0x8f: {  	_ = 	snop  }
0x90: {  	(tm) =	ssettm $0x1  }
0x91: {  	s17 =	sld [smem:$0x3FFB];
	_ =	sdelay $0x3  }
0x92: {  	_ =	strace s17  }
0x93: {  	s2 =	sld [smem:$0x3FFC];
	_ =	sdelay $0x3  }
0x94: {  	_ =	strace s2  }
0x95: {  	s2 =	sld [smem:$0x3FFD];
	_ =	sdelay $0x3  }
0x96: {  	_ =	strace s2  }
0x97: {  	_ =	strace $0x8FFFFFFF  }
0x98: {  	s18 =	sld [smem:$0x3FDB];
	_ =	sdelay $0x1  }
0x99: {  	s19 =	simm.s32 $_scs_section_size  }
0x9a: {  	s4 =	simm.s32 $_size__tile_overlayer_lowered;
	s5 =	simm.s32 $_tile_overlayer_lowered  }
0x9b: {  	s22 =	simm.s32 $0x1BFF;
	s21 =	sshll.u32 s5, $0x1;
	s2 =	sadd.s32 s19, s18  }
0x9c: {  	s6 =	simm.s32 $0x0;
	s20 =	sshll.u32 s4, $0x1;
	s4 =	sadd.s32 s21, s2  }
0x9d: {  	[timem:s6], [sflag:s22] =	dma.local [hbm:s4], s20  }
0x9e: {  	_ =	swait.ge [sflag:s22], s20  }
0x9f: {  	s3 =	ssub.s32 $0x0, s20;
	[sflag:s22] =	ssyncset.done $0x0  }
0xa0: {  	[sflag:s22] =	ssyncadd.s32 s3;
	_ =	sdelay $0x1  }
0xa1: {  	s23 =	simm.s32 $0x1B8B  }
0xa2: {  	_ =	swait.ge [sflag:s23], $0x1  }
0xa3: {  	[sflag:s23] =	ssyncset.done $0x0  }
0xa4: {  	s25 =	simm.s32 $0x1B8E;
	s24 =	sld [smem:$0x3FFE];
	[sflag:s23] =	ssyncadd.s32 $0xFFFFFFFF  }
0xa5: {  	s26 =	simm.s32 $execute0_lowered;
	[smem:$0x3FD2] =	sst s25  }
0xa6: {  	s4 =	sshll.u32 s26, $0x1;
	_ =	strace $0x80000058;
	[dreg:$0x1] =	wrdreg $0xFFFFFFFF  }
0xa7: {  	s28 =	simm.s32 $_size_execute0_lowered;
	s2 =	sadd.s32 s2, s4;
	[dreg:$0x0] =	wrdreg $0x0  }
0xa8: {  	s4 =	sshll.u32 s28, $0x1;
	[dreg:$0x2] =	wrdreg s2  }
0xa9: {  	[dreg:$0x3] =	wrdreg s4  }
0xaa: {  	[dreg:$0x4] =	wrdreg $0xC0  }
0xab: {  	_ =	task [dreg:s6], $0x5FFFF  }
0xac: {  	[dreg:$0x1] =	wrdreg $0xFFFFFFFF  }
0xad: {  	[dreg:$0x0] =	wrdreg $0x60  }
0xae: {  	[dreg:$0x2] =	wrdreg s24  }
0xaf: {  	[dreg:$0x3] =	wrdreg $0x68000  }
0xb0: {  	[dreg:$0x4] =	wrdreg $0x9  }
0xb1: {  	_ =	task.clear_ibuf [dreg:s6], $0x5FFFF;
	_ =	strace $0x90000058  }
0xb2: {  	s29 =	simm.s32 $0x9;
	_ =	strace $0x8000005A  }
0xb3: {  	_ =	swait.ge [sflag:s29], $0x1  }
0xb4: {  	[sflag:s29] =	ssyncadd.s32 $0xFFFFFFFF  }
0xb5: {  	_ =	strace $0x9000005A  }
0xb6: {  	_ =	sfence  }
0xb7: {  	s30 =	sld [smem:$0x0];
	_ =	sdelay $0x2  }
0xb8: {  	s31 =	sshll.u32 s1, $0xD;
	s1 =	sshrl.u32 s1, $0x2  }
0xb9: {  	s3 =	sand.u32 $0x4000, s31;
	s1 =	sadd.s32 s1, s30  }
0xba: {  	s0 =	sor.u32 s3, s0;
	s1 =	sshll.u32 s1, $0x11  }
0xbb: {  	s0 =	sor.u32 s1, s0  }
0xbc: {  	s0 =	sadd.s32 $0x8F2B, s0  }
0xbd: {  	[sflag:s0] =	ssyncadd.remote.s32 $0x1  }
0xbe: {  	_ =	sfence.sel $0xFFFF  }
0xbf: {  	[dreg:$0x0] =	wrdreg $0xFFFFFFFF;
	(pc) =	sbr.abs _section_cstart, $3  }
0xc0: {  	[dreg:$0x1] =	wrdreg $0xFFFFFFFF  }
0xc1: {  	_ =	task.clear_ibuf [dreg:s6], $0x2FFFF;
	_ =	strace $0x9FFFFFFF  }
0xc2: {  	(tm) =	ssettm $0x7FFFFFFF  }
0xc3: {  	_ =	shalt  }
tec
execute0_lowered:
.L_overlay_start_1:
0x0: {  	(tag) =	ssettag $0x1  }
0x1: {  	s4 =	rddreg [dreg:$0x0]  }
0x2: {  	s2 =	rddreg [dreg:$0x1]  }
0x3: {  	s0 =	rddreg [dreg:$0x2];
	s1 =	stileid.u32  }
0x4: {  	s3 =	simm.s32 $0x0;
	s6 =	srdreg.scid;
	s13 =	simm.s32 $0x1  }
0x5: {  	s14 =	simm.s32 $0x50;
	s15 =	simm.s32 $0x0;
	s5 =	smul.u32 $0x4E200, s1  }
0x6: {  	[smem:$0x7FF] =	sst s3;
	s6 =	sand.u32 $0x1, s6;
	s7 =	smul.u32 $0x14000, s1  }
0x7: {  	s8 =	sshll.u32 s1, $0xC;
	s26 =	smul.u32 $0x50000, s1;
	s31 =	sshll.u32 s1, $0x6  }
0x8: {  	s9 =	sshll.u32 s6, $0xB;
	s10 =	smul.u32 $0x140000, s6;
	_ =	strace $0x80000059  }
0x9: {  	s25 =	ssub.s32 $0x2, s6;
	s30 =	smul.u32 $0x27100, s6;
	s11 =	sadd.s32 s5, s4  }
0xa: {  	s23 =	sor.u32 s9, s8;
	s24 =	sshrl.u32 s7, $0x3;
	s28 =	sshrl.u32 s25, $0x1  }
0xb: {  	s29 =	sshrl.u32 s26, $0x2;
	s8 =	sadd.s32 s23, s4;
	s7 =	sadd.s32 s7, s10  }
0xc: {  	s5 =	sadd.s32 s24, s4;
	s9 =	ssub.s32 s25, s28;
	s12 =	sadd.s32 s29, s2  }
0xd: {  	s10 =	sadd.s32 s30, s11;
	s11 =	simm.s32 $0x2;
	s7 =	sshrl.u32 s7, $0x3  }
0xe: {  	s6 =	sadd.s32 $0x19200, s8;
	s8 =	smax.u32 s9, $0x1;
	s9 =	sadd.s32 $0x1045A00, s10  }
0xf: {  	s10 =	sshrl.u32 s12, $0x3;
	s7 =	sadd.s32 s7, s4;
	s4 =	sadd.s32 $0xA2B200, s5  }
0x10: {  	s12 =	simm.s32 $0x4000;
	s5 =	sor.u32 $0x1C02, s31;
	s7 =	sadd.s32 $0xA53200, s7  }
.LBB2_1:
0x11: {  	[spmem:s10], [sflag:s5] =	dma.local [hbm:s4], $0x2800  }
0x12: {  	_ =	swait.ge [sflag:s11], $0x2800  }
0x13: {  	[sflag:s11] =	ssyncset.done $0x0  }
0x14: {  	[sflag:s11] =	ssyncadd.s32 $0xFFFFD800  }
0x15: {  	[tilespmem:s3], [sflag:$0x2] =	stream.linear.gather [hbm4b:s6+s3], $0x3E80, $0x38;
	[tilespmem:$0x1A800] =	vst v63  }
0x16: {  	_ =	swait.ge [sflag:s11], $0x3E80  }
0x17: {  	[sflag:s11] =	ssyncset.done $0x0  }
0x18: {  	[sflag:s11] =	ssyncadd.s32 $0xFFFFC180  }
0x19: {  	[bflag:$0x0] =	sbarrier.arrive $0xFFFF  }
0x1a: {  	[tilespmem:s12], [sflag:$0x1] =	stream.linear.gather [hbm4b:s9+s3], $0x2800, $0x38;
	[tilespmem:$0x1A800] =	vst v63  }
0x1b: {  	_ =	swait.ge [sflag:s13], $0x2800  }
0x1c: {  	[sflag:s13] =	ssyncset.done $0x0  }
0x1d: {  	s16 =	simm.s32 $0x0;
	[sflag:s13] =	ssyncadd.s32 $0xFFFFD800  }
0x1e: {  	[spmem:s2] =	stream.indirect.scatter.add.f32 [tilespmem:s12], [sflag:$0x2], $0x80, s16, s14, $0xb8;
	[tilespmem:$0x1A800] =	vst v63  }
0x1f: {  	_ =	swait.ge [sflag:s11], $0x2800  }
0x20: {  	s17 =	smov.u32 s9;
	s16 =	simm.s32 $0x200;
	[sflag:s11] =	ssyncset.done $0x0  }
.LBB2_2:
0x21: {  	p0 =	sne.s32 s16, $0xF800;
	[sflag:s11] =	ssyncadd.s32 $0xFFFFD800;
	s17 =	sadd.s32 $0x500, s17  }
0x22: {  	[tilespmem:s12], [sflag:$0x1] =	stream.linear.gather [hbm4b:s17+s3], $0x2800, $0x38;
	[tilespmem:$0x1A800] =	vst v63  }
0x23: {  	s18 =	smov.u32 s16;
	s16 =	sadd.s32 $0x200, s16;
	_ =	swait.ge [sflag:s13], $0x2800  }
.Ltmp0:
0x24: {  	[sflag:s13] =	ssyncset.done $0x0;
	(pc) =	sbr.rel @p0 .LBB2_2-.Ltmp0, $4  }
0x25: {  	s18 =	sshra.s32 s18, $0x2;
	[sflag:s13] =	ssyncadd.s32 $0xFFFFD800  }
0x26: {  	[spmem:s2] =	stream.indirect.scatter.add.f32 [tilespmem:s12], [sflag:$0x2], $0x80, s18, s14, $0xb8;
	[tilespmem:$0x1A800] =	vst v63  }
0x27: {  	_ =	swait.ge [sflag:s11], $0x2800  }
0x28: {  	[sflag:s11] =	ssyncset.done $0x0  }
0x29: {  	s15 =	sadd.s32 $0x1, s15  }
0x2a: {  	[sflag:s11] =	ssyncadd.s32 $0xFFFFD800;
	p0 =	sne.s32 s15, s8  }
.Ltmp1:
0x2b: {  	[bflag:$0x0] =	sbarrier.arrive $0xFFFF;
	(pc) =	sbr.rel @p0 .LBB2_1-.Ltmp1, $4  }
0x2c: {  	[hbm:s7], [sflag:s5] =	dma.local [spmem:s10], $0x2800  }
0x2d: {  	_ =	swait.ge [sflag:s11], $0x2800  }
0x2e: {  	[sflag:s11] =	ssyncset.done $0x0  }
0x2f: {  	[sflag:s11] =	ssyncadd.s32 $0xFFFFD800  }
0x30: {  	_ =	sfence.sel $0x180000  }
0x31: {  	[bflag:$0x0] =	sbarrier.arrive $0xFFFF  }
0x32: {  	p0 =	sne.s32 s1, $0x0;
	_ =	strace $0x90000059  }
0x33: {  	s0 =	sadd.s32 @!p0 $0x100000, s0;
	[bflag:$0x2] =	sbarrier.arrive $0xFFFF  }
0x34: {  	[sflag:s0] =	ssyncadd.tile.s32 @!p0 $0x1;
	_ =	shalt  }
.Lfunc_end2:
_tile_overlayer_lowered:
.L_overlay_start_2:
0x35: {  	(tag) =	ssettag $0x2  }
0x36: {  	s0 =	rddreg [dreg:$0x0];
	s2 =	stileid.u32  }
0x37: {  	s1 =	rddreg [dreg:$0x1];
	p0 =	sne.s32 s2, $0x0  }
0x38: {  	s3 =	rddreg [dreg:$0x2];
	[bflag:$0x3] =	sbarrier.arrive $0xFFFF;
	s2 =	simm.s32 @!p0 $0x1C02  }
0x39: {  	[timem:s3], [sflag:s2] =	dma.local @!p0 [hbm:s0], s1  }
0x3a: {  	s0 =	simm.s32 @!p0 $0x2  }
0x3b: {  	_ =	swait.ge @!p0 [sflag:s0], s1  }
0x3c: {  	s1 =	ssub.s32 @!p0 $0x0, s1;
	[sflag:s0] =	ssyncset.done @!p0 $0x0  }
0x3d: {  	[sflag:s0] =	ssyncadd.s32 @!p0 s1  }
0x3e: {  	[bflag:$0x3] =	sbarrier.arrive $0xFFFF  }
0x3f: {  	_ =	shalt  }

</sc_bundles>
